<compile_context>
chip_gen: v7x
topology: tpu7x:2x2x1
jax: 0.10.2.dev20260603
libtpu: 0.0.44.dev20260713+nightly
codegen_flags: <defaults>
</compile_context>

<pallas_src>
import functools

import jax
import jax.numpy as jnp
from jax import lax
from jax.experimental import pallas as pl
from jax.experimental.pallas import tpu as pltpu
from jax.experimental.pallas import tpu_sc as plsc

_NC, _NS = 2, 16
_NW = _NC * _NS
_L = 16


def _sc_scatter_tables(inserts, last_action):
    b, s = inserts.shape
    rpw = b // _NW
    mesh = plsc.VectorSubcoreMesh(
        core_axis_name="c", subcore_axis_name="s", num_cores=_NC, num_subcores=_NS
    )

    @functools.partial(
        pl.kernel,
        out_type=jax.ShapeDtypeStruct((_NW, s, s), jnp.int32),
        mesh=mesh,
        scratch_types=[
            pltpu.VMEM((rpw, s), jnp.int32),
            pltpu.VMEM((rpw,), jnp.int32),
            pltpu.VMEM((s, s), jnp.int32),
            pltpu.SemaphoreType.DMA,
        ],
        compiler_params=pltpu.CompilerParams(needs_layout_passes=False),
    )
    def sc_kernel(ins_hbm, la_hbm, out_hbm, ins_buf, la_buf, table, sem):
        cid = lax.axis_index("c")
        sid = lax.axis_index("s")
        wid = sid * _NC + cid
        rbase = wid * rpw
        lanes = lax.iota(jnp.int32, _L)
        neg1 = jnp.full((_L,), -1, jnp.int32)

        pltpu.sync_copy(ins_hbm.at[pl.ds(rbase, rpw)], ins_buf)
        pltpu.sync_copy(la_hbm.at[pl.ds(rbase, rpw)], la_buf)

        def init_body(t, _):
            for jb in range(s // _L):
                table[t, pl.ds(jb * _L, _L)] = neg1
            return 0

        lax.fori_loop(0, s, init_body, 0)

        start = jnp.where(wid == 0, s // _L, 0)

        def grp_body(g, _):
            lavec = la_buf[pl.ds(g * _L, _L)]
            for q in range(_L):
                rr = g * _L + q
                code = jnp.full((_L,), (rbase + rr) * s + lavec[q], jnp.int32)
                for jb in range(s // _L):
                    cvals = ins_buf[rr, pl.ds(jb * _L, _L)]
                    jvals = lanes + jb * _L
                    plsc.store_scatter(table, [jvals, cvals], code)
            return 0

        lax.fori_loop(start, rpw // _L, grp_body, 0)
        pltpu.sync_copy(table, out_hbm.at[wid])

    return sc_kernel(inserts, last_action)


def _tc_body(bt_ref, insT_ref, codes_ref, x_ref, y_ref, out_ref, r_ref,
             bigp_ref, rank_ref, rnm_ref):
    s = out_ref.shape[0]
    f32 = jnp.float32
    cd = (((1,), (0,)), ((), ()))
    ct = (((1,), (1,)), ((), ()))

    sub_i = lax.broadcasted_iota(jnp.int32, (s, s), 0)
    lane_i = lax.broadcasted_iota(jnp.int32, (s, s), 1)
    sub_f = sub_i.astype(f32)
    lane_f = lane_i.astype(f32)
    eye = jnp.where(sub_i == lane_i, 1.0, 0.0).astype(f32)
    dmat = eye - jnp.where(sub_i == ((lane_i + 1) & (s - 1)), 1.0, 0.0)
    lane_row = lane_f[0:1, :]
    ones_row = jnp.full((1, s), 1.0, f32)
    tri = sub_i < lane_i
    DEF = lax.Precision.DEFAULT
    HI = lax.Precision.HIGHEST
    lane_colf = lax.dot_general(eye, lane_row, ct, preferred_element_type=f32,
                                precision=HI)
    ones_col = lax.dot_general(eye, ones_row, ct, preferred_element_type=f32,
                               precision=HI)

    acc = bt_ref[0]
    for w in range(1, bt_ref.shape[0]):
        acc = jnp.maximum(acc, bt_ref[w])
    bigp_ref[...] = acc

    rank_ref[...] = lane_f

    def body(i, _):
        idxv = insT_ref[pl.ds(i, 1), :]
        idxc = lax.dot_general(eye, idxv, ct, preferred_element_type=f32,
                               precision=DEF)
        eqf = jnp.where(rank_ref[...] == idxc, 1.0, 0.0)
        kth = lax.dot_general(eqf, lane_colf, cd, preferred_element_type=f32,
                              precision=DEF)
        contrib = jnp.where(kth == lane_f, codes_ref[...], -1.0)
        win = jnp.max(contrib, axis=0, keepdims=True)
        col = jnp.where(i == 0, 0, s - i)
        bigrow = bigp_ref[pl.ds(col, 1), :].astype(f32)
        rowcode = jnp.maximum(win, bigrow)
        val = rowcode - jnp.floor(rowcode * (1.0 / s)) * s
        val = jnp.where(rowcode >= 0, val, 0.0)
        out_ref[pl.ds(i, 1), :] = val.astype(jnp.int32)
        valc = lax.dot_general(eye, val, ct, preferred_element_type=f32,
                               precision=DEF)
        lessm = (valc < val) | ((valc == val) & tri)
        rank_ref[pl.ds(i, 1), :] = lax.dot_general(
            ones_row, jnp.where(lessm, 1.0, 0.0), cd,
            preferred_element_type=f32, precision=DEF)
        return 0

    lax.fori_loop(0, s, body, 0)

    def rbody(t, _):
        for u in range(8):
            i = t * 8 + u
            outv = out_ref[pl.ds(i, 1), :].astype(f32)
            ohr = jnp.where(sub_f == outv, 1.0, 0.0)
            sx = lax.dot_general(x_ref[pl.ds(i, 1), :], ohr, cd,
                                 preferred_element_type=f32, precision=DEF)
            sy = lax.dot_general(y_ref[pl.ds(i, 1), :], ohr, cd,
                                 preferred_element_type=f32, precision=DEF)
            dx = lax.dot_general(sx, dmat, cd, preferred_element_type=f32,
                                 precision=DEF)
            dy = lax.dot_general(sy, dmat, cd, preferred_element_type=f32,
                                 precision=DEF)
            rnm_ref[pl.ds(i, 1), :] = jnp.sqrt(dx * dx + dy * dy)
        return 0

    lax.fori_loop(0, s // 8, rbody, 0)

    rcol = lax.dot_general(rnm_ref[...], ones_col, cd,
                           preferred_element_type=f32, precision=HI)
    r_ref[...] = lax.dot_general(rcol, eye, (((0,), (0,)), ((), ())),
                                 preferred_element_type=f32, precision=HI)


def _tc_sequential(tables, insT, codes, x, y):
    s = insT.shape[0]
    return pl.pallas_call(
        _tc_body,
        out_shape=(
            jax.ShapeDtypeStruct((s, s), jnp.int32),
            jax.ShapeDtypeStruct((1, s), jnp.float32),
        ),
        scratch_shapes=[
            pltpu.VMEM((s, s), jnp.int32),
            pltpu.VMEM((s, s), jnp.float32),
            pltpu.VMEM((s, s), jnp.float32),
        ],
    )(tables, insT, codes, x, y)


def kernel(inputs, probs, actions, inserts):
    b, s = actions.shape
    last_action = actions[:, -1]
    tables = _sc_scatter_tables(inserts, last_action)
    perm = (s - jnp.arange(s)) % s
    ins_top_t = inserts[:s].T[perm].astype(jnp.float32)
    codes = (jnp.arange(s, dtype=jnp.int32) * s
             + last_action[:s]).astype(jnp.float32).reshape(s, 1)
    x = inputs[:s, :, 0]
    y = inputs[:s, :, 1]
    out_small, r_small = _tc_sequential(tables, ins_top_t, codes, x, y)
    actions_r = jnp.concatenate(
        [out_small, jnp.zeros((b - s, s), jnp.int32)], axis=0)
    r_full = jnp.concatenate(
        [r_small.reshape(s), jnp.zeros((b - s,), jnp.float32)], axis=0)
    return (r_full, probs, actions_r)

# --- scband reference (transcript-rebuilt; emitter-appended) ---
"""Pipeline reference for scband-solver-16544214024432 (READ-ONLY COPY).

The authoritative reference and input builder live on the scoring server;
editing this copy changes nothing except your own understanding.
"""

import jax, jax.numpy as jnp
import numpy as np

B, S = 16384, 128

def _safe_norm(d):
    sq = jnp.sum(d * d, axis=-1)
    n = jnp.sqrt(jnp.where(sq == 0, 1.0, sq))
    return jnp.where(sq == 0, 0.0, n)

def setup_inputs(seed: int = 0) -> dict:
    key = jax.random.key(seed)
    k1, k2, k3, k4 = jax.random.split(key, 4)
    inputs = jax.random.normal(k1, (B, S, 2), dtype=jnp.float32)
    probs = jax.random.uniform(k2, (B, S), dtype=jnp.float32)
    actions = jax.random.randint(k3, (B, S), 0, S, dtype=jnp.int32)
    inserts = jax.random.randint(k4, (B, S), 0, S, dtype=jnp.int32)
    return {"inputs": inputs, "probs": probs, "actions": actions, "inserts": inserts}

def _reorder(actions, inserts):
    b, s = actions.shape
    output = jnp.zeros((b, s), dtype=actions.dtype)
    rows = jnp.arange(b)
    last_action = actions[:, -1]
    for i in range(s):
        # torch: inserts[:, -i]; for i==0 this is column 0
        idx = inserts[:, (s - i) % s]
        order = jnp.argsort(output, axis=-1)  # kthvalue via sort indices
        kth = order[rows, idx]
        output = output.at[i, kth].set(last_action)
    return output

def _reward(sample_solution):
    # sum of consecutive segment lengths + wrap-around segment (same math as the torch loop)
    diffs = sample_solution[:, :-1, :] - sample_solution[:, 1:, :]
    tour_len = jnp.sum(_safe_norm(diffs), axis=1)
    tour_len = tour_len + _safe_norm(sample_solution[:, -1, :] - sample_solution[:, 0, :])
    return tour_len

def reference(inputs, probs, actions, inserts):
    actions_r = _reorder(actions, inserts)
    gather_idx = jnp.broadcast_to(actions_r[:, :, None], (actions_r.shape[0], actions_r.shape[1], 2))
    sample = jnp.take_along_axis(inputs, gather_idx, axis=1)
    R = _reward(sample)
    return (R, probs, actions_r)

if __name__ == "__main__":
    import jax
    _d = setup_inputs()
    print(jax.jit(kernel)(*tuple(_d.values())))

</pallas_src>

<mosaic_0001>
#map = affine_map<(d0, d1) -> (0, 0)>
#map1 = affine_map<(d0, d1) -> (0)>
#map2 = affine_map<(d0, d1) -> (0, 0, 0)>
module attributes {stable_mosaic.version = 14 : i64} {
  func.func @sc_kernel(%arg0: i32, %arg1: i32, %arg2: memref<16384x128xi32, #tpu.memory_space<hbm>>, %arg3: memref<16384xi32, #tpu.memory_space<hbm>>, %arg4: memref<32x128x128xi32, #tpu.memory_space<hbm>>, %arg5: memref<512x128xi32, #tpu.memory_space<vmem>>, %arg6: memref<512xi32, #tpu.memory_space<vmem>>, %arg7: memref<128x128xi32, #tpu.memory_space<vmem>>, %arg8: memref<!tpu.dma_semaphore, #tpu.memory_space<semaphore_mem>>) attributes {dimension_semantics = [#tpu.dimension_semantics<core_parallel>, #tpu.dimension_semantics<subcore_parallel>], iteration_bounds = array<i64: 2, 16>, scalar_prefetch = 0 : i64, scratch_operands = 4 : i64, tpu.core_type = #tpu.core_type<sc_vector_subcore>, window_params = [{transform_indices = #map}, {transform_indices = #map1}, {transform_indices = #map2}]} {
    %mul3A = arith.constant 2 : i32
    %mul3A_0 = arith.muli %arg1, %mul3A : i32
    %add3A = arith.addi %mul3A_0, %arg0 : i32
    %mul3A_1 = arith.constant 512 : i32
    %mul3A_2 = arith.muli %add3A, %mul3A_1 : i32
    %iota3A = tpu.iota {dimensions = array<i32: 0>} : vector<16xi32>
    %broadcast_in_dim3A = arith.constant -1 : i32
    %broadcast_in_dim3A_3 = vector.broadcast %broadcast_in_dim3A : i32 to vector<16xi32>
    "tpu.region"() ({
      %run_scoped3A = tpu.sem_alloc : memref<!tpu.dma_semaphore, #tpu.memory_space<semaphore_mem>>
      %dma_start3A = arith.constant 0 : i32
      %dma_start3A_23 = tpu.memref_slice %arg2[%mul3A_2, %dma_start3A] : memref<16384x128xi32, #tpu.memory_space<hbm>> -> memref<512x128xi32, #tpu.memory_space<hbm>>
      %dma_start3A_24 = arith.constant 0 : i32
      %dma_start3A_25 = tpu.memref_slice %arg2[%mul3A_2, %dma_start3A_24] : memref<16384x128xi32, #tpu.memory_space<hbm>> -> memref<512x128xi32, #tpu.memory_space<hbm>>
      tpu.enqueue_dma source(%dma_start3A_25 : memref<512x128xi32, #tpu.memory_space<hbm>>) target(%arg5 : memref<512x128xi32, #tpu.memory_space<vmem>>) target_semaphore(%run_scoped3A : memref<!tpu.dma_semaphore, #tpu.memory_space<semaphore_mem>>)
      %dma_wait3A = arith.constant 0 : i32
      %dma_wait3A_26 = tpu.memref_slice %arg2[%mul3A_2, %dma_wait3A] : memref<16384x128xi32, #tpu.memory_space<hbm>> -> memref<512x128xi32, #tpu.memory_space<hbm>>
      %dma_wait3A_27 = arith.constant 0 : i32
      %dma_wait3A_28 = tpu.memref_slice %arg2[%mul3A_2, %dma_wait3A_27] : memref<16384x128xi32, #tpu.memory_space<hbm>> -> memref<512x128xi32, #tpu.memory_space<hbm>>
      tpu.wait_dma2 semaphore(%run_scoped3A : memref<!tpu.dma_semaphore, #tpu.memory_space<semaphore_mem>>) src(%dma_wait3A_28 : memref<512x128xi32, #tpu.memory_space<hbm>>) dst(%arg5 : memref<512x128xi32, #tpu.memory_space<vmem>>)
      tpu.yield
    }) : () -> ()
    "tpu.region"() ({
      %run_scoped3A = tpu.sem_alloc : memref<!tpu.dma_semaphore, #tpu.memory_space<semaphore_mem>>
      %dma_start3A = tpu.memref_slice %arg3[%mul3A_2] : memref<16384xi32, #tpu.memory_space<hbm>> -> memref<512xi32, #tpu.memory_space<hbm>>
      %dma_start3A_23 = tpu.memref_slice %arg3[%mul3A_2] : memref<16384xi32, #tpu.memory_space<hbm>> -> memref<512xi32, #tpu.memory_space<hbm>>
      tpu.enqueue_dma source(%dma_start3A_23 : memref<512xi32, #tpu.memory_space<hbm>>) target(%arg6 : memref<512xi32, #tpu.memory_space<vmem>>) target_semaphore(%run_scoped3A : memref<!tpu.dma_semaphore, #tpu.memory_space<semaphore_mem>>)
      %dma_wait3A = tpu.memref_slice %arg3[%mul3A_2] : memref<16384xi32, #tpu.memory_space<hbm>> -> memref<512xi32, #tpu.memory_space<hbm>>
      %dma_wait3A_24 = tpu.memref_slice %arg3[%mul3A_2] : memref<16384xi32, #tpu.memory_space<hbm>> -> memref<512xi32, #tpu.memory_space<hbm>>
      tpu.wait_dma2 semaphore(%run_scoped3A : memref<!tpu.dma_semaphore, #tpu.memory_space<semaphore_mem>>) src(%dma_wait3A_24 : memref<512xi32, #tpu.memory_space<hbm>>) dst(%arg6 : memref<512xi32, #tpu.memory_space<vmem>>)
      tpu.yield
    }) : () -> ()
    %scan3A = arith.constant 0 : i32
    %scan3A_4 = arith.constant 0 : i32
    %scan3A_5 = arith.constant 128 : i32
    %scan3A_6 = arith.addi %scan3A_4, %scan3A_5 : i32
    %scan3A_7 = arith.constant 1 : i32
    %scan3A_8 = scf.for %scan3A_23 = %scan3A_4 to %scan3A_6 step %scan3A_7 iter_args(%scan3A_24 = %scan3A) -> (i32)  : i32 {
      %swap3A = arith.index_cast %scan3A_23 : i32 to index
      %swap3A_25 = arith.constant 0 : index
      %swap3A_26 = tpu.vector_load %arg7[%swap3A, %swap3A_25] {strides = array<i32>} : memref<128x128xi32, #tpu.memory_space<vmem>>, vector<16xi32>,
      tpu.vector_store %arg7[%swap3A, %swap3A_25], %broadcast_in_dim3A_3 {strides = array<i32>} : memref<128x128xi32, #tpu.memory_space<vmem>>, vector<16xi32>,
      %swap3A_27 = arith.index_cast %scan3A_23 : i32 to index
      %swap3A_28 = arith.constant 16 : index
      %swap3A_29 = tpu.vector_load %arg7[%swap3A_27, %swap3A_28] {strides = array<i32>} : memref<128x128xi32, #tpu.memory_space<vmem>>, vector<16xi32>,
      tpu.vector_store %arg7[%swap3A_27, %swap3A_28], %broadcast_in_dim3A_3 {strides = array<i32>} : memref<128x128xi32, #tpu.memory_space<vmem>>, vector<16xi32>,
      %swap3A_30 = arith.index_cast %scan3A_23 : i32 to index
      %swap3A_31 = arith.constant 32 : index
      %swap3A_32 = tpu.vector_load %arg7[%swap3A_30, %swap3A_31] {strides = array<i32>} : memref<128x128xi32, #tpu.memory_space<vmem>>, vector<16xi32>,
      tpu.vector_store %arg7[%swap3A_30, %swap3A_31], %broadcast_in_dim3A_3 {strides = array<i32>} : memref<128x128xi32, #tpu.memory_space<vmem>>, vector<16xi32>,
      %swap3A_33 = arith.index_cast %scan3A_23 : i32 to index
      %swap3A_34 = arith.constant 48 : index
      %swap3A_35 = tpu.vector_load %arg7[%swap3A_33, %swap3A_34] {strides = array<i32>} : memref<128x128xi32, #tpu.memory_space<vmem>>, vector<16xi32>,
      tpu.vector_store %arg7[%swap3A_33, %swap3A_34], %broadcast_in_dim3A_3 {strides = array<i32>} : memref<128x128xi32, #tpu.memory_space<vmem>>, vector<16xi32>,
      %swap3A_36 = arith.index_cast %scan3A_23 : i32 to index
      %swap3A_37 = arith.constant 64 : index
      %swap3A_38 = tpu.vector_load %arg7[%swap3A_36, %swap3A_37] {strides = array<i32>} : memref<128x128xi32, #tpu.memory_space<vmem>>, vector<16xi32>,
      tpu.vector_store %arg7[%swap3A_36, %swap3A_37], %broadcast_in_dim3A_3 {strides = array<i32>} : memref<128x128xi32, #tpu.memory_space<vmem>>, vector<16xi32>,
      %swap3A_39 = arith.index_cast %scan3A_23 : i32 to index
      %swap3A_40 = arith.constant 80 : index
      %swap3A_41 = tpu.vector_load %arg7[%swap3A_39, %swap3A_40] {strides = array<i32>} : memref<128x128xi32, #tpu.memory_space<vmem>>, vector<16xi32>,
      tpu.vector_store %arg7[%swap3A_39, %swap3A_40], %broadcast_in_dim3A_3 {strides = array<i32>} : memref<128x128xi32, #tpu.memory_space<vmem>>, vector<16xi32>,
      %swap3A_42 = arith.index_cast %scan3A_23 : i32 to index
      %swap3A_43 = arith.constant 96 : index
      %swap3A_44 = tpu.vector_load %arg7[%swap3A_42, %swap3A_43] {strides = array<i32>} : memref<128x128xi32, #tpu.memory_space<vmem>>, vector<16xi32>,
      tpu.vector_store %arg7[%swap3A_42, %swap3A_43], %broadcast_in_dim3A_3 {strides = array<i32>} : memref<128x128xi32, #tpu.memory_space<vmem>>, vector<16xi32>,
      %swap3A_45 = arith.index_cast %scan3A_23 : i32 to index
      %swap3A_46 = arith.constant 112 : index
      %swap3A_47 = tpu.vector_load %arg7[%swap3A_45, %swap3A_46] {strides = array<i32>} : memref<128x128xi32, #tpu.memory_space<vmem>>, vector<16xi32>,
      tpu.vector_store %arg7[%swap3A_45, %swap3A_46], %broadcast_in_dim3A_3 {strides = array<i32>} : memref<128x128xi32, #tpu.memory_space<vmem>>, vector<16xi32>,
      %scan3A_48 = arith.constant 0 : i32
      scf.yield %scan3A_48 : i32
    }
    %scan3A_9 = arith.constant 128 : i32
    %eq3A = arith.constant 0 : i32
    %eq3A_10 = arith.cmpi eq, %add3A, %eq3A : i32
    %jit3A = arith.constant 8 : i32
    %jit3A_11 = arith.constant 0 : i32
    %select_n3A = arith.select %eq3A_10, %jit3A, %jit3A_11 : i32
    %while3A = arith.constant 32 : i32
    %while3A_12 = arith.constant 0 : i32
    %while3A_13 = arith.subi %while3A, %select_n3A : i32
    %while3A_14 = arith.addi %select_n3A, %while3A_13 : i32
    %while3A_15 = arith.constant 1 : i32
    %while3A_16 = arith.divsi %while3A_13, %while3A_15 : i32
    %while3A_17 = arith.muli %while3A_16, %while3A_15 : i32
    %while3A_18 = arith.addi %select_n3A, %while3A_17 : i32
    %while3A_19 = arith.constant 1 : i32
    %while3A_20 = scf.for %while3A_23 = %select_n3A to %while3A_18 step %while3A_19 iter_args(%while3A_24 = %while3A_12) -> (i32)  : i32 {
      %mul3A_25 = arith.constant 16 : i32
      %mul3A_26 = arith.muli %while3A_23, %mul3A_25 : i32
      %get3A = arith.index_cast %mul3A_26 : i32 to index
      %get3A_27 = tpu.vector_load %arg6[%get3A] {strides = array<i32>} : memref<512xi32, #tpu.memory_space<vmem>>, vector<16xi32>,
      %mul3A_28 = arith.constant 16 : i32
      %mul3A_29 = arith.muli %while3A_23, %mul3A_28 : i32
      %add3A_30 = arith.constant 0 : i32
      %add3A_31 = arith.addi %mul3A_29, %add3A_30 : i32
      %add3A_32 = arith.addi %mul3A_2, %add3A_31 : i32
      %mul3A_33 = arith.constant 128 : i32
      %mul3A_34 = arith.muli %add3A_32, %mul3A_33 : i32
      %slice3A = vector.extract_strided_slice %get3A_27 {offsets = [0], sizes = [1], strides = [1]} : vector<16xi32> to vector<1xi32>
      %squeeze3A = vector.extract %slice3A[0] : i32 from vector<1xi32>
      %add3A_35 = arith.addi %mul3A_34, %squeeze3A : i32
      %broadcast_in_dim3A_36 = vector.broadcast %add3A_35 : i32 to vector<16xi32>
      %get3A_37 = arith.index_cast %add3A_31 : i32 to index
      %get3A_38 = arith.constant 0 : index
      %get3A_39 = tpu.vector_load %arg5[%get3A_37, %get3A_38] {strides = array<i32>} : memref<512x128xi32, #tpu.memory_space<vmem>>, vector<16xi32>,
      %add3A_40 = arith.constant 0 : i32
      %add3A_41 = vector.broadcast %add3A_40 : i32 to vector<16xi32>
      %add3A_42 = arith.addi %iota3A, %add3A_41 : vector<16xi32>
      tpu.vector_store_idx %arg7[%add3A_42, %get3A_39], %broadcast_in_dim3A_36 : memref<128x128xi32, #tpu.memory_space<vmem>>[vector<16xi32>, vector<16xi32>], vector<16xi32>,
      %get3A_43 = arith.index_cast %add3A_31 : i32 to index
      %get3A_44 = arith.constant 16 : index
      %get3A_45 = tpu.vector_load %arg5[%get3A_43, %get3A_44] {strides = array<i32>} : memref<512x128xi32, #tpu.memory_space<vmem>>, vector<16xi32>,
      %add3A_46 = arith.constant 16 : i32
      %add3A_47 = vector.broadcast %add3A_46 : i32 to vector<16xi32>
      %add3A_48 = arith.addi %iota3A, %add3A_47 : vector<16xi32>
      tpu.vector_store_idx %arg7[%add3A_48, %get3A_45], %broadcast_in_dim3A_36 : memref<128x128xi32, #tpu.memory_space<vmem>>[vector<16xi32>, vector<16xi32>], vector<16xi32>,
      %get3A_49 = arith.index_cast %add3A_31 : i32 to index
      %get3A_50 = arith.constant 32 : index
      %get3A_51 = tpu.vector_load %arg5[%get3A_49, %get3A_50] {strides = array<i32>} : memref<512x128xi32, #tpu.memory_space<vmem>>, vector<16xi32>,
      %add3A_52 = arith.constant 32 : i32
      %add3A_53 = vector.broadcast %add3A_52 : i32 to vector<16xi32>
      %add3A_54 = arith.addi %iota3A, %add3A_53 : vector<16xi32>
      tpu.vector_store_idx %arg7[%add3A_54, %get3A_51], %broadcast_in_dim3A_36 : memref<128x128xi32, #tpu.memory_space<vmem>>[vector<16xi32>, vector<16xi32>], vector<16xi32>,
      %get3A_55 = arith.index_cast %add3A_31 : i32 to index
      %get3A_56 = arith.constant 48 : index
      %get3A_57 = tpu.vector_load %arg5[%get3A_55, %get3A_56] {strides = array<i32>} : memref<512x128xi32, #tpu.memory_space<vmem>>, vector<16xi32>,
      %add3A_58 = arith.constant 48 : i32
      %add3A_59 = vector.broadcast %add3A_58 : i32 to vector<16xi32>
      %add3A_60 = arith.addi %iota3A, %add3A_59 : vector<16xi32>
      tpu.vector_store_idx %arg7[%add3A_60, %get3A_57], %broadcast_in_dim3A_36 : memref<128x128xi32, #tpu.memory_space<vmem>>[vector<16xi32>, vector<16xi32>], vector<16xi32>,
      %get3A_61 = arith.index_cast %add3A_31 : i32 to index
      %get3A_62 = arith.constant 64 : index
      %get3A_63 = tpu.vector_load %arg5[%get3A_61, %get3A_62] {strides = array<i32>} : memref<512x128xi32, #tpu.memory_space<vmem>>, vector<16xi32>,
      %add3A_64 = arith.constant 64 : i32
      %add3A_65 = vector.broadcast %add3A_64 : i32 to vector<16xi32>
      %add3A_66 = arith.addi %iota3A, %add3A_65 : vector<16xi32>
      tpu.vector_store_idx %arg7[%add3A_66, %get3A_63], %broadcast_in_dim3A_36 : memref<128x128xi32, #tpu.memory_space<vmem>>[vector<16xi32>, vector<16xi32>], vector<16xi32>,
      %get3A_67 = arith.index_cast %add3A_31 : i32 to index
      %get3A_68 = arith.constant 80 : index
      %get3A_69 = tpu.vector_load %arg5[%get3A_67, %get3A_68] {strides = array<i32>} : memref<512x128xi32, #tpu.memory_space<vmem>>, vector<16xi32>,
      %add3A_70 = arith.constant 80 : i32
      %add3A_71 = vector.broadcast %add3A_70 : i32 to vector<16xi32>
      %add3A_72 = arith.addi %iota3A, %add3A_71 : vector<16xi32>
      tpu.vector_store_idx %arg7[%add3A_72, %get3A_69], %broadcast_in_dim3A_36 : memref<128x128xi32, #tpu.memory_space<vmem>>[vector<16xi32>, vector<16xi32>], vector<16xi32>,
      %get3A_73 = arith.index_cast %add3A_31 : i32 to index
      %get3A_74 = arith.constant 96 : index
      %get3A_75 = tpu.vector_load %arg5[%get3A_73, %get3A_74] {strides = array<i32>} : memref<512x128xi32, #tpu.memory_space<vmem>>, vector<16xi32>,
      %add3A_76 = arith.constant 96 : i32
      %add3A_77 = vector.broadcast %add3A_76 : i32 to vector<16xi32>
      %add3A_78 = arith.addi %iota3A, %add3A_77 : vector<16xi32>
      tpu.vector_store_idx %arg7[%add3A_78, %get3A_75], %broadcast_in_dim3A_36 : memref<128x128xi32, #tpu.memory_space<vmem>>[vector<16xi32>, vector<16xi32>], vector<16xi32>,
      %get3A_79 = arith.index_cast %add3A_31 : i32 to index
      %get3A_80 = arith.constant 112 : index
      %get3A_81 = tpu.vector_load %arg5[%get3A_79, %get3A_80] {strides = array<i32>} : memref<512x128xi32, #tpu.memory_space<vmem>>, vector<16xi32>,
      %add3A_82 = arith.constant 112 : i32
      %add3A_83 = vector.broadcast %add3A_82 : i32 to vector<16xi32>
      %add3A_84 = arith.addi %iota3A, %add3A_83 : vector<16xi32>
      tpu.vector_store_idx %arg7[%add3A_84, %get3A_81], %broadcast_in_dim3A_36 : memref<128x128xi32, #tpu.memory_space<vmem>>[vector<16xi32>, vector<16xi32>], vector<16xi32>,
      %mul3A_85 = arith.constant 16 : i32
      %mul3A_86 = arith.muli %while3A_23, %mul3A_85 : i32
      %add3A_87 = arith.constant 1 : i32
      %add3A_88 = arith.addi %mul3A_86, %add3A_87 : i32
      %add3A_89 = arith.addi %mul3A_2, %add3A_88 : i32
      %mul3A_90 = arith.constant 128 : i32
      %mul3A_91 = arith.muli %add3A_89, %mul3A_90 : i32
      %slice3A_92 = vector.extract_strided_slice %get3A_27 {offsets = [1], sizes = [1], strides = [1]} : vector<16xi32> to vector<1xi32>
      %squeeze3A_93 = vector.extract %slice3A_92[0] : i32 from vector<1xi32>
      %add3A_94 = arith.addi %mul3A_91, %squeeze3A_93 : i32
      %broadcast_in_dim3A_95 = vector.broadcast %add3A_94 : i32 to vector<16xi32>
      %get3A_96 = arith.index_cast %add3A_88 : i32 to index
      %get3A_97 = arith.constant 0 : index
      %get3A_98 = tpu.vector_load %arg5[%get3A_96, %get3A_97] {strides = array<i32>} : memref<512x128xi32, #tpu.memory_space<vmem>>, vector<16xi32>,
      %add3A_99 = arith.constant 0 : i32
      %add3A_100 = vector.broadcast %add3A_99 : i32 to vector<16xi32>
      %add3A_101 = arith.addi %iota3A, %add3A_100 : vector<16xi32>
      tpu.vector_store_idx %arg7[%add3A_101, %get3A_98], %broadcast_in_dim3A_95 : memref<128x128xi32, #tpu.memory_space<vmem>>[vector<16xi32>, vector<16xi32>], vector<16xi32>,
      %get3A_102 = arith.index_cast %add3A_88 : i32 to index
      %get3A_103 = arith.constant 16 : index
      %get3A_104 = tpu.vector_load %arg5[%get3A_102, %get3A_103] {strides = array<i32>} : memref<512x128xi32, #tpu.memory_space<vmem>>, vector<16xi32>,
      %add3A_105 = arith.constant 16 : i32
      %add3A_106 = vector.broadcast %add3A_105 : i32 to vector<16xi32>
      %add3A_107 = arith.addi %iota3A, %add3A_106 : vector<16xi32>
      tpu.vector_store_idx %arg7[%add3A_107, %get3A_104], %broadcast_in_dim3A_95 : memref<128x128xi32, #tpu.memory_space<vmem>>[vector<16xi32>, vector<16xi32>], vector<16xi32>,
      %get3A_108 = arith.index_cast %add3A_88 : i32 to index
      %get3A_109 = arith.constant 32 : index
      %get3A_110 = tpu.vector_load %arg5[%get3A_108, %get3A_109] {strides = array<i32>} : memref<512x128xi32, #tpu.memory_space<vmem>>, vector<16xi32>,
      %add3A_111 = arith.constant 32 : i32
      %add3A_112 = vector.broadcast %add3A_111 : i32 to vector<16xi32>
      %add3A_113 = arith.addi %iota3A, %add3A_112 : vector<16xi32>
      tpu.vector_store_idx %arg7[%add3A_113, %get3A_110], %broadcast_in_dim3A_95 : memref<128x128xi32, #tpu.memory_space<vmem>>[vector<16xi32>, vector<16xi32>], vector<16xi32>,
      %get3A_114 = arith.index_cast %add3A_88 : i32 to index
      %get3A_115 = arith.constant 48 : index
      %get3A_116 = tpu.vector_load %arg5[%get3A_114, %get3A_115] {strides = array<i32>} : memref<512x128xi32, #tpu.memory_space<vmem>>, vector<16xi32>,
      %add3A_117 = arith.constant 48 : i32
      %add3A_118 = vector.broadcast %add3A_117 : i32 to vector<16xi32>
      %add3A_119 = arith.addi %iota3A, %add3A_118 : vector<16xi32>
      tpu.vector_store_idx %arg7[%add3A_119, %get3A_116], %broadcast_in_dim3A_95 : memref<128x128xi32, #tpu.memory_space<vmem>>[vector<16xi32>, vector<16xi32>], vector<16xi32>,
      %get3A_120 = arith.index_cast %add3A_88 : i32 to index
      %get3A_121 = arith.constant 64 : index
      %get3A_122 = tpu.vector_load %arg5[%get3A_120, %get3A_121] {strides = array<i32>} : memref<512x128xi32, #tpu.memory_space<vmem>>, vector<16xi32>,
      %add3A_123 = arith.constant 64 : i32
      %add3A_124 = vector.broadcast %add3A_123 : i32 to vector<16xi32>
      %add3A_125 = arith.addi %iota3A, %add3A_124 : vector<16xi32>
      tpu.vector_store_idx %arg7[%add3A_125, %get3A_122], %broadcast_in_dim3A_95 : memref<128x128xi32, #tpu.memory_space<vmem>>[vector<16xi32>, vector<16xi32>], vector<16xi32>,
      %get3A_126 = arith.index_cast %add3A_88 : i32 to index
      %get3A_127 = arith.constant 80 : index
      %get3A_128 = tpu.vector_load %arg5[%get3A_126, %get3A_127] {strides = array<i32>} : memref<512x128xi32, #tpu.memory_space<vmem>>, vector<16xi32>,
      %add3A_129 = arith.constant 80 : i32
      %add3A_130 = vector.broadcast %add3A_129 : i32 to vector<16xi32>
      %add3A_131 = arith.addi %iota3A, %add3A_130 : vector<16xi32>
      tpu.vector_store_idx %arg7[%add3A_131, %get3A_128], %broadcast_in_dim3A_95 : memref<128x128xi32, #tpu.memory_space<vmem>>[vector<16xi32>, vector<16xi32>], vector<16xi32>,
      %get3A_132 = arith.index_cast %add3A_88 : i32 to index
      %get3A_133 = arith.constant 96 : index
      %get3A_134 = tpu.vector_load %arg5[%get3A_132, %get3A_133] {strides = array<i32>} : memref<512x128xi32, #tpu.memory_space<vmem>>, vector<16xi32>,
      %add3A_135 = arith.constant 96 : i32
      %add3A_136 = vector.broadcast %add3A_135 : i32 to vector<16xi32>
      %add3A_137 = arith.addi %iota3A, %add3A_136 : vector<16xi32>
      tpu.vector_store_idx %arg7[%add3A_137, %get3A_134], %broadcast_in_dim3A_95 : memref<128x128xi32, #tpu.memory_space<vmem>>[vector<16xi32>, vector<16xi32>], vector<16xi32>,
      %get3A_138 = arith.index_cast %add3A_88 : i32 to index
      %get3A_139 = arith.constant 112 : index
      %get3A_140 = tpu.vector_load %arg5[%get3A_138, %get3A_139] {strides = array<i32>} : memref<512x128xi32, #tpu.memory_space<vmem>>, vector<16xi32>,
      %add3A_141 = arith.constant 112 : i32
      %add3A_142 = vector.broadcast %add3A_141 : i32 to vector<16xi32>
      %add3A_143 = arith.addi %iota3A, %add3A_142 : vector<16xi32>
      tpu.vector_store_idx %arg7[%add3A_143, %get3A_140], %broadcast_in_dim3A_95 : memref<128x128xi32, #tpu.memory_space<vmem>>[vector<16xi32>, vector<16xi32>], vector<16xi32>,
      %mul3A_144 = arith.constant 16 : i32
      %mul3A_145 = arith.muli %while3A_23, %mul3A_144 : i32
      %add3A_146 = arith.constant 2 : i32
      %add3A_147 = arith.addi %mul3A_145, %add3A_146 : i32
      %add3A_148 = arith.addi %mul3A_2, %add3A_147 : i32
      %mul3A_149 = arith.constant 128 : i32
      %mul3A_150 = arith.muli %add3A_148, %mul3A_149 : i32
      %slice3A_151 = vector.extract_strided_slice %get3A_27 {offsets = [2], sizes = [1], strides = [1]} : vector<16xi32> to vector<1xi32>
      %squeeze3A_152 = vector.extract %slice3A_151[0] : i32 from vector<1xi32>
      %add3A_153 = arith.addi %mul3A_150, %squeeze3A_152 : i32
      %broadcast_in_dim3A_154 = vector.broadcast %add3A_153 : i32 to vector<16xi32>
      %get3A_155 = arith.index_cast %add3A_147 : i32 to index
      %get3A_156 = arith.constant 0 : index
      %get3A_157 = tpu.vector_load %arg5[%get3A_155, %get3A_156] {strides = array<i32>} : memref<512x128xi32, #tpu.memory_space<vmem>>, vector<16xi32>,
      %add3A_158 = arith.constant 0 : i32
      %add3A_159 = vector.broadcast %add3A_158 : i32 to vector<16xi32>
      %add3A_160 = arith.addi %iota3A, %add3A_159 : vector<16xi32>
      tpu.vector_store_idx %arg7[%add3A_160, %get3A_157], %broadcast_in_dim3A_154 : memref<128x128xi32, #tpu.memory_space<vmem>>[vector<16xi32>, vector<16xi32>], vector<16xi32>,
      %get3A_161 = arith.index_cast %add3A_147 : i32 to index
      %get3A_162 = arith.constant 16 : index
      %get3A_163 = tpu.vector_load %arg5[%get3A_161, %get3A_162] {strides = array<i32>} : memref<512x128xi32, #tpu.memory_space<vmem>>, vector<16xi32>,
      %add3A_164 = arith.constant 16 : i32
      %add3A_165 = vector.broadcast %add3A_164 : i32 to vector<16xi32>
      %add3A_166 = arith.addi %iota3A, %add3A_165 : vector<16xi32>
      tpu.vector_store_idx %arg7[%add3A_166, %get3A_163], %broadcast_in_dim3A_154 : memref<128x128xi32, #tpu.memory_space<vmem>>[vector<16xi32>, vector<16xi32>], vector<16xi32>,
      %get3A_167 = arith.index_cast %add3A_147 : i32 to index
      %get3A_168 = arith.constant 32 : index
      %get3A_169 = tpu.vector_load %arg5[%get3A_167, %get3A_168] {strides = array<i32>} : memref<512x128xi32, #tpu.memory_space<vmem>>, vector<16xi32>,
      %add3A_170 = arith.constant 32 : i32
      %add3A_171 = vector.broadcast %add3A_170 : i32 to vector<16xi32>
      %add3A_172 = arith.addi %iota3A, %add3A_171 : vector<16xi32>
      tpu.vector_store_idx %arg7[%add3A_172, %get3A_169], %broadcast_in_dim3A_154 : memref<128x128xi32, #tpu.memory_space<vmem>>[vector<16xi32>, vector<16xi32>], vector<16xi32>,
      %get3A_173 = arith.index_cast %add3A_147 : i32 to index
      %get3A_174 = arith.constant 48 : index
      %get3A_175 = tpu.vector_load %arg5[%get3A_173, %get3A_174] {strides = array<i32>} : memref<512x128xi32, #tpu.memory_space<vmem>>, vector<16xi32>,
      %add3A_176 = arith.constant 48 : i32
      %add3A_177 = vector.broadcast %add3A_176 : i32 to vector<16xi32>
      %add3A_178 = arith.addi %iota3A, %add3A_177 : vector<16xi32>
      tpu.vector_store_idx %arg7[%add3A_178, %get3A_175], %broadcast_in_dim3A_154 : memref<128x128xi32, #tpu.memory_space<vmem>>[vector<16xi32>, vector<16xi32>], vector<16xi32>,
      %get3A_179 = arith.index_cast %add3A_147 : i32 to index
      %get3A_180 = arith.constant 64 : index
      %get3A_181 = tpu.vector_load %arg5[%get3A_179, %get3A_180] {strides = array<i32>} : memref<512x128xi32, #tpu.memory_space<vmem>>, vector<16xi32>,
      %add3A_182 = arith.constant 64 : i32
      %add3A_183 = vector.broadcast %add3A_182 : i32 to vector<16xi32>
      %add3A_184 = arith.addi %iota3A, %add3A_183 : vector<16xi32>
      tpu.vector_store_idx %arg7[%add3A_184, %get3A_181], %broadcast_in_dim3A_154 : memref<128x128xi32, #tpu.memory_space<vmem>>[vector<16xi32>, vector<16xi32>], vector<16xi32>,
      %get3A_185 = arith.index_cast %add3A_147 : i32 to index
      %get3A_186 = arith.constant 80 : index
      %get3A_187 = tpu.vector_load %arg5[%get3A_185, %get3A_186] {strides = array<i32>} : memref<512x128xi32, #tpu.memory_space<vmem>>, vector<16xi32>,
      %add3A_188 = arith.constant 80 : i32
      %add3A_189 = vector.broadcast %add3A_188 : i32 to vector<16xi32>
      %add3A_190 = arith.addi %iota3A, %add3A_189 : vector<16xi32>
      tpu.vector_store_idx %arg7[%add3A_190, %get3A_187], %broadcast_in_dim3A_154 : memref<128x128xi32, #tpu.memory_space<vmem>>[vector<16xi32>, vector<16xi32>], vector<16xi32>,
      %get3A_191 = arith.index_cast %add3A_147 : i32 to index
      %get3A_192 = arith.constant 96 : index
      %get3A_193 = tpu.vector_load %arg5[%get3A_191, %get3A_192] {strides = array<i32>} : memref<512x128xi32, #tpu.memory_space<vmem>>, vector<16xi32>,
      %add3A_194 = arith.constant 96 : i32
      %add3A_195 = vector.broadcast %add3A_194 : i32 to vector<16xi32>
      %add3A_196 = arith.addi %iota3A, %add3A_195 : vector<16xi32>
      tpu.vector_store_idx %arg7[%add3A_196, %get3A_193], %broadcast_in_dim3A_154 : memref<128x128xi32, #tpu.memory_space<vmem>>[vector<16xi32>, vector<16xi32>], vector<16xi32>,
      %get3A_197 = arith.index_cast %add3A_147 : i32 to index
      %get3A_198 = arith.constant 112 : index
      %get3A_199 = tpu.vector_load %arg5[%get3A_197, %get3A_198] {strides = array<i32>} : memref<512x128xi32, #tpu.memory_space<vmem>>, vector<16xi32>,
      %add3A_200 = arith.constant 112 : i32
      %add3A_201 = vector.broadcast %add3A_200 : i32 to vector<16xi32>
      %add3A_202 = arith.addi %iota3A, %add3A_201 : vector<16xi32>
      tpu.vector_store_idx %arg7[%add3A_202, %get3A_199], %broadcast_in_dim3A_154 : memref<128x128xi32, #tpu.memory_space<vmem>>[vector<16xi32>, vector<16xi32>], vector<16xi32>,
      %mul3A_203 = arith.constant 16 : i32
      %mul3A_204 = arith.muli %while3A_23, %mul3A_203 : i32
      %add3A_205 = arith.constant 3 : i32
      %add3A_206 = arith.addi %mul3A_204, %add3A_205 : i32
      %add3A_207 = arith.addi %mul3A_2, %add3A_206 : i32
      %mul3A_208 = arith.constant 128 : i32
      %mul3A_209 = arith.muli %add3A_207, %mul3A_208 : i32
      %slice3A_210 = vector.extract_strided_slice %get3A_27 {offsets = [3], sizes = [1], strides = [1]} : vector<16xi32> to vector<1xi32>
      %squeeze3A_211 = vector.extract %slice3A_210[0] : i32 from vector<1xi32>
      %add3A_212 = arith.addi %mul3A_209, %squeeze3A_211 : i32
      %broadcast_in_dim3A_213 = vector.broadcast %add3A_212 : i32 to vector<16xi32>
      %get3A_214 = arith.index_cast %add3A_206 : i32 to index
      %get3A_215 = arith.constant 0 : index
      %get3A_216 = tpu.vector_load %arg5[%get3A_214, %get3A_215] {strides = array<i32>} : memref<512x128xi32, #tpu.memory_space<vmem>>, vector<16xi32>,
      %add3A_217 = arith.constant 0 : i32
      %add3A_218 = vector.broadcast %add3A_217 : i32 to vector<16xi32>
      %add3A_219 = arith.addi %iota3A, %add3A_218 : vector<16xi32>
      tpu.vector_store_idx %arg7[%add3A_219, %get3A_216], %broadcast_in_dim3A_213 : memref<128x128xi32, #tpu.memory_space<vmem>>[vector<16xi32>, vector<16xi32>], vector<16xi32>,
      %get3A_220 = arith.index_cast %add3A_206 : i32 to index
      %get3A_221 = arith.constant 16 : index
      %get3A_222 = tpu.vector_load %arg5[%get3A_220, %get3A_221] {strides = array<i32>} : memref<512x128xi32, #tpu.memory_space<vmem>>, vector<16xi32>,
      %add3A_223 = arith.constant 16 : i32
      %add3A_224 = vector.broadcast %add3A_223 : i32 to vector<16xi32>
      %add3A_225 = arith.addi %iota3A, %add3A_224 : vector<16xi32>
      tpu.vector_store_idx %arg7[%add3A_225, %get3A_222], %broadcast_in_dim3A_213 : memref<128x128xi32, #tpu.memory_space<vmem>>[vector<16xi32>, vector<16xi32>], vector<16xi32>,
      %get3A_226 = arith.index_cast %add3A_206 : i32 to index
      %get3A_227 = arith.constant 32 : index
      %get3A_228 = tpu.vector_load %arg5[%get3A_226, %get3A_227] {strides = array<i32>} : memref<512x128xi32, #tpu.memory_space<vmem>>, vector<16xi32>,
      %add3A_229 = arith.constant 32 : i32
      %add3A_230 = vector.broadcast %add3A_229 : i32 to vector<16xi32>
      %add3A_231 = arith.addi %iota3A, %add3A_230 : vector<16xi32>
      tpu.vector_store_idx %arg7[%add3A_231, %get3A_228], %broadcast_in_dim3A_213 : memref<128x128xi32, #tpu.memory_space<vmem>>[vector<16xi32>, vector<16xi32>], vector<16xi32>,
      %get3A_232 = arith.index_cast %add3A_206 : i32 to index
      %get3A_233 = arith.constant 48 : index
      %get3A_234 = tpu.vector_load %arg5[%get3A_232, %get3A_233] {strides = array<i32>} : memref<512x128xi32, #tpu.memory_space<vmem>>, vector<16xi32>,
      %add3A_235 = arith.constant 48 : i32
      %add3A_236 = vector.broadcast %add3A_235 : i32 to vector<16xi32>
      %add3A_237 = arith.addi %iota3A, %add3A_236 : vector<16xi32>
      tpu.vector_store_idx %arg7[%add3A_237, %get3A_234], %broadcast_in_dim3A_213 : memref<128x128xi32, #tpu.memory_space<vmem>>[vector<16xi32>, vector<16xi32>], vector<16xi32>,
      %get3A_238 = arith.index_cast %add3A_206 : i32 to index
      %get3A_239 = arith.constant 64 : index
      %get3A_240 = tpu.vector_load %arg5[%get3A_238, %get3A_239] {strides = array<i32>} : memref<512x128xi32, #tpu.memory_space<vmem>>, vector<16xi32>,
      %add3A_241 = arith.constant 64 : i32
      %add3A_242 = vector.broadcast %add3A_241 : i32 to vector<16xi32>
      %add3A_243 = arith.addi %iota3A, %add3A_242 : vector<16xi32>
      tpu.vector_store_idx %arg7[%add3A_243, %get3A_240], %broadcast_in_dim3A_213 : memref<128x128xi32, #tpu.memory_space<vmem>>[vector<16xi32>, vector<16xi32>], vector<16xi32>,
      %get3A_244 = arith.index_cast %add3A_206 : i32 to index
      %get3A_245 = arith.constant 80 : index
      %get3A_246 = tpu.vector_load %arg5[%get3A_244, %get3A_245] {strides = array<i32>} : memref<512x128xi32, #tpu.memory_space<vmem>>, vector<16xi32>,
      %add3A_247 = arith.constant 80 : i32
      %add3A_248 = vector.broadcast %add3A_247 : i32 to vector<16xi32>
      %add3A_249 = arith.addi %iota3A, %add3A_248 : vector<16xi32>
      tpu.vector_store_idx %arg7[%add3A_249, %get3A_246], %broadcast_in_dim3A_213 : memref<128x128xi32, #tpu.memory_space<vmem>>[vector<16xi32>, vector<16xi32>], vector<16xi32>,
      %get3A_250 = arith.index_cast %add3A_206 : i32 to index
      %get3A_251 = arith.constant 96 : index
      %get3A_252 = tpu.vector_load %arg5[%get3A_250, %get3A_251] {strides = array<i32>} : memref<512x128xi32, #tpu.memory_space<vmem>>, vector<16xi32>,
      %add3A_253 = arith.constant 96 : i32
      %add3A_254 = vector.broadcast %add3A_253 : i32 to vector<16xi32>
      %add3A_255 = arith.addi %iota3A, %add3A_254 : vector<16xi32>
      tpu.vector_store_idx %arg7[%add3A_255, %get3A_252], %broadcast_in_dim3A_213 : memref<128x128xi32, #tpu.memory_space<vmem>>[vector<16xi32>, vector<16xi32>], vector<16xi32>,
      %get3A_256 = arith.index_cast %add3A_206 : i32 to index
      %get3A_257 = arith.constant 112 : index
      %get3A_258 = tpu.vector_load %arg5[%get3A_256, %get3A_257] {strides = array<i32>} : memref<512x128xi32, #tpu.memory_space<vmem>>, vector<16xi32>,
      %add3A_259 = arith.constant 112 : i32
      %add3A_260 = vector.broadcast %add3A_259 : i32 to vector<16xi32>
      %add3A_261 = arith.addi %iota3A, %add3A_260 : vector<16xi32>
      tpu.vector_store_idx %arg7[%add3A_261, %get3A_258], %broadcast_in_dim3A_213 : memref<128x128xi32, #tpu.memory_space<vmem>>[vector<16xi32>, vector<16xi32>], vector<16xi32>,
      %mul3A_262 = arith.constant 16 : i32
      %mul3A_263 = arith.muli %while3A_23, %mul3A_262 : i32
      %add3A_264 = arith.constant 4 : i32
      %add3A_265 = arith.addi %mul3A_263, %add3A_264 : i32
      %add3A_266 = arith.addi %mul3A_2, %add3A_265 : i32
      %mul3A_267 = arith.constant 128 : i32
      %mul3A_268 = arith.muli %add3A_266, %mul3A_267 : i32
      %slice3A_269 = vector.extract_strided_slice %get3A_27 {offsets = [4], sizes = [1], strides = [1]} : vector<16xi32> to vector<1xi32>
      %squeeze3A_270 = vector.extract %slice3A_269[0] : i32 from vector<1xi32>
      %add3A_271 = arith.addi %mul3A_268, %squeeze3A_270 : i32
      %broadcast_in_dim3A_272 = vector.broadcast %add3A_271 : i32 to vector<16xi32>
      %get3A_273 = arith.index_cast %add3A_265 : i32 to index
      %get3A_274 = arith.constant 0 : index
      %get3A_275 = tpu.vector_load %arg5[%get3A_273, %get3A_274] {strides = array<i32>} : memref<512x128xi32, #tpu.memory_space<vmem>>, vector<16xi32>,
      %add3A_276 = arith.constant 0 : i32
      %add3A_277 = vector.broadcast %add3A_276 : i32 to vector<16xi32>
      %add3A_278 = arith.addi %iota3A, %add3A_277 : vector<16xi32>
      tpu.vector_store_idx %arg7[%add3A_278, %get3A_275], %broadcast_in_dim3A_272 : memref<128x128xi32, #tpu.memory_space<vmem>>[vector<16xi32>, vector<16xi32>], vector<16xi32>,
      %get3A_279 = arith.index_cast %add3A_265 : i32 to index
      %get3A_280 = arith.constant 16 : index
      %get3A_281 = tpu.vector_load %arg5[%get3A_279, %get3A_280] {strides = array<i32>} : memref<512x128xi32, #tpu.memory_space<vmem>>, vector<16xi32>,
      %add3A_282 = arith.constant 16 : i32
      %add3A_283 = vector.broadcast %add3A_282 : i32 to vector<16xi32>
      %add3A_284 = arith.addi %iota3A, %add3A_283 : vector<16xi32>
      tpu.vector_store_idx %arg7[%add3A_284, %get3A_281], %broadcast_in_dim3A_272 : memref<128x128xi32, #tpu.memory_space<vmem>>[vector<16xi32>, vector<16xi32>], vector<16xi32>,
      %get3A_285 = arith.index_cast %add3A_265 : i32 to index
      %get3A_286 = arith.constant 32 : index
      %get3A_287 = tpu.vector_load %arg5[%get3A_285, %get3A_286] {strides = array<i32>} : memref<512x128xi32, #tpu.memory_space<vmem>>, vector<16xi32>,
      %add3A_288 = arith.constant 32 : i32
      %add3A_289 = vector.broadcast %add3A_288 : i32 to vector<16xi32>
      %add3A_290 = arith.addi %iota3A, %add3A_289 : vector<16xi32>
      tpu.vector_store_idx %arg7[%add3A_290, %get3A_287], %broadcast_in_dim3A_272 : memref<128x128xi32, #tpu.memory_space<vmem>>[vector<16xi32>, vector<16xi32>], vector<16xi32>,
      %get3A_291 = arith.index_cast %add3A_265 : i32 to index
      %get3A_292 = arith.constant 48 : index
      %get3A_293 = tpu.vector_load %arg5[%get3A_291, %get3A_292] {strides = array<i32>} : memref<512x128xi32, #tpu.memory_space<vmem>>, vector<16xi32>,
      %add3A_294 = arith.constant 48 : i32
      %add3A_295 = vector.broadcast %add3A_294 : i32 to vector<16xi32>
      %add3A_296 = arith.addi %iota3A, %add3A_295 : vector<16xi32>
      tpu.vector_store_idx %arg7[%add3A_296, %get3A_293], %broadcast_in_dim3A_272 : memref<128x128xi32, #tpu.memory_space<vmem>>[vector<16xi32>, vector<16xi32>], vector<16xi32>,
      %get3A_297 = arith.index_cast %add3A_265 : i32 to index
      %get3A_298 = arith.constant 64 : index
      %get3A_299 = tpu.vector_load %arg5[%get3A_297, %get3A_298] {strides = array<i32>} : memref<512x128xi32, #tpu.memory_space<vmem>>, vector<16xi32>,
      %add3A_300 = arith.constant 64 : i32
      %add3A_301 = vector.broadcast %add3A_300 : i32 to vector<16xi32>
      %add3A_302 = arith.addi %iota3A, %add3A_301 : vector<16xi32>
      tpu.vector_store_idx %arg7[%add3A_302, %get3A_299], %broadcast_in_dim3A_272 : memref<128x128xi32, #tpu.memory_space<vmem>>[vector<16xi32>, vector<16xi32>], vector<16xi32>,
      %get3A_303 = arith.index_cast %add3A_265 : i32 to index
      %get3A_304 = arith.constant 80 : index
      %get3A_305 = tpu.vector_load %arg5[%get3A_303, %get3A_304] {strides = array<i32>} : memref<512x128xi32, #tpu.memory_space<vmem>>, vector<16xi32>,
      %add3A_306 = arith.constant 80 : i32
      %add3A_307 = vector.broadcast %add3A_306 : i32 to vector<16xi32>
      %add3A_308 = arith.addi %iota3A, %add3A_307 : vector<16xi32>
      tpu.vector_store_idx %arg7[%add3A_308, %get3A_305], %broadcast_in_dim3A_272 : memref<128x128xi32, #tpu.memory_space<vmem>>[vector<16xi32>, vector<16xi32>], vector<16xi32>,
      %get3A_309 = arith.index_cast %add3A_265 : i32 to index
      %get3A_310 = arith.constant 96 : index
      %get3A_311 = tpu.vector_load %arg5[%get3A_309, %get3A_310] {strides = array<i32>} : memref<512x128xi32, #tpu.memory_space<vmem>>, vector<16xi32>,
      %add3A_312 = arith.constant 96 : i32
      %add3A_313 = vector.broadcast %add3A_312 : i32 to vector<16xi32>
      %add3A_314 = arith.addi %iota3A, %add3A_313 : vector<16xi32>
      tpu.vector_store_idx %arg7[%add3A_314, %get3A_311], %broadcast_in_dim3A_272 : memref<128x128xi32, #tpu.memory_space<vmem>>[vector<16xi32>, vector<16xi32>], vector<16xi32>,
      %get3A_315 = arith.index_cast %add3A_265 : i32 to index
      %get3A_316 = arith.constant 112 : index
      %get3A_317 = tpu.vector_load %arg5[%get3A_315, %get3A_316] {strides = array<i32>} : memref<512x128xi32, #tpu.memory_space<vmem>>, vector<16xi32>,
      %add3A_318 = arith.constant 112 : i32
      %add3A_319 = vector.broadcast %add3A_318 : i32 to vector<16xi32>
      %add3A_320 = arith.addi %iota3A, %add3A_319 : vector<16xi32>
      tpu.vector_store_idx %arg7[%add3A_320, %get3A_317], %broadcast_in_dim3A_272 : memref<128x128xi32, #tpu.memory_space<vmem>>[vector<16xi32>, vector<16xi32>], vector<16xi32>,
      %mul3A_321 = arith.constant 16 : i32
      %mul3A_322 = arith.muli %while3A_23, %mul3A_321 : i32
      %add3A_323 = arith.constant 5 : i32
      %add3A_324 = arith.addi %mul3A_322, %add3A_323 : i32
      %add3A_325 = arith.addi %mul3A_2, %add3A_324 : i32
      %mul3A_326 = arith.constant 128 : i32
      %mul3A_327 = arith.muli %add3A_325, %mul3A_326 : i32
      %slice3A_328 = vector.extract_strided_slice %get3A_27 {offsets = [5], sizes = [1], strides = [1]} : vector<16xi32> to vector<1xi32>
      %squeeze3A_329 = vector.extract %slice3A_328[0] : i32 from vector<1xi32>
      %add3A_330 = arith.addi %mul3A_327, %squeeze3A_329 : i32
      %broadcast_in_dim3A_331 = vector.broadcast %add3A_330 : i32 to vector<16xi32>
      %get3A_332 = arith.index_cast %add3A_324 : i32 to index
      %get3A_333 = arith.constant 0 : index
      %get3A_334 = tpu.vector_load %arg5[%get3A_332, %get3A_333] {strides = array<i32>} : memref<512x128xi32, #tpu.memory_space<vmem>>, vector<16xi32>,
      %add3A_335 = arith.constant 0 : i32
      %add3A_336 = vector.broadcast %add3A_335 : i32 to vector<16xi32>
      %add3A_337 = arith.addi %iota3A, %add3A_336 : vector<16xi32>
      tpu.vector_store_idx %arg7[%add3A_337, %get3A_334], %broadcast_in_dim3A_331 : memref<128x128xi32, #tpu.memory_space<vmem>>[vector<16xi32>, vector<16xi32>], vector<16xi32>,
      %get3A_338 = arith.index_cast %add3A_324 : i32 to index
      %get3A_339 = arith.constant 16 : index
      %get3A_340 = tpu.vector_load %arg5[%get3A_338, %get3A_339] {strides = array<i32>} : memref<512x128xi32, #tpu.memory_space<vmem>>, vector<16xi32>,
      %add3A_341 = arith.constant 16 : i32
      %add3A_342 = vector.broadcast %add3A_341 : i32 to vector<16xi32>
      %add3A_343 = arith.addi %iota3A, %add3A_342 : vector<16xi32>
      tpu.vector_store_idx %arg7[%add3A_343, %get3A_340], %broadcast_in_dim3A_331 : memref<128x128xi32, #tpu.memory_space<vmem>>[vector<16xi32>, vector<16xi32>], vector<16xi32>,
      %get3A_344 = arith.index_cast %add3A_324 : i32 to index
      %get3A_345 = arith.constant 32 : index
      %get3A_346 = tpu.vector_load %arg5[%get3A_344, %get3A_345] {strides = array<i32>} : memref<512x128xi32, #tpu.memory_space<vmem>>, vector<16xi32>,
      %add3A_347 = arith.constant 32 : i32
      %add3A_348 = vector.broadcast %add3A_347 : i32 to vector<16xi32>
      %add3A_349 = arith.addi %iota3A, %add3A_348 : vector<16xi32>
      tpu.vector_store_idx %arg7[%add3A_349, %get3A_346], %broadcast_in_dim3A_331 : memref<128x128xi32, #tpu.memory_space<vmem>>[vector<16xi32>, vector<16xi32>], vector<16xi32>,
      %get3A_350 = arith.index_cast %add3A_324 : i32 to index
      %get3A_351 = arith.constant 48 : index
      %get3A_352 = tpu.vector_load %arg5[%get3A_350, %get3A_351] {strides = array<i32>} : memref<512x128xi32, #tpu.memory_space<vmem>>, vector<16xi32>,
      %add3A_353 = arith.constant 48 : i32
      %add3A_354 = vector.broadcast %add3A_353 : i32 to vector<16xi32>
      %add3A_355 = arith.addi %iota3A, %add3A_354 : vector<16xi32>
      tpu.vector_store_idx %arg7[%add3A_355, %get3A_352], %broadcast_in_dim3A_331 : memref<128x128xi32, #tpu.memory_space<vmem>>[vector<16xi32>, vector<16xi32>], vector<16xi32>,
      %get3A_356 = arith.index_cast %add3A_324 : i32 to index
      %get3A_357 = arith.constant 64 : index
      %get3A_358 = tpu.vector_load %arg5[%get3A_356, %get3A_357] {strides = array<i32>} : memref<512x128xi32, #tpu.memory_space<vmem>>, vector<16xi32>,
      %add3A_359 = arith.constant 64 : i32
      %add3A_360 = vector.broadcast %add3A_359 : i32 to vector<16xi32>
      %add3A_361 = arith.addi %iota3A, %add3A_360 : vector<16xi32>
      tpu.vector_store_idx %arg7[%add3A_361, %get3A_358], %broadcast_in_dim3A_331 : memref<128x128xi32, #tpu.memory_space<vmem>>[vector<16xi32>, vector<16xi32>], vector<16xi32>,
      %get3A_362 = arith.index_cast %add3A_324 : i32 to index
      %get3A_363 = arith.constant 80 : index
      %get3A_364 = tpu.vector_load %arg5[%get3A_362, %get3A_363] {strides = array<i32>} : memref<512x128xi32, #tpu.memory_space<vmem>>, vector<16xi32>,
      %add3A_365 = arith.constant 80 : i32
      %add3A_366 = vector.broadcast %add3A_365 : i32 to vector<16xi32>
      %add3A_367 = arith.addi %iota3A, %add3A_366 : vector<16xi32>
      tpu.vector_store_idx %arg7[%add3A_367, %get3A_364], %broadcast_in_dim3A_331 : memref<128x128xi32, #tpu.memory_space<vmem>>[vector<16xi32>, vector<16xi32>], vector<16xi32>,
      %get3A_368 = arith.index_cast %add3A_324 : i32 to index
      %get3A_369 = arith.constant 96 : index
      %get3A_370 = tpu.vector_load %arg5[%get3A_368, %get3A_369] {strides = array<i32>} : memref<512x128xi32, #tpu.memory_space<vmem>>, vector<16xi32>,
      %add3A_371 = arith.constant 96 : i32
      %add3A_372 = vector.broadcast %add3A_371 : i32 to vector<16xi32>
      %add3A_373 = arith.addi %iota3A, %add3A_372 : vector<16xi32>
      tpu.vector_store_idx %arg7[%add3A_373, %get3A_370], %broadcast_in_dim3A_331 : memref<128x128xi32, #tpu.memory_space<vmem>>[vector<16xi32>, vector<16xi32>], vector<16xi32>,
      %get3A_374 = arith.index_cast %add3A_324 : i32 to index
      %get3A_375 = arith.constant 112 : index
      %get3A_376 = tpu.vector_load %arg5[%get3A_374, %get3A_375] {strides = array<i32>} : memref<512x128xi32, #tpu.memory_space<vmem>>, vector<16xi32>,
      %add3A_377 = arith.constant 112 : i32
      %add3A_378 = vector.broadcast %add3A_377 : i32 to vector<16xi32>
      %add3A_379 = arith.addi %iota3A, %add3A_378 : vector<16xi32>
      tpu.vector_store_idx %arg7[%add3A_379, %get3A_376], %broadcast_in_dim3A_331 : memref<128x128xi32, #tpu.memory_space<vmem>>[vector<16xi32>, vector<16xi32>], vector<16xi32>,
      %mul3A_380 = arith.constant 16 : i32
      %mul3A_381 = arith.muli %while3A_23, %mul3A_380 : i32
      %add3A_382 = arith.constant 6 : i32
      %add3A_383 = arith.addi %mul3A_381, %add3A_382 : i32
      %add3A_384 = arith.addi %mul3A_2, %add3A_383 : i32
      %mul3A_385 = arith.constant 128 : i32
      %mul3A_386 = arith.muli %add3A_384, %mul3A_385 : i32
      %slice3A_387 = vector.extract_strided_slice %get3A_27 {offsets = [6], sizes = [1], strides = [1]} : vector<16xi32> to vector<1xi32>
      %squeeze3A_388 = vector.extract %slice3A_387[0] : i32 from vector<1xi32>
      %add3A_389 = arith.addi %mul3A_386, %squeeze3A_388 : i32
      %broadcast_in_dim3A_390 = vector.broadcast %add3A_389 : i32 to vector<16xi32>
      %get3A_391 = arith.index_cast %add3A_383 : i32 to index
      %get3A_392 = arith.constant 0 : index
      %get3A_393 = tpu.vector_load %arg5[%get3A_391, %get3A_392] {strides = array<i32>} : memref<512x128xi32, #tpu.memory_space<vmem>>, vector<16xi32>,
      %add3A_394 = arith.constant 0 : i32
      %add3A_395 = vector.broadcast %add3A_394 : i32 to vector<16xi32>
      %add3A_396 = arith.addi %iota3A, %add3A_395 : vector<16xi32>
      tpu.vector_store_idx %arg7[%add3A_396, %get3A_393], %broadcast_in_dim3A_390 : memref<128x128xi32, #tpu.memory_space<vmem>>[vector<16xi32>, vector<16xi32>], vector<16xi32>,
      %get3A_397 = arith.index_cast %add3A_383 : i32 to index
      %get3A_398 = arith.constant 16 : index
      %get3A_399 = tpu.vector_load %arg5[%get3A_397, %get3A_398] {strides = array<i32>} : memref<512x128xi32, #tpu.memory_space<vmem>>, vector<16xi32>,
      %add3A_400 = arith.constant 16 : i32
      %add3A_401 = vector.broadcast %add3A_400 : i32 to vector<16xi32>
      %add3A_402 = arith.addi %iota3A, %add3A_401 : vector<16xi32>
      tpu.vector_store_idx %arg7[%add3A_402, %get3A_399], %broadcast_in_dim3A_390 : memref<128x128xi32, #tpu.memory_space<vmem>>[vector<16xi32>, vector<16xi32>], vector<16xi32>,
      %get3A_403 = arith.index_cast %add3A_383 : i32 to index
      %get3A_404 = arith.constant 32 : index
      %get3A_405 = tpu.vector_load %arg5[%get3A_403, %get3A_404] {strides = array<i32>} : memref<512x128xi32, #tpu.memory_space<vmem>>, vector<16xi32>,
      %add3A_406 = arith.constant 32 : i32
      %add3A_407 = vector.broadcast %add3A_406 : i32 to vector<16xi32>
      %add3A_408 = arith.addi %iota3A, %add3A_407 : vector<16xi32>
      tpu.vector_store_idx %arg7[%add3A_408, %get3A_405], %broadcast_in_dim3A_390 : memref<128x128xi32, #tpu.memory_space<vmem>>[vector<16xi32>, vector<16xi32>], vector<16xi32>,
      %get3A_409 = arith.index_cast %add3A_383 : i32 to index
      %get3A_410 = arith.constant 48 : index
      %get3A_411 = tpu.vector_load %arg5[%get3A_409, %get3A_410] {strides = array<i32>} : memref<512x128xi32, #tpu.memory_space<vmem>>, vector<16xi32>,
      %add3A_412 = arith.constant 48 : i32
      %add3A_413 = vector.broadcast %add3A_412 : i32 to vector<16xi32>
      %add3A_414 = arith.addi %iota3A, %add3A_413 : vector<16xi32>
      tpu.vector_store_idx %arg7[%add3A_414, %get3A_411], %broadcast_in_dim3A_390 : memref<128x128xi32, #tpu.memory_space<vmem>>[vector<16xi32>, vector<16xi32>], vector<16xi32>,
      %get3A_415 = arith.index_cast %add3A_383 : i32 to index
      %get3A_416 = arith.constant 64 : index
      %get3A_417 = tpu.vector_load %arg5[%get3A_415, %get3A_416] {strides = array<i32>} : memref<512x128xi32, #tpu.memory_space<vmem>>, vector<16xi32>,
      %add3A_418 = arith.constant 64 : i32
      %add3A_419 = vector.broadcast %add3A_418 : i32 to vector<16xi32>
      %add3A_420 = arith.addi %iota3A, %add3A_419 : vector<16xi32>
      tpu.vector_store_idx %arg7[%add3A_420, %get3A_417], %broadcast_in_dim3A_390 : memref<128x128xi32, #tpu.memory_space<vmem>>[vector<16xi32>, vector<16xi32>], vector<16xi32>,
      %get3A_421 = arith.index_cast %add3A_383 : i32 to index
      %get3A_422 = arith.constant 80 : index
      %get3A_423 = tpu.vector_load %arg5[%get3A_421, %get3A_422] {strides = array<i32>} : memref<512x128xi32, #tpu.memory_space<vmem>>, vector<16xi32>,
      %add3A_424 = arith.constant 80 : i32
      %add3A_425 = vector.broadcast %add3A_424 : i32 to vector<16xi32>
      %add3A_426 = arith.addi %iota3A, %add3A_425 : vector<16xi32>
      tpu.vector_store_idx %arg7[%add3A_426, %get3A_423], %broadcast_in_dim3A_390 : memref<128x128xi32, #tpu.memory_space<vmem>>[vector<16xi32>, vector<16xi32>], vector<16xi32>,
      %get3A_427 = arith.index_cast %add3A_383 : i32 to index
      %get3A_428 = arith.constant 96 : index
      %get3A_429 = tpu.vector_load %arg5[%get3A_427, %get3A_428] {strides = array<i32>} : memref<512x128xi32, #tpu.memory_space<vmem>>, vector<16xi32>,
      %add3A_430 = arith.constant 96 : i32
      %add3A_431 = vector.broadcast %add3A_430 : i32 to vector<16xi32>
      %add3A_432 = arith.addi %iota3A, %add3A_431 : vector<16xi32>
      tpu.vector_store_idx %arg7[%add3A_432, %get3A_429], %broadcast_in_dim3A_390 : memref<128x128xi32, #tpu.memory_space<vmem>>[vector<16xi32>, vector<16xi32>], vector<16xi32>,
      %get3A_433 = arith.index_cast %add3A_383 : i32 to index
      %get3A_434 = arith.constant 112 : index
      %get3A_435 = tpu.vector_load %arg5[%get3A_433, %get3A_434] {strides = array<i32>} : memref<512x128xi32, #tpu.memory_space<vmem>>, vector<16xi32>,
      %add3A_436 = arith.constant 112 : i32
      %add3A_437 = vector.broadcast %add3A_436 : i32 to vector<16xi32>
      %add3A_438 = arith.addi %iota3A, %add3A_437 : vector<16xi32>
      tpu.vector_store_idx %arg7[%add3A_438, %get3A_435], %broadcast_in_dim3A_390 : memref<128x128xi32, #tpu.memory_space<vmem>>[vector<16xi32>, vector<16xi32>], vector<16xi32>,
      %mul3A_439 = arith.constant 16 : i32
      %mul3A_440 = arith.muli %while3A_23, %mul3A_439 : i32
      %add3A_441 = arith.constant 7 : i32
      %add3A_442 = arith.addi %mul3A_440, %add3A_441 : i32
      %add3A_443 = arith.addi %mul3A_2, %add3A_442 : i32
      %mul3A_444 = arith.constant 128 : i32
      %mul3A_445 = arith.muli %add3A_443, %mul3A_444 : i32
      %slice3A_446 = vector.extract_strided_slice %get3A_27 {offsets = [7], sizes = [1], strides = [1]} : vector<16xi32> to vector<1xi32>
      %squeeze3A_447 = vector.extract %slice3A_446[0] : i32 from vector<1xi32>
      %add3A_448 = arith.addi %mul3A_445, %squeeze3A_447 : i32
      %broadcast_in_dim3A_449 = vector.broadcast %add3A_448 : i32 to vector<16xi32>
      %get3A_450 = arith.index_cast %add3A_442 : i32 to index
      %get3A_451 = arith.constant 0 : index
      %get3A_452 = tpu.vector_load %arg5[%get3A_450, %get3A_451] {strides = array<i32>} : memref<512x128xi32, #tpu.memory_space<vmem>>, vector<16xi32>,
      %add3A_453 = arith.constant 0 : i32
      %add3A_454 = vector.broadcast %add3A_453 : i32 to vector<16xi32>
      %add3A_455 = arith.addi %iota3A, %add3A_454 : vector<16xi32>
      tpu.vector_store_idx %arg7[%add3A_455, %get3A_452], %broadcast_in_dim3A_449 : memref<128x128xi32, #tpu.memory_space<vmem>>[vector<16xi32>, vector<16xi32>], vector<16xi32>,
      %get3A_456 = arith.index_cast %add3A_442 : i32 to index
      %get3A_457 = arith.constant 16 : index
      %get3A_458 = tpu.vector_load %arg5[%get3A_456, %get3A_457] {strides = array<i32>} : memref<512x128xi32, #tpu.memory_space<vmem>>, vector<16xi32>,
      %add3A_459 = arith.constant 16 : i32
      %add3A_460 = vector.broadcast %add3A_459 : i32 to vector<16xi32>
      %add3A_461 = arith.addi %iota3A, %add3A_460 : vector<16xi32>
      tpu.vector_store_idx %arg7[%add3A_461, %get3A_458], %broadcast_in_dim3A_449 : memref<128x128xi32, #tpu.memory_space<vmem>>[vector<16xi32>, vector<16xi32>], vector<16xi32>,
      %get3A_462 = arith.index_cast %add3A_442 : i32 to index
      %get3A_463 = arith.constant 32 : index
      %get3A_464 = tpu.vector_load %arg5[%get3A_462, %get3A_463] {strides = array<i32>} : memref<512x128xi32, #tpu.memory_space<vmem>>, vector<16xi32>,
      %add3A_465 = arith.constant 32 : i32
      %add3A_466 = vector.broadcast %add3A_465 : i32 to vector<16xi32>
      %add3A_467 = arith.addi %iota3A, %add3A_466 : vector<16xi32>
      tpu.vector_store_idx %arg7[%add3A_467, %get3A_464], %broadcast_in_dim3A_449 : memref<128x128xi32, #tpu.memory_space<vmem>>[vector<16xi32>, vector<16xi32>], vector<16xi32>,
      %get3A_468 = arith.index_cast %add3A_442 : i32 to index
      %get3A_469 = arith.constant 48 : index
      %get3A_470 = tpu.vector_load %arg5[%get3A_468, %get3A_469] {strides = array<i32>} : memref<512x128xi32, #tpu.memory_space<vmem>>, vector<16xi32>,
      %add3A_471 = arith.constant 48 : i32
      %add3A_472 = vector.broadcast %add3A_471 : i32 to vector<16xi32>
      %add3A_473 = arith.addi %iota3A, %add3A_472 : vector<16xi32>
      tpu.vector_store_idx %arg7[%add3A_473, %get3A_470], %broadcast_in_dim3A_449 : memref<128x128xi32, #tpu.memory_space<vmem>>[vector<16xi32>, vector<16xi32>], vector<16xi32>,
      %get3A_474 = arith.index_cast %add3A_442 : i32 to index
      %get3A_475 = arith.constant 64 : index
      %get3A_476 = tpu.vector_load %arg5[%get3A_474, %get3A_475] {strides = array<i32>} : memref<512x128xi32, #tpu.memory_space<vmem>>, vector<16xi32>,
      %add3A_477 = arith.constant 64 : i32
      %add3A_478 = vector.broadcast %add3A_477 : i32 to vector<16xi32>
      %add3A_479 = arith.addi %iota3A, %add3A_478 : vector<16xi32>
      tpu.vector_store_idx %arg7[%add3A_479, %get3A_476], %broadcast_in_dim3A_449 : memref<128x128xi32, #tpu.memory_space<vmem>>[vector<16xi32>, vector<16xi32>], vector<16xi32>,
      %get3A_480 = arith.index_cast %add3A_442 : i32 to index
      %get3A_481 = arith.constant 80 : index
      %get3A_482 = tpu.vector_load %arg5[%get3A_480, %get3A_481] {strides = array<i32>} : memref<512x128xi32, #tpu.memory_space<vmem>>, vector<16xi32>,
      %add3A_483 = arith.constant 80 : i32
      %add3A_484 = vector.broadcast %add3A_483 : i32 to vector<16xi32>
      %add3A_485 = arith.addi %iota3A, %add3A_484 : vector<16xi32>
      tpu.vector_store_idx %arg7[%add3A_485, %get3A_482], %broadcast_in_dim3A_449 : memref<128x128xi32, #tpu.memory_space<vmem>>[vector<16xi32>, vector<16xi32>], vector<16xi32>,
      %get3A_486 = arith.index_cast %add3A_442 : i32 to index
      %get3A_487 = arith.constant 96 : index
      %get3A_488 = tpu.vector_load %arg5[%get3A_486, %get3A_487] {strides = array<i32>} : memref<512x128xi32, #tpu.memory_space<vmem>>, vector<16xi32>,
      %add3A_489 = arith.constant 96 : i32
      %add3A_490 = vector.broadcast %add3A_489 : i32 to vector<16xi32>
      %add3A_491 = arith.addi %iota3A, %add3A_490 : vector<16xi32>
      tpu.vector_store_idx %arg7[%add3A_491, %get3A_488], %broadcast_in_dim3A_449 : memref<128x128xi32, #tpu.memory_space<vmem>>[vector<16xi32>, vector<16xi32>], vector<16xi32>,
      %get3A_492 = arith.index_cast %add3A_442 : i32 to index
      %get3A_493 = arith.constant 112 : index
      %get3A_494 = tpu.vector_load %arg5[%get3A_492, %get3A_493] {strides = array<i32>} : memref<512x128xi32, #tpu.memory_space<vmem>>, vector<16xi32>,
      %add3A_495 = arith.constant 112 : i32
      %add3A_496 = vector.broadcast %add3A_495 : i32 to vector<16xi32>
      %add3A_497 = arith.addi %iota3A, %add3A_496 : vector<16xi32>
      tpu.vector_store_idx %arg7[%add3A_497, %get3A_494], %broadcast_in_dim3A_449 : memref<128x128xi32, #tpu.memory_space<vmem>>[vector<16xi32>, vector<16xi32>], vector<16xi32>,
      %mul3A_498 = arith.constant 16 : i32
      %mul3A_499 = arith.muli %while3A_23, %mul3A_498 : i32
      %add3A_500 = arith.constant 8 : i32
      %add3A_501 = arith.addi %mul3A_499, %add3A_500 : i32
      %add3A_502 = arith.addi %mul3A_2, %add3A_501 : i32
      %mul3A_503 = arith.constant 128 : i32
      %mul3A_504 = arith.muli %add3A_502, %mul3A_503 : i32
      %slice3A_505 = vector.extract_strided_slice %get3A_27 {offsets = [8], sizes = [1], strides = [1]} : vector<16xi32> to vector<1xi32>
      %squeeze3A_506 = vector.extract %slice3A_505[0] : i32 from vector<1xi32>
      %add3A_507 = arith.addi %mul3A_504, %squeeze3A_506 : i32
      %broadcast_in_dim3A_508 = vector.broadcast %add3A_507 : i32 to vector<16xi32>
      %get3A_509 = arith.index_cast %add3A_501 : i32 to index
      %get3A_510 = arith.constant 0 : index
      %get3A_511 = tpu.vector_load %arg5[%get3A_509, %get3A_510] {strides = array<i32>} : memref<512x128xi32, #tpu.memory_space<vmem>>, vector<16xi32>,
      %add3A_512 = arith.constant 0 : i32
      %add3A_513 = vector.broadcast %add3A_512 : i32 to vector<16xi32>
      %add3A_514 = arith.addi %iota3A, %add3A_513 : vector<16xi32>
      tpu.vector_store_idx %arg7[%add3A_514, %get3A_511], %broadcast_in_dim3A_508 : memref<128x128xi32, #tpu.memory_space<vmem>>[vector<16xi32>, vector<16xi32>], vector<16xi32>,
      %get3A_515 = arith.index_cast %add3A_501 : i32 to index
      %get3A_516 = arith.constant 16 : index
      %get3A_517 = tpu.vector_load %arg5[%get3A_515, %get3A_516] {strides = array<i32>} : memref<512x128xi32, #tpu.memory_space<vmem>>, vector<16xi32>,
      %add3A_518 = arith.constant 16 : i32
      %add3A_519 = vector.broadcast %add3A_518 : i32 to vector<16xi32>
      %add3A_520 = arith.addi %iota3A, %add3A_519 : vector<16xi32>
      tpu.vector_store_idx %arg7[%add3A_520, %get3A_517], %broadcast_in_dim3A_508 : memref<128x128xi32, #tpu.memory_space<vmem>>[vector<16xi32>, vector<16xi32>], vector<16xi32>,
      %get3A_521 = arith.index_cast %add3A_501 : i32 to index
      %get3A_522 = arith.constant 32 : index
      %get3A_523 = tpu.vector_load %arg5[%get3A_521, %get3A_522] {strides = array<i32>} : memref<512x128xi32, #tpu.memory_space<vmem>>, vector<16xi32>,
      %add3A_524 = arith.constant 32 : i32
      %add3A_525 = vector.broadcast %add3A_524 : i32 to vector<16xi32>
      %add3A_526 = arith.addi %iota3A, %add3A_525 : vector<16xi32>
      tpu.vector_store_idx %arg7[%add3A_526, %get3A_523], %broadcast_in_dim3A_508 : memref<128x128xi32, #tpu.memory_space<vmem>>[vector<16xi32>, vector<16xi32>], vector<16xi32>,
      %get3A_527 = arith.index_cast %add3A_501 : i32 to index
      %get3A_528 = arith.constant 48 : index
      %get3A_529 = tpu.vector_load %arg5[%get3A_527, %get3A_528] {strides = array<i32>} : memref<512x128xi32, #tpu.memory_space<vmem>>, vector<16xi32>,
      %add3A_530 = arith.constant 48 : i32
      %add3A_531 = vector.broadcast %add3A_530 : i32 to vector<16xi32>
      %add3A_532 = arith.addi %iota3A, %add3A_531 : vector<16xi32>
      tpu.vector_store_idx %arg7[%add3A_532, %get3A_529], %broadcast_in_dim3A_508 : memref<128x128xi32, #tpu.memory_space<vmem>>[vector<16xi32>, vector<16xi32>], vector<16xi32>,
      %get3A_533 = arith.index_cast %add3A_501 : i32 to index
      %get3A_534 = arith.constant 64 : index
      %get3A_535 = tpu.vector_load %arg5[%get3A_533, %get3A_534] {strides = array<i32>} : memref<512x128xi32, #tpu.memory_space<vmem>>, vector<16xi32>,
      %add3A_536 = arith.constant 64 : i32
      %add3A_537 = vector.broadcast %add3A_536 : i32 to vector<16xi32>
      %add3A_538 = arith.addi %iota3A, %add3A_537 : vector<16xi32>
      tpu.vector_store_idx %arg7[%add3A_538, %get3A_535], %broadcast_in_dim3A_508 : memref<128x128xi32, #tpu.memory_space<vmem>>[vector<16xi32>, vector<16xi32>], vector<16xi32>,
      %get3A_539 = arith.index_cast %add3A_501 : i32 to index
      %get3A_540 = arith.constant 80 : index
      %get3A_541 = tpu.vector_load %arg5[%get3A_539, %get3A_540] {strides = array<i32>} : memref<512x128xi32, #tpu.memory_space<vmem>>, vector<16xi32>,
      %add3A_542 = arith.constant 80 : i32
      %add3A_543 = vector.broadcast %add3A_542 : i32 to vector<16xi32>
      %add3A_544 = arith.addi %iota3A, %add3A_543 : vector<16xi32>
      tpu.vector_store_idx %arg7[%add3A_544, %get3A_541], %broadcast_in_dim3A_508 : memref<128x128xi32, #tpu.memory_space<vmem>>[vector<16xi32>, vector<16xi32>], vector<16xi32>,
      %get3A_545 = arith.index_cast %add3A_501 : i32 to index
      %get3A_546 = arith.constant 96 : index
      %get3A_547 = tpu.vector_load %arg5[%get3A_545, %get3A_546] {strides = array<i32>} : memref<512x128xi32, #tpu.memory_space<vmem>>, vector<16xi32>,
      %add3A_548 = arith.constant 96 : i32
      %add3A_549 = vector.broadcast %add3A_548 : i32 to vector<16xi32>
      %add3A_550 = arith.addi %iota3A, %add3A_549 : vector<16xi32>
      tpu.vector_store_idx %arg7[%add3A_550, %get3A_547], %broadcast_in_dim3A_508 : memref<128x128xi32, #tpu.memory_space<vmem>>[vector<16xi32>, vector<16xi32>], vector<16xi32>,
      %get3A_551 = arith.index_cast %add3A_501 : i32 to index
      %get3A_552 = arith.constant 112 : index
      %get3A_553 = tpu.vector_load %arg5[%get3A_551, %get3A_552] {strides = array<i32>} : memref<512x128xi32, #tpu.memory_space<vmem>>, vector<16xi32>,
      %add3A_554 = arith.constant 112 : i32
      %add3A_555 = vector.broadcast %add3A_554 : i32 to vector<16xi32>
      %add3A_556 = arith.addi %iota3A, %add3A_555 : vector<16xi32>
      tpu.vector_store_idx %arg7[%add3A_556, %get3A_553], %broadcast_in_dim3A_508 : memref<128x128xi32, #tpu.memory_space<vmem>>[vector<16xi32>, vector<16xi32>], vector<16xi32>,
      %mul3A_557 = arith.constant 16 : i32
      %mul3A_558 = arith.muli %while3A_23, %mul3A_557 : i32
      %add3A_559 = arith.constant 9 : i32
      %add3A_560 = arith.addi %mul3A_558, %add3A_559 : i32
      %add3A_561 = arith.addi %mul3A_2, %add3A_560 : i32
      %mul3A_562 = arith.constant 128 : i32
      %mul3A_563 = arith.muli %add3A_561, %mul3A_562 : i32
      %slice3A_564 = vector.extract_strided_slice %get3A_27 {offsets = [9], sizes = [1], strides = [1]} : vector<16xi32> to vector<1xi32>
      %squeeze3A_565 = vector.extract %slice3A_564[0] : i32 from vector<1xi32>
      %add3A_566 = arith.addi %mul3A_563, %squeeze3A_565 : i32
      %broadcast_in_dim3A_567 = vector.broadcast %add3A_566 : i32 to vector<16xi32>
      %get3A_568 = arith.index_cast %add3A_560 : i32 to index
      %get3A_569 = arith.constant 0 : index
      %get3A_570 = tpu.vector_load %arg5[%get3A_568, %get3A_569] {strides = array<i32>} : memref<512x128xi32, #tpu.memory_space<vmem>>, vector<16xi32>,
      %add3A_571 = arith.constant 0 : i32
      %add3A_572 = vector.broadcast %add3A_571 : i32 to vector<16xi32>
      %add3A_573 = arith.addi %iota3A, %add3A_572 : vector<16xi32>
      tpu.vector_store_idx %arg7[%add3A_573, %get3A_570], %broadcast_in_dim3A_567 : memref<128x128xi32, #tpu.memory_space<vmem>>[vector<16xi32>, vector<16xi32>], vector<16xi32>,
      %get3A_574 = arith.index_cast %add3A_560 : i32 to index
      %get3A_575 = arith.constant 16 : index
      %get3A_576 = tpu.vector_load %arg5[%get3A_574, %get3A_575] {strides = array<i32>} : memref<512x128xi32, #tpu.memory_space<vmem>>, vector<16xi32>,
      %add3A_577 = arith.constant 16 : i32
      %add3A_578 = vector.broadcast %add3A_577 : i32 to vector<16xi32>
      %add3A_579 = arith.addi %iota3A, %add3A_578 : vector<16xi32>
      tpu.vector_store_idx %arg7[%add3A_579, %get3A_576], %broadcast_in_dim3A_567 : memref<128x128xi32, #tpu.memory_space<vmem>>[vector<16xi32>, vector<16xi32>], vector<16xi32>,
      %get3A_580 = arith.index_cast %add3A_560 : i32 to index
      %get3A_581 = arith.constant 32 : index
      %get3A_582 = tpu.vector_load %arg5[%get3A_580, %get3A_581] {strides = array<i32>} : memref<512x128xi32, #tpu.memory_space<vmem>>, vector<16xi32>,
      %add3A_583 = arith.constant 32 : i32
      %add3A_584 = vector.broadcast %add3A_583 : i32 to vector<16xi32>
      %add3A_585 = arith.addi %iota3A, %add3A_584 : vector<16xi32>
      tpu.vector_store_idx %arg7[%add3A_585, %get3A_582], %broadcast_in_dim3A_567 : memref<128x128xi32, #tpu.memory_space<vmem>>[vector<16xi32>, vector<16xi32>], vector<16xi32>,
      %get3A_586 = arith.index_cast %add3A_560 : i32 to index
      %get3A_587 = arith.constant 48 : index
      %get3A_588 = tpu.vector_load %arg5[%get3A_586, %get3A_587] {strides = array<i32>} : memref<512x128xi32, #tpu.memory_space<vmem>>, vector<16xi32>,
      %add3A_589 = arith.constant 48 : i32
      %add3A_590 = vector.broadcast %add3A_589 : i32 to vector<16xi32>
      %add3A_591 = arith.addi %iota3A, %add3A_590 : vector<16xi32>
      tpu.vector_store_idx %arg7[%add3A_591, %get3A_588], %broadcast_in_dim3A_567 : memref<128x128xi32, #tpu.memory_space<vmem>>[vector<16xi32>, vector<16xi32>], vector<16xi32>,
      %get3A_592 = arith.index_cast %add3A_560 : i32 to index
      %get3A_593 = arith.constant 64 : index
      %get3A_594 = tpu.vector_load %arg5[%get3A_592, %get3A_593] {strides = array<i32>} : memref<512x128xi32, #tpu.memory_space<vmem>>, vector<16xi32>,
      %add3A_595 = arith.constant 64 : i32
      %add3A_596 = vector.broadcast %add3A_595 : i32 to vector<16xi32>
      %add3A_597 = arith.addi %iota3A, %add3A_596 : vector<16xi32>
      tpu.vector_store_idx %arg7[%add3A_597, %get3A_594], %broadcast_in_dim3A_567 : memref<128x128xi32, #tpu.memory_space<vmem>>[vector<16xi32>, vector<16xi32>], vector<16xi32>,
      %get3A_598 = arith.index_cast %add3A_560 : i32 to index
      %get3A_599 = arith.constant 80 : index
      %get3A_600 = tpu.vector_load %arg5[%get3A_598, %get3A_599] {strides = array<i32>} : memref<512x128xi32, #tpu.memory_space<vmem>>, vector<16xi32>,
      %add3A_601 = arith.constant 80 : i32
      %add3A_602 = vector.broadcast %add3A_601 : i32 to vector<16xi32>
      %add3A_603 = arith.addi %iota3A, %add3A_602 : vector<16xi32>
      tpu.vector_store_idx %arg7[%add3A_603, %get3A_600], %broadcast_in_dim3A_567 : memref<128x128xi32, #tpu.memory_space<vmem>>[vector<16xi32>, vector<16xi32>], vector<16xi32>,
      %get3A_604 = arith.index_cast %add3A_560 : i32 to index
      %get3A_605 = arith.constant 96 : index
      %get3A_606 = tpu.vector_load %arg5[%get3A_604, %get3A_605] {strides = array<i32>} : memref<512x128xi32, #tpu.memory_space<vmem>>, vector<16xi32>,
      %add3A_607 = arith.constant 96 : i32
      %add3A_608 = vector.broadcast %add3A_607 : i32 to vector<16xi32>
      %add3A_609 = arith.addi %iota3A, %add3A_608 : vector<16xi32>
      tpu.vector_store_idx %arg7[%add3A_609, %get3A_606], %broadcast_in_dim3A_567 : memref<128x128xi32, #tpu.memory_space<vmem>>[vector<16xi32>, vector<16xi32>], vector<16xi32>,
      %get3A_610 = arith.index_cast %add3A_560 : i32 to index
      %get3A_611 = arith.constant 112 : index
      %get3A_612 = tpu.vector_load %arg5[%get3A_610, %get3A_611] {strides = array<i32>} : memref<512x128xi32, #tpu.memory_space<vmem>>, vector<16xi32>,
      %add3A_613 = arith.constant 112 : i32
      %add3A_614 = vector.broadcast %add3A_613 : i32 to vector<16xi32>
      %add3A_615 = arith.addi %iota3A, %add3A_614 : vector<16xi32>
      tpu.vector_store_idx %arg7[%add3A_615, %get3A_612], %broadcast_in_dim3A_567 : memref<128x128xi32, #tpu.memory_space<vmem>>[vector<16xi32>, vector<16xi32>], vector<16xi32>,
      %mul3A_616 = arith.constant 16 : i32
      %mul3A_617 = arith.muli %while3A_23, %mul3A_616 : i32
      %add3A_618 = arith.constant 10 : i32
      %add3A_619 = arith.addi %mul3A_617, %add3A_618 : i32
      %add3A_620 = arith.addi %mul3A_2, %add3A_619 : i32
      %mul3A_621 = arith.constant 128 : i32
      %mul3A_622 = arith.muli %add3A_620, %mul3A_621 : i32
      %slice3A_623 = vector.extract_strided_slice %get3A_27 {offsets = [10], sizes = [1], strides = [1]} : vector<16xi32> to vector<1xi32>
      %squeeze3A_624 = vector.extract %slice3A_623[0] : i32 from vector<1xi32>
      %add3A_625 = arith.addi %mul3A_622, %squeeze3A_624 : i32
      %broadcast_in_dim3A_626 = vector.broadcast %add3A_625 : i32 to vector<16xi32>
      %get3A_627 = arith.index_cast %add3A_619 : i32 to index
      %get3A_628 = arith.constant 0 : index
      %get3A_629 = tpu.vector_load %arg5[%get3A_627, %get3A_628] {strides = array<i32>} : memref<512x128xi32, #tpu.memory_space<vmem>>, vector<16xi32>,
      %add3A_630 = arith.constant 0 : i32
      %add3A_631 = vector.broadcast %add3A_630 : i32 to vector<16xi32>
      %add3A_632 = arith.addi %iota3A, %add3A_631 : vector<16xi32>
      tpu.vector_store_idx %arg7[%add3A_632, %get3A_629], %broadcast_in_dim3A_626 : memref<128x128xi32, #tpu.memory_space<vmem>>[vector<16xi32>, vector<16xi32>], vector<16xi32>,
      %get3A_633 = arith.index_cast %add3A_619 : i32 to index
      %get3A_634 = arith.constant 16 : index
      %get3A_635 = tpu.vector_load %arg5[%get3A_633, %get3A_634] {strides = array<i32>} : memref<512x128xi32, #tpu.memory_space<vmem>>, vector<16xi32>,
      %add3A_636 = arith.constant 16 : i32
      %add3A_637 = vector.broadcast %add3A_636 : i32 to vector<16xi32>
      %add3A_638 = arith.addi %iota3A, %add3A_637 : vector<16xi32>
      tpu.vector_store_idx %arg7[%add3A_638, %get3A_635], %broadcast_in_dim3A_626 : memref<128x128xi32, #tpu.memory_space<vmem>>[vector<16xi32>, vector<16xi32>], vector<16xi32>,
      %get3A_639 = arith.index_cast %add3A_619 : i32 to index
      %get3A_640 = arith.constant 32 : index
      %get3A_641 = tpu.vector_load %arg5[%get3A_639, %get3A_640] {strides = array<i32>} : memref<512x128xi32, #tpu.memory_space<vmem>>, vector<16xi32>,
      %add3A_642 = arith.constant 32 : i32
      %add3A_643 = vector.broadcast %add3A_642 : i32 to vector<16xi32>
      %add3A_644 = arith.addi %iota3A, %add3A_643 : vector<16xi32>
      tpu.vector_store_idx %arg7[%add3A_644, %get3A_641], %broadcast_in_dim3A_626 : memref<128x128xi32, #tpu.memory_space<vmem>>[vector<16xi32>, vector<16xi32>], vector<16xi32>,
      %get3A_645 = arith.index_cast %add3A_619 : i32 to index
      %get3A_646 = arith.constant 48 : index
      %get3A_647 = tpu.vector_load %arg5[%get3A_645, %get3A_646] {strides = array<i32>} : memref<512x128xi32, #tpu.memory_space<vmem>>, vector<16xi32>,
      %add3A_648 = arith.constant 48 : i32
      %add3A_649 = vector.broadcast %add3A_648 : i32 to vector<16xi32>
      %add3A_650 = arith.addi %iota3A, %add3A_649 : vector<16xi32>
      tpu.vector_store_idx %arg7[%add3A_650, %get3A_647], %broadcast_in_dim3A_626 : memref<128x128xi32, #tpu.memory_space<vmem>>[vector<16xi32>, vector<16xi32>], vector<16xi32>,
      %get3A_651 = arith.index_cast %add3A_619 : i32 to index
      %get3A_652 = arith.constant 64 : index
      %get3A_653 = tpu.vector_load %arg5[%get3A_651, %get3A_652] {strides = array<i32>} : memref<512x128xi32, #tpu.memory_space<vmem>>, vector<16xi32>,
      %add3A_654 = arith.constant 64 : i32
      %add3A_655 = vector.broadcast %add3A_654 : i32 to vector<16xi32>
      %add3A_656 = arith.addi %iota3A, %add3A_655 : vector<16xi32>
      tpu.vector_store_idx %arg7[%add3A_656, %get3A_653], %broadcast_in_dim3A_626 : memref<128x128xi32, #tpu.memory_space<vmem>>[vector<16xi32>, vector<16xi32>], vector<16xi32>,
      %get3A_657 = arith.index_cast %add3A_619 : i32 to index
      %get3A_658 = arith.constant 80 : index
      %get3A_659 = tpu.vector_load %arg5[%get3A_657, %get3A_658] {strides = array<i32>} : memref<512x128xi32, #tpu.memory_space<vmem>>, vector<16xi32>,
      %add3A_660 = arith.constant 80 : i32
      %add3A_661 = vector.broadcast %add3A_660 : i32 to vector<16xi32>
      %add3A_662 = arith.addi %iota3A, %add3A_661 : vector<16xi32>
      tpu.vector_store_idx %arg7[%add3A_662, %get3A_659], %broadcast_in_dim3A_626 : memref<128x128xi32, #tpu.memory_space<vmem>>[vector<16xi32>, vector<16xi32>], vector<16xi32>,
      %get3A_663 = arith.index_cast %add3A_619 : i32 to index
      %get3A_664 = arith.constant 96 : index
      %get3A_665 = tpu.vector_load %arg5[%get3A_663, %get3A_664] {strides = array<i32>} : memref<512x128xi32, #tpu.memory_space<vmem>>, vector<16xi32>,
      %add3A_666 = arith.constant 96 : i32
      %add3A_667 = vector.broadcast %add3A_666 : i32 to vector<16xi32>
      %add3A_668 = arith.addi %iota3A, %add3A_667 : vector<16xi32>
      tpu.vector_store_idx %arg7[%add3A_668, %get3A_665], %broadcast_in_dim3A_626 : memref<128x128xi32, #tpu.memory_space<vmem>>[vector<16xi32>, vector<16xi32>], vector<16xi32>,
      %get3A_669 = arith.index_cast %add3A_619 : i32 to index
      %get3A_670 = arith.constant 112 : index
      %get3A_671 = tpu.vector_load %arg5[%get3A_669, %get3A_670] {strides = array<i32>} : memref<512x128xi32, #tpu.memory_space<vmem>>, vector<16xi32>,
      %add3A_672 = arith.constant 112 : i32
      %add3A_673 = vector.broadcast %add3A_672 : i32 to vector<16xi32>
      %add3A_674 = arith.addi %iota3A, %add3A_673 : vector<16xi32>
      tpu.vector_store_idx %arg7[%add3A_674, %get3A_671], %broadcast_in_dim3A_626 : memref<128x128xi32, #tpu.memory_space<vmem>>[vector<16xi32>, vector<16xi32>], vector<16xi32>,
      %mul3A_675 = arith.constant 16 : i32
      %mul3A_676 = arith.muli %while3A_23, %mul3A_675 : i32
      %add3A_677 = arith.constant 11 : i32
      %add3A_678 = arith.addi %mul3A_676, %add3A_677 : i32
      %add3A_679 = arith.addi %mul3A_2, %add3A_678 : i32
      %mul3A_680 = arith.constant 128 : i32
      %mul3A_681 = arith.muli %add3A_679, %mul3A_680 : i32
      %slice3A_682 = vector.extract_strided_slice %get3A_27 {offsets = [11], sizes = [1], strides = [1]} : vector<16xi32> to vector<1xi32>
      %squeeze3A_683 = vector.extract %slice3A_682[0] : i32 from vector<1xi32>
      %add3A_684 = arith.addi %mul3A_681, %squeeze3A_683 : i32
      %broadcast_in_dim3A_685 = vector.broadcast %add3A_684 : i32 to vector<16xi32>
      %get3A_686 = arith.index_cast %add3A_678 : i32 to index
      %get3A_687 = arith.constant 0 : index
      %get3A_688 = tpu.vector_load %arg5[%get3A_686, %get3A_687] {strides = array<i32>} : memref<512x128xi32, #tpu.memory_space<vmem>>, vector<16xi32>,
      %add3A_689 = arith.constant 0 : i32
      %add3A_690 = vector.broadcast %add3A_689 : i32 to vector<16xi32>
      %add3A_691 = arith.addi %iota3A, %add3A_690 : vector<16xi32>
      tpu.vector_store_idx %arg7[%add3A_691, %get3A_688], %broadcast_in_dim3A_685 : memref<128x128xi32, #tpu.memory_space<vmem>>[vector<16xi32>, vector<16xi32>], vector<16xi32>,
      %get3A_692 = arith.index_cast %add3A_678 : i32 to index
      %get3A_693 = arith.constant 16 : index
      %get3A_694 = tpu.vector_load %arg5[%get3A_692, %get3A_693] {strides = array<i32>} : memref<512x128xi32, #tpu.memory_space<vmem>>, vector<16xi32>,
      %add3A_695 = arith.constant 16 : i32
      %add3A_696 = vector.broadcast %add3A_695 : i32 to vector<16xi32>
      %add3A_697 = arith.addi %iota3A, %add3A_696 : vector<16xi32>
      tpu.vector_store_idx %arg7[%add3A_697, %get3A_694], %broadcast_in_dim3A_685 : memref<128x128xi32, #tpu.memory_space<vmem>>[vector<16xi32>, vector<16xi32>], vector<16xi32>,
      %get3A_698 = arith.index_cast %add3A_678 : i32 to index
      %get3A_699 = arith.constant 32 : index
      %get3A_700 = tpu.vector_load %arg5[%get3A_698, %get3A_699] {strides = array<i32>} : memref<512x128xi32, #tpu.memory_space<vmem>>, vector<16xi32>,
      %add3A_701 = arith.constant 32 : i32
      %add3A_702 = vector.broadcast %add3A_701 : i32 to vector<16xi32>
      %add3A_703 = arith.addi %iota3A, %add3A_702 : vector<16xi32>
      tpu.vector_store_idx %arg7[%add3A_703, %get3A_700], %broadcast_in_dim3A_685 : memref<128x128xi32, #tpu.memory_space<vmem>>[vector<16xi32>, vector<16xi32>], vector<16xi32>,
      %get3A_704 = arith.index_cast %add3A_678 : i32 to index
      %get3A_705 = arith.constant 48 : index
      %get3A_706 = tpu.vector_load %arg5[%get3A_704, %get3A_705] {strides = array<i32>} : memref<512x128xi32, #tpu.memory_space<vmem>>, vector<16xi32>,
      %add3A_707 = arith.constant 48 : i32
      %add3A_708 = vector.broadcast %add3A_707 : i32 to vector<16xi32>
      %add3A_709 = arith.addi %iota3A, %add3A_708 : vector<16xi32>
      tpu.vector_store_idx %arg7[%add3A_709, %get3A_706], %broadcast_in_dim3A_685 : memref<128x128xi32, #tpu.memory_space<vmem>>[vector<16xi32>, vector<16xi32>], vector<16xi32>,
      %get3A_710 = arith.index_cast %add3A_678 : i32 to index
      %get3A_711 = arith.constant 64 : index
      %get3A_712 = tpu.vector_load %arg5[%get3A_710, %get3A_711] {strides = array<i32>} : memref<512x128xi32, #tpu.memory_space<vmem>>, vector<16xi32>,
      %add3A_713 = arith.constant 64 : i32
      %add3A_714 = vector.broadcast %add3A_713 : i32 to vector<16xi32>
      %add3A_715 = arith.addi %iota3A, %add3A_714 : vector<16xi32>
      tpu.vector_store_idx %arg7[%add3A_715, %get3A_712], %broadcast_in_dim3A_685 : memref<128x128xi32, #tpu.memory_space<vmem>>[vector<16xi32>, vector<16xi32>], vector<16xi32>,
      %get3A_716 = arith.index_cast %add3A_678 : i32 to index
      %get3A_717 = arith.constant 80 : index
      %get3A_718 = tpu.vector_load %arg5[%get3A_716, %get3A_717] {strides = array<i32>} : memref<512x128xi32, #tpu.memory_space<vmem>>, vector<16xi32>,
      %add3A_719 = arith.constant 80 : i32
      %add3A_720 = vector.broadcast %add3A_719 : i32 to vector<16xi32>
      %add3A_721 = arith.addi %iota3A, %add3A_720 : vector<16xi32>
      tpu.vector_store_idx %arg7[%add3A_721, %get3A_718], %broadcast_in_dim3A_685 : memref<128x128xi32, #tpu.memory_space<vmem>>[vector<16xi32>, vector<16xi32>], vector<16xi32>,
      %get3A_722 = arith.index_cast %add3A_678 : i32 to index
      %get3A_723 = arith.constant 96 : index
      %get3A_724 = tpu.vector_load %arg5[%get3A_722, %get3A_723] {strides = array<i32>} : memref<512x128xi32, #tpu.memory_space<vmem>>, vector<16xi32>,
      %add3A_725 = arith.constant 96 : i32
      %add3A_726 = vector.broadcast %add3A_725 : i32 to vector<16xi32>
      %add3A_727 = arith.addi %iota3A, %add3A_726 : vector<16xi32>
      tpu.vector_store_idx %arg7[%add3A_727, %get3A_724], %broadcast_in_dim3A_685 : memref<128x128xi32, #tpu.memory_space<vmem>>[vector<16xi32>, vector<16xi32>], vector<16xi32>,
      %get3A_728 = arith.index_cast %add3A_678 : i32 to index
      %get3A_729 = arith.constant 112 : index
      %get3A_730 = tpu.vector_load %arg5[%get3A_728, %get3A_729] {strides = array<i32>} : memref<512x128xi32, #tpu.memory_space<vmem>>, vector<16xi32>,
      %add3A_731 = arith.constant 112 : i32
      %add3A_732 = vector.broadcast %add3A_731 : i32 to vector<16xi32>
      %add3A_733 = arith.addi %iota3A, %add3A_732 : vector<16xi32>
      tpu.vector_store_idx %arg7[%add3A_733, %get3A_730], %broadcast_in_dim3A_685 : memref<128x128xi32, #tpu.memory_space<vmem>>[vector<16xi32>, vector<16xi32>], vector<16xi32>,
      %mul3A_734 = arith.constant 16 : i32
      %mul3A_735 = arith.muli %while3A_23, %mul3A_734 : i32
      %add3A_736 = arith.constant 12 : i32
      %add3A_737 = arith.addi %mul3A_735, %add3A_736 : i32
      %add3A_738 = arith.addi %mul3A_2, %add3A_737 : i32
      %mul3A_739 = arith.constant 128 : i32
      %mul3A_740 = arith.muli %add3A_738, %mul3A_739 : i32
      %slice3A_741 = vector.extract_strided_slice %get3A_27 {offsets = [12], sizes = [1], strides = [1]} : vector<16xi32> to vector<1xi32>
      %squeeze3A_742 = vector.extract %slice3A_741[0] : i32 from vector<1xi32>
      %add3A_743 = arith.addi %mul3A_740, %squeeze3A_742 : i32
      %broadcast_in_dim3A_744 = vector.broadcast %add3A_743 : i32 to vector<16xi32>
      %get3A_745 = arith.index_cast %add3A_737 : i32 to index
      %get3A_746 = arith.constant 0 : index
      %get3A_747 = tpu.vector_load %arg5[%get3A_745, %get3A_746] {strides = array<i32>} : memref<512x128xi32, #tpu.memory_space<vmem>>, vector<16xi32>,
      %add3A_748 = arith.constant 0 : i32
      %add3A_749 = vector.broadcast %add3A_748 : i32 to vector<16xi32>
      %add3A_750 = arith.addi %iota3A, %add3A_749 : vector<16xi32>
      tpu.vector_store_idx %arg7[%add3A_750, %get3A_747], %broadcast_in_dim3A_744 : memref<128x128xi32, #tpu.memory_space<vmem>>[vector<16xi32>, vector<16xi32>], vector<16xi32>,
      %get3A_751 = arith.index_cast %add3A_737 : i32 to index
      %get3A_752 = arith.constant 16 : index
      %get3A_753 = tpu.vector_load %arg5[%get3A_751, %get3A_752] {strides = array<i32>} : memref<512x128xi32, #tpu.memory_space<vmem>>, vector<16xi32>,
      %add3A_754 = arith.constant 16 : i32
      %add3A_755 = vector.broadcast %add3A_754 : i32 to vector<16xi32>
      %add3A_756 = arith.addi %iota3A, %add3A_755 : vector<16xi32>
      tpu.vector_store_idx %arg7[%add3A_756, %get3A_753], %broadcast_in_dim3A_744 : memref<128x128xi32, #tpu.memory_space<vmem>>[vector<16xi32>, vector<16xi32>], vector<16xi32>,
      %get3A_757 = arith.index_cast %add3A_737 : i32 to index
      %get3A_758 = arith.constant 32 : index
      %get3A_759 = tpu.vector_load %arg5[%get3A_757, %get3A_758] {strides = array<i32>} : memref<512x128xi32, #tpu.memory_space<vmem>>, vector<16xi32>,
      %add3A_760 = arith.constant 32 : i32
      %add3A_761 = vector.broadcast %add3A_760 : i32 to vector<16xi32>
      %add3A_762 = arith.addi %iota3A, %add3A_761 : vector<16xi32>
      tpu.vector_store_idx %arg7[%add3A_762, %get3A_759], %broadcast_in_dim3A_744 : memref<128x128xi32, #tpu.memory_space<vmem>>[vector<16xi32>, vector<16xi32>], vector<16xi32>,
      %get3A_763 = arith.index_cast %add3A_737 : i32 to index
      %get3A_764 = arith.constant 48 : index
      %get3A_765 = tpu.vector_load %arg5[%get3A_763, %get3A_764] {strides = array<i32>} : memref<512x128xi32, #tpu.memory_space<vmem>>, vector<16xi32>,
      %add3A_766 = arith.constant 48 : i32
      %add3A_767 = vector.broadcast %add3A_766 : i32 to vector<16xi32>
      %add3A_768 = arith.addi %iota3A, %add3A_767 : vector<16xi32>
      tpu.vector_store_idx %arg7[%add3A_768, %get3A_765], %broadcast_in_dim3A_744 : memref<128x128xi32, #tpu.memory_space<vmem>>[vector<16xi32>, vector<16xi32>], vector<16xi32>,
      %get3A_769 = arith.index_cast %add3A_737 : i32 to index
      %get3A_770 = arith.constant 64 : index
      %get3A_771 = tpu.vector_load %arg5[%get3A_769, %get3A_770] {strides = array<i32>} : memref<512x128xi32, #tpu.memory_space<vmem>>, vector<16xi32>,
      %add3A_772 = arith.constant 64 : i32
      %add3A_773 = vector.broadcast %add3A_772 : i32 to vector<16xi32>
      %add3A_774 = arith.addi %iota3A, %add3A_773 : vector<16xi32>
      tpu.vector_store_idx %arg7[%add3A_774, %get3A_771], %broadcast_in_dim3A_744 : memref<128x128xi32, #tpu.memory_space<vmem>>[vector<16xi32>, vector<16xi32>], vector<16xi32>,
      %get3A_775 = arith.index_cast %add3A_737 : i32 to index
      %get3A_776 = arith.constant 80 : index
      %get3A_777 = tpu.vector_load %arg5[%get3A_775, %get3A_776] {strides = array<i32>} : memref<512x128xi32, #tpu.memory_space<vmem>>, vector<16xi32>,
      %add3A_778 = arith.constant 80 : i32
      %add3A_779 = vector.broadcast %add3A_778 : i32 to vector<16xi32>
      %add3A_780 = arith.addi %iota3A, %add3A_779 : vector<16xi32>
      tpu.vector_store_idx %arg7[%add3A_780, %get3A_777], %broadcast_in_dim3A_744 : memref<128x128xi32, #tpu.memory_space<vmem>>[vector<16xi32>, vector<16xi32>], vector<16xi32>,
      %get3A_781 = arith.index_cast %add3A_737 : i32 to index
      %get3A_782 = arith.constant 96 : index
      %get3A_783 = tpu.vector_load %arg5[%get3A_781, %get3A_782] {strides = array<i32>} : memref<512x128xi32, #tpu.memory_space<vmem>>, vector<16xi32>,
      %add3A_784 = arith.constant 96 : i32
      %add3A_785 = vector.broadcast %add3A_784 : i32 to vector<16xi32>
      %add3A_786 = arith.addi %iota3A, %add3A_785 : vector<16xi32>
      tpu.vector_store_idx %arg7[%add3A_786, %get3A_783], %broadcast_in_dim3A_744 : memref<128x128xi32, #tpu.memory_space<vmem>>[vector<16xi32>, vector<16xi32>], vector<16xi32>,
      %get3A_787 = arith.index_cast %add3A_737 : i32 to index
      %get3A_788 = arith.constant 112 : index
      %get3A_789 = tpu.vector_load %arg5[%get3A_787, %get3A_788] {strides = array<i32>} : memref<512x128xi32, #tpu.memory_space<vmem>>, vector<16xi32>,
      %add3A_790 = arith.constant 112 : i32
      %add3A_791 = vector.broadcast %add3A_790 : i32 to vector<16xi32>
      %add3A_792 = arith.addi %iota3A, %add3A_791 : vector<16xi32>
      tpu.vector_store_idx %arg7[%add3A_792, %get3A_789], %broadcast_in_dim3A_744 : memref<128x128xi32, #tpu.memory_space<vmem>>[vector<16xi32>, vector<16xi32>], vector<16xi32>,
      %mul3A_793 = arith.constant 16 : i32
      %mul3A_794 = arith.muli %while3A_23, %mul3A_793 : i32
      %add3A_795 = arith.constant 13 : i32
      %add3A_796 = arith.addi %mul3A_794, %add3A_795 : i32
      %add3A_797 = arith.addi %mul3A_2, %add3A_796 : i32
      %mul3A_798 = arith.constant 128 : i32
      %mul3A_799 = arith.muli %add3A_797, %mul3A_798 : i32
      %slice3A_800 = vector.extract_strided_slice %get3A_27 {offsets = [13], sizes = [1], strides = [1]} : vector<16xi32> to vector<1xi32>
      %squeeze3A_801 = vector.extract %slice3A_800[0] : i32 from vector<1xi32>
      %add3A_802 = arith.addi %mul3A_799, %squeeze3A_801 : i32
      %broadcast_in_dim3A_803 = vector.broadcast %add3A_802 : i32 to vector<16xi32>
      %get3A_804 = arith.index_cast %add3A_796 : i32 to index
      %get3A_805 = arith.constant 0 : index
      %get3A_806 = tpu.vector_load %arg5[%get3A_804, %get3A_805] {strides = array<i32>} : memref<512x128xi32, #tpu.memory_space<vmem>>, vector<16xi32>,
      %add3A_807 = arith.constant 0 : i32
      %add3A_808 = vector.broadcast %add3A_807 : i32 to vector<16xi32>
      %add3A_809 = arith.addi %iota3A, %add3A_808 : vector<16xi32>
      tpu.vector_store_idx %arg7[%add3A_809, %get3A_806], %broadcast_in_dim3A_803 : memref<128x128xi32, #tpu.memory_space<vmem>>[vector<16xi32>, vector<16xi32>], vector<16xi32>,
      %get3A_810 = arith.index_cast %add3A_796 : i32 to index
      %get3A_811 = arith.constant 16 : index
      %get3A_812 = tpu.vector_load %arg5[%get3A_810, %get3A_811] {strides = array<i32>} : memref<512x128xi32, #tpu.memory_space<vmem>>, vector<16xi32>,
      %add3A_813 = arith.constant 16 : i32
      %add3A_814 = vector.broadcast %add3A_813 : i32 to vector<16xi32>
      %add3A_815 = arith.addi %iota3A, %add3A_814 : vector<16xi32>
      tpu.vector_store_idx %arg7[%add3A_815, %get3A_812], %broadcast_in_dim3A_803 : memref<128x128xi32, #tpu.memory_space<vmem>>[vector<16xi32>, vector<16xi32>], vector<16xi32>,
      %get3A_816 = arith.index_cast %add3A_796 : i32 to index
      %get3A_817 = arith.constant 32 : index
      %get3A_818 = tpu.vector_load %arg5[%get3A_816, %get3A_817] {strides = array<i32>} : memref<512x128xi32, #tpu.memory_space<vmem>>, vector<16xi32>,
      %add3A_819 = arith.constant 32 : i32
      %add3A_820 = vector.broadcast %add3A_819 : i32 to vector<16xi32>
      %add3A_821 = arith.addi %iota3A, %add3A_820 : vector<16xi32>
      tpu.vector_store_idx %arg7[%add3A_821, %get3A_818], %broadcast_in_dim3A_803 : memref<128x128xi32, #tpu.memory_space<vmem>>[vector<16xi32>, vector<16xi32>], vector<16xi32>,
      %get3A_822 = arith.index_cast %add3A_796 : i32 to index
      %get3A_823 = arith.constant 48 : index
      %get3A_824 = tpu.vector_load %arg5[%get3A_822, %get3A_823] {strides = array<i32>} : memref<512x128xi32, #tpu.memory_space<vmem>>, vector<16xi32>,
      %add3A_825 = arith.constant 48 : i32
      %add3A_826 = vector.broadcast %add3A_825 : i32 to vector<16xi32>
      %add3A_827 = arith.addi %iota3A, %add3A_826 : vector<16xi32>
      tpu.vector_store_idx %arg7[%add3A_827, %get3A_824], %broadcast_in_dim3A_803 : memref<128x128xi32, #tpu.memory_space<vmem>>[vector<16xi32>, vector<16xi32>], vector<16xi32>,
      %get3A_828 = arith.index_cast %add3A_796 : i32 to index
      %get3A_829 = arith.constant 64 : index
      %get3A_830 = tpu.vector_load %arg5[%get3A_828, %get3A_829] {strides = array<i32>} : memref<512x128xi32, #tpu.memory_space<vmem>>, vector<16xi32>,
      %add3A_831 = arith.constant 64 : i32
      %add3A_832 = vector.broadcast %add3A_831 : i32 to vector<16xi32>
      %add3A_833 = arith.addi %iota3A, %add3A_832 : vector<16xi32>
      tpu.vector_store_idx %arg7[%add3A_833, %get3A_830], %broadcast_in_dim3A_803 : memref<128x128xi32, #tpu.memory_space<vmem>>[vector<16xi32>, vector<16xi32>], vector<16xi32>,
      %get3A_834 = arith.index_cast %add3A_796 : i32 to index
      %get3A_835 = arith.constant 80 : index
      %get3A_836 = tpu.vector_load %arg5[%get3A_834, %get3A_835] {strides = array<i32>} : memref<512x128xi32, #tpu.memory_space<vmem>>, vector<16xi32>,
      %add3A_837 = arith.constant 80 : i32
      %add3A_838 = vector.broadcast %add3A_837 : i32 to vector<16xi32>
      %add3A_839 = arith.addi %iota3A, %add3A_838 : vector<16xi32>
      tpu.vector_store_idx %arg7[%add3A_839, %get3A_836], %broadcast_in_dim3A_803 : memref<128x128xi32, #tpu.memory_space<vmem>>[vector<16xi32>, vector<16xi32>], vector<16xi32>,
      %get3A_840 = arith.index_cast %add3A_796 : i32 to index
      %get3A_841 = arith.constant 96 : index
      %get3A_842 = tpu.vector_load %arg5[%get3A_840, %get3A_841] {strides = array<i32>} : memref<512x128xi32, #tpu.memory_space<vmem>>, vector<16xi32>,
      %add3A_843 = arith.constant 96 : i32
      %add3A_844 = vector.broadcast %add3A_843 : i32 to vector<16xi32>
      %add3A_845 = arith.addi %iota3A, %add3A_844 : vector<16xi32>
      tpu.vector_store_idx %arg7[%add3A_845, %get3A_842], %broadcast_in_dim3A_803 : memref<128x128xi32, #tpu.memory_space<vmem>>[vector<16xi32>, vector<16xi32>], vector<16xi32>,
      %get3A_846 = arith.index_cast %add3A_796 : i32 to index
      %get3A_847 = arith.constant 112 : index
      %get3A_848 = tpu.vector_load %arg5[%get3A_846, %get3A_847] {strides = array<i32>} : memref<512x128xi32, #tpu.memory_space<vmem>>, vector<16xi32>,
      %add3A_849 = arith.constant 112 : i32
      %add3A_850 = vector.broadcast %add3A_849 : i32 to vector<16xi32>
      %add3A_851 = arith.addi %iota3A, %add3A_850 : vector<16xi32>
      tpu.vector_store_idx %arg7[%add3A_851, %get3A_848], %broadcast_in_dim3A_803 : memref<128x128xi32, #tpu.memory_space<vmem>>[vector<16xi32>, vector<16xi32>], vector<16xi32>,
      %mul3A_852 = arith.constant 16 : i32
      %mul3A_853 = arith.muli %while3A_23, %mul3A_852 : i32
      %add3A_854 = arith.constant 14 : i32
      %add3A_855 = arith.addi %mul3A_853, %add3A_854 : i32
      %add3A_856 = arith.addi %mul3A_2, %add3A_855 : i32
      %mul3A_857 = arith.constant 128 : i32
      %mul3A_858 = arith.muli %add3A_856, %mul3A_857 : i32
      %slice3A_859 = vector.extract_strided_slice %get3A_27 {offsets = [14], sizes = [1], strides = [1]} : vector<16xi32> to vector<1xi32>
      %squeeze3A_860 = vector.extract %slice3A_859[0] : i32 from vector<1xi32>
      %add3A_861 = arith.addi %mul3A_858, %squeeze3A_860 : i32
      %broadcast_in_dim3A_862 = vector.broadcast %add3A_861 : i32 to vector<16xi32>
      %get3A_863 = arith.index_cast %add3A_855 : i32 to index
      %get3A_864 = arith.constant 0 : index
      %get3A_865 = tpu.vector_load %arg5[%get3A_863, %get3A_864] {strides = array<i32>} : memref<512x128xi32, #tpu.memory_space<vmem>>, vector<16xi32>,
      %add3A_866 = arith.constant 0 : i32
      %add3A_867 = vector.broadcast %add3A_866 : i32 to vector<16xi32>
      %add3A_868 = arith.addi %iota3A, %add3A_867 : vector<16xi32>
      tpu.vector_store_idx %arg7[%add3A_868, %get3A_865], %broadcast_in_dim3A_862 : memref<128x128xi32, #tpu.memory_space<vmem>>[vector<16xi32>, vector<16xi32>], vector<16xi32>,
      %get3A_869 = arith.index_cast %add3A_855 : i32 to index
      %get3A_870 = arith.constant 16 : index
      %get3A_871 = tpu.vector_load %arg5[%get3A_869, %get3A_870] {strides = array<i32>} : memref<512x128xi32, #tpu.memory_space<vmem>>, vector<16xi32>,
      %add3A_872 = arith.constant 16 : i32
      %add3A_873 = vector.broadcast %add3A_872 : i32 to vector<16xi32>
      %add3A_874 = arith.addi %iota3A, %add3A_873 : vector<16xi32>
      tpu.vector_store_idx %arg7[%add3A_874, %get3A_871], %broadcast_in_dim3A_862 : memref<128x128xi32, #tpu.memory_space<vmem>>[vector<16xi32>, vector<16xi32>], vector<16xi32>,
      %get3A_875 = arith.index_cast %add3A_855 : i32 to index
      %get3A_876 = arith.constant 32 : index
      %get3A_877 = tpu.vector_load %arg5[%get3A_875, %get3A_876] {strides = array<i32>} : memref<512x128xi32, #tpu.memory_space<vmem>>, vector<16xi32>,
      %add3A_878 = arith.constant 32 : i32
      %add3A_879 = vector.broadcast %add3A_878 : i32 to vector<16xi32>
      %add3A_880 = arith.addi %iota3A, %add3A_879 : vector<16xi32>
      tpu.vector_store_idx %arg7[%add3A_880, %get3A_877], %broadcast_in_dim3A_862 : memref<128x128xi32, #tpu.memory_space<vmem>>[vector<16xi32>, vector<16xi32>], vector<16xi32>,
      %get3A_881 = arith.index_cast %add3A_855 : i32 to index
      %get3A_882 = arith.constant 48 : index
      %get3A_883 = tpu.vector_load %arg5[%get3A_881, %get3A_882] {strides = array<i32>} : memref<512x128xi32, #tpu.memory_space<vmem>>, vector<16xi32>,
      %add3A_884 = arith.constant 48 : i32
      %add3A_885 = vector.broadcast %add3A_884 : i32 to vector<16xi32>
      %add3A_886 = arith.addi %iota3A, %add3A_885 : vector<16xi32>
      tpu.vector_store_idx %arg7[%add3A_886, %get3A_883], %broadcast_in_dim3A_862 : memref<128x128xi32, #tpu.memory_space<vmem>>[vector<16xi32>, vector<16xi32>], vector<16xi32>,
      %get3A_887 = arith.index_cast %add3A_855 : i32 to index
      %get3A_888 = arith.constant 64 : index
      %get3A_889 = tpu.vector_load %arg5[%get3A_887, %get3A_888] {strides = array<i32>} : memref<512x128xi32, #tpu.memory_space<vmem>>, vector<16xi32>,
      %add3A_890 = arith.constant 64 : i32
      %add3A_891 = vector.broadcast %add3A_890 : i32 to vector<16xi32>
      %add3A_892 = arith.addi %iota3A, %add3A_891 : vector<16xi32>
      tpu.vector_store_idx %arg7[%add3A_892, %get3A_889], %broadcast_in_dim3A_862 : memref<128x128xi32, #tpu.memory_space<vmem>>[vector<16xi32>, vector<16xi32>], vector<16xi32>,
      %get3A_893 = arith.index_cast %add3A_855 : i32 to index
      %get3A_894 = arith.constant 80 : index
      %get3A_895 = tpu.vector_load %arg5[%get3A_893, %get3A_894] {strides = array<i32>} : memref<512x128xi32, #tpu.memory_space<vmem>>, vector<16xi32>,
      %add3A_896 = arith.constant 80 : i32
      %add3A_897 = vector.broadcast %add3A_896 : i32 to vector<16xi32>
      %add3A_898 = arith.addi %iota3A, %add3A_897 : vector<16xi32>
      tpu.vector_store_idx %arg7[%add3A_898, %get3A_895], %broadcast_in_dim3A_862 : memref<128x128xi32, #tpu.memory_space<vmem>>[vector<16xi32>, vector<16xi32>], vector<16xi32>,
      %get3A_899 = arith.index_cast %add3A_855 : i32 to index
      %get3A_900 = arith.constant 96 : index
      %get3A_901 = tpu.vector_load %arg5[%get3A_899, %get3A_900] {strides = array<i32>} : memref<512x128xi32, #tpu.memory_space<vmem>>, vector<16xi32>,
      %add3A_902 = arith.constant 96 : i32
      %add3A_903 = vector.broadcast %add3A_902 : i32 to vector<16xi32>
      %add3A_904 = arith.addi %iota3A, %add3A_903 : vector<16xi32>
      tpu.vector_store_idx %arg7[%add3A_904, %get3A_901], %broadcast_in_dim3A_862 : memref<128x128xi32, #tpu.memory_space<vmem>>[vector<16xi32>, vector<16xi32>], vector<16xi32>,
      %get3A_905 = arith.index_cast %add3A_855 : i32 to index
      %get3A_906 = arith.constant 112 : index
      %get3A_907 = tpu.vector_load %arg5[%get3A_905, %get3A_906] {strides = array<i32>} : memref<512x128xi32, #tpu.memory_space<vmem>>, vector<16xi32>,
      %add3A_908 = arith.constant 112 : i32
      %add3A_909 = vector.broadcast %add3A_908 : i32 to vector<16xi32>
      %add3A_910 = arith.addi %iota3A, %add3A_909 : vector<16xi32>
      tpu.vector_store_idx %arg7[%add3A_910, %get3A_907], %broadcast_in_dim3A_862 : memref<128x128xi32, #tpu.memory_space<vmem>>[vector<16xi32>, vector<16xi32>], vector<16xi32>,
      %mul3A_911 = arith.constant 16 : i32
      %mul3A_912 = arith.muli %while3A_23, %mul3A_911 : i32
      %add3A_913 = arith.constant 15 : i32
      %add3A_914 = arith.addi %mul3A_912, %add3A_913 : i32
      %add3A_915 = arith.addi %mul3A_2, %add3A_914 : i32
      %mul3A_916 = arith.constant 128 : i32
      %mul3A_917 = arith.muli %add3A_915, %mul3A_916 : i32
      %slice3A_918 = vector.extract_strided_slice %get3A_27 {offsets = [15], sizes = [1], strides = [1]} : vector<16xi32> to vector<1xi32>
      %squeeze3A_919 = vector.extract %slice3A_918[0] : i32 from vector<1xi32>
      %add3A_920 = arith.addi %mul3A_917, %squeeze3A_919 : i32
      %broadcast_in_dim3A_921 = vector.broadcast %add3A_920 : i32 to vector<16xi32>
      %get3A_922 = arith.index_cast %add3A_914 : i32 to index
      %get3A_923 = arith.constant 0 : index
      %get3A_924 = tpu.vector_load %arg5[%get3A_922, %get3A_923] {strides = array<i32>} : memref<512x128xi32, #tpu.memory_space<vmem>>, vector<16xi32>,
      %add3A_925 = arith.constant 0 : i32
      %add3A_926 = vector.broadcast %add3A_925 : i32 to vector<16xi32>
      %add3A_927 = arith.addi %iota3A, %add3A_926 : vector<16xi32>
      tpu.vector_store_idx %arg7[%add3A_927, %get3A_924], %broadcast_in_dim3A_921 : memref<128x128xi32, #tpu.memory_space<vmem>>[vector<16xi32>, vector<16xi32>], vector<16xi32>,
      %get3A_928 = arith.index_cast %add3A_914 : i32 to index
      %get3A_929 = arith.constant 16 : index
      %get3A_930 = tpu.vector_load %arg5[%get3A_928, %get3A_929] {strides = array<i32>} : memref<512x128xi32, #tpu.memory_space<vmem>>, vector<16xi32>,
      %add3A_931 = arith.constant 16 : i32
      %add3A_932 = vector.broadcast %add3A_931 : i32 to vector<16xi32>
      %add3A_933 = arith.addi %iota3A, %add3A_932 : vector<16xi32>
      tpu.vector_store_idx %arg7[%add3A_933, %get3A_930], %broadcast_in_dim3A_921 : memref<128x128xi32, #tpu.memory_space<vmem>>[vector<16xi32>, vector<16xi32>], vector<16xi32>,
      %get3A_934 = arith.index_cast %add3A_914 : i32 to index
      %get3A_935 = arith.constant 32 : index
      %get3A_936 = tpu.vector_load %arg5[%get3A_934, %get3A_935] {strides = array<i32>} : memref<512x128xi32, #tpu.memory_space<vmem>>, vector<16xi32>,
      %add3A_937 = arith.constant 32 : i32
      %add3A_938 = vector.broadcast %add3A_937 : i32 to vector<16xi32>
      %add3A_939 = arith.addi %iota3A, %add3A_938 : vector<16xi32>
      tpu.vector_store_idx %arg7[%add3A_939, %get3A_936], %broadcast_in_dim3A_921 : memref<128x128xi32, #tpu.memory_space<vmem>>[vector<16xi32>, vector<16xi32>], vector<16xi32>,
      %get3A_940 = arith.index_cast %add3A_914 : i32 to index
      %get3A_941 = arith.constant 48 : index
      %get3A_942 = tpu.vector_load %arg5[%get3A_940, %get3A_941] {strides = array<i32>} : memref<512x128xi32, #tpu.memory_space<vmem>>, vector<16xi32>,
      %add3A_943 = arith.constant 48 : i32
      %add3A_944 = vector.broadcast %add3A_943 : i32 to vector<16xi32>
      %add3A_945 = arith.addi %iota3A, %add3A_944 : vector<16xi32>
      tpu.vector_store_idx %arg7[%add3A_945, %get3A_942], %broadcast_in_dim3A_921 : memref<128x128xi32, #tpu.memory_space<vmem>>[vector<16xi32>, vector<16xi32>], vector<16xi32>,
      %get3A_946 = arith.index_cast %add3A_914 : i32 to index
      %get3A_947 = arith.constant 64 : index
      %get3A_948 = tpu.vector_load %arg5[%get3A_946, %get3A_947] {strides = array<i32>} : memref<512x128xi32, #tpu.memory_space<vmem>>, vector<16xi32>,
      %add3A_949 = arith.constant 64 : i32
      %add3A_950 = vector.broadcast %add3A_949 : i32 to vector<16xi32>
      %add3A_951 = arith.addi %iota3A, %add3A_950 : vector<16xi32>
      tpu.vector_store_idx %arg7[%add3A_951, %get3A_948], %broadcast_in_dim3A_921 : memref<128x128xi32, #tpu.memory_space<vmem>>[vector<16xi32>, vector<16xi32>], vector<16xi32>,
      %get3A_952 = arith.index_cast %add3A_914 : i32 to index
      %get3A_953 = arith.constant 80 : index
      %get3A_954 = tpu.vector_load %arg5[%get3A_952, %get3A_953] {strides = array<i32>} : memref<512x128xi32, #tpu.memory_space<vmem>>, vector<16xi32>,
      %add3A_955 = arith.constant 80 : i32
      %add3A_956 = vector.broadcast %add3A_955 : i32 to vector<16xi32>
      %add3A_957 = arith.addi %iota3A, %add3A_956 : vector<16xi32>
      tpu.vector_store_idx %arg7[%add3A_957, %get3A_954], %broadcast_in_dim3A_921 : memref<128x128xi32, #tpu.memory_space<vmem>>[vector<16xi32>, vector<16xi32>], vector<16xi32>,
      %get3A_958 = arith.index_cast %add3A_914 : i32 to index
      %get3A_959 = arith.constant 96 : index
      %get3A_960 = tpu.vector_load %arg5[%get3A_958, %get3A_959] {strides = array<i32>} : memref<512x128xi32, #tpu.memory_space<vmem>>, vector<16xi32>,
      %add3A_961 = arith.constant 96 : i32
      %add3A_962 = vector.broadcast %add3A_961 : i32 to vector<16xi32>
      %add3A_963 = arith.addi %iota3A, %add3A_962 : vector<16xi32>
      tpu.vector_store_idx %arg7[%add3A_963, %get3A_960], %broadcast_in_dim3A_921 : memref<128x128xi32, #tpu.memory_space<vmem>>[vector<16xi32>, vector<16xi32>], vector<16xi32>,
      %get3A_964 = arith.index_cast %add3A_914 : i32 to index
      %get3A_965 = arith.constant 112 : index
      %get3A_966 = tpu.vector_load %arg5[%get3A_964, %get3A_965] {strides = array<i32>} : memref<512x128xi32, #tpu.memory_space<vmem>>, vector<16xi32>,
      %add3A_967 = arith.constant 112 : i32
      %add3A_968 = vector.broadcast %add3A_967 : i32 to vector<16xi32>
      %add3A_969 = arith.addi %iota3A, %add3A_968 : vector<16xi32>
      tpu.vector_store_idx %arg7[%add3A_969, %get3A_966], %broadcast_in_dim3A_921 : memref<128x128xi32, #tpu.memory_space<vmem>>[vector<16xi32>, vector<16xi32>], vector<16xi32>,
      %while3A_970 = arith.constant 0 : i32
      scf.yield %while3A_970 : i32
    }
    %while3A_21 = arith.constant 1 : i32
    %while3A_22 = scf.for %while3A_23 = %while3A_18 to %while3A_14 step %while3A_21 iter_args(%while3A_24 = %while3A_20) -> (i32)  : i32 {
      %mul3A_25 = arith.constant 16 : i32
      %mul3A_26 = arith.muli %while3A_23, %mul3A_25 : i32
      %get3A = arith.index_cast %mul3A_26 : i32 to index
      %get3A_27 = tpu.vector_load %arg6[%get3A] {strides = array<i32>} : memref<512xi32, #tpu.memory_space<vmem>>, vector<16xi32>,
      %mul3A_28 = arith.constant 16 : i32
      %mul3A_29 = arith.muli %while3A_23, %mul3A_28 : i32
      %add3A_30 = arith.constant 0 : i32
      %add3A_31 = arith.addi %mul3A_29, %add3A_30 : i32
      %add3A_32 = arith.addi %mul3A_2, %add3A_31 : i32
      %mul3A_33 = arith.constant 128 : i32
      %mul3A_34 = arith.muli %add3A_32, %mul3A_33 : i32
      %slice3A = vector.extract_strided_slice %get3A_27 {offsets = [0], sizes = [1], strides = [1]} : vector<16xi32> to vector<1xi32>
      %squeeze3A = vector.extract %slice3A[0] : i32 from vector<1xi32>
      %add3A_35 = arith.addi %mul3A_34, %squeeze3A : i32
      %broadcast_in_dim3A_36 = vector.broadcast %add3A_35 : i32 to vector<16xi32>
      %get3A_37 = arith.index_cast %add3A_31 : i32 to index
      %get3A_38 = arith.constant 0 : index
      %get3A_39 = tpu.vector_load %arg5[%get3A_37, %get3A_38] {strides = array<i32>} : memref<512x128xi32, #tpu.memory_space<vmem>>, vector<16xi32>,
      %add3A_40 = arith.constant 0 : i32
      %add3A_41 = vector.broadcast %add3A_40 : i32 to vector<16xi32>
      %add3A_42 = arith.addi %iota3A, %add3A_41 : vector<16xi32>
      tpu.vector_store_idx %arg7[%add3A_42, %get3A_39], %broadcast_in_dim3A_36 : memref<128x128xi32, #tpu.memory_space<vmem>>[vector<16xi32>, vector<16xi32>], vector<16xi32>,
      %get3A_43 = arith.index_cast %add3A_31 : i32 to index
      %get3A_44 = arith.constant 16 : index
      %get3A_45 = tpu.vector_load %arg5[%get3A_43, %get3A_44] {strides = array<i32>} : memref<512x128xi32, #tpu.memory_space<vmem>>, vector<16xi32>,
      %add3A_46 = arith.constant 16 : i32
      %add3A_47 = vector.broadcast %add3A_46 : i32 to vector<16xi32>
      %add3A_48 = arith.addi %iota3A, %add3A_47 : vector<16xi32>
      tpu.vector_store_idx %arg7[%add3A_48, %get3A_45], %broadcast_in_dim3A_36 : memref<128x128xi32, #tpu.memory_space<vmem>>[vector<16xi32>, vector<16xi32>], vector<16xi32>,
      %get3A_49 = arith.index_cast %add3A_31 : i32 to index
      %get3A_50 = arith.constant 32 : index
      %get3A_51 = tpu.vector_load %arg5[%get3A_49, %get3A_50] {strides = array<i32>} : memref<512x128xi32, #tpu.memory_space<vmem>>, vector<16xi32>,
      %add3A_52 = arith.constant 32 : i32
      %add3A_53 = vector.broadcast %add3A_52 : i32 to vector<16xi32>
      %add3A_54 = arith.addi %iota3A, %add3A_53 : vector<16xi32>
      tpu.vector_store_idx %arg7[%add3A_54, %get3A_51], %broadcast_in_dim3A_36 : memref<128x128xi32, #tpu.memory_space<vmem>>[vector<16xi32>, vector<16xi32>], vector<16xi32>,
      %get3A_55 = arith.index_cast %add3A_31 : i32 to index
      %get3A_56 = arith.constant 48 : index
      %get3A_57 = tpu.vector_load %arg5[%get3A_55, %get3A_56] {strides = array<i32>} : memref<512x128xi32, #tpu.memory_space<vmem>>, vector<16xi32>,
      %add3A_58 = arith.constant 48 : i32
      %add3A_59 = vector.broadcast %add3A_58 : i32 to vector<16xi32>
      %add3A_60 = arith.addi %iota3A, %add3A_59 : vector<16xi32>
      tpu.vector_store_idx %arg7[%add3A_60, %get3A_57], %broadcast_in_dim3A_36 : memref<128x128xi32, #tpu.memory_space<vmem>>[vector<16xi32>, vector<16xi32>], vector<16xi32>,
      %get3A_61 = arith.index_cast %add3A_31 : i32 to index
      %get3A_62 = arith.constant 64 : index
      %get3A_63 = tpu.vector_load %arg5[%get3A_61, %get3A_62] {strides = array<i32>} : memref<512x128xi32, #tpu.memory_space<vmem>>, vector<16xi32>,
      %add3A_64 = arith.constant 64 : i32
      %add3A_65 = vector.broadcast %add3A_64 : i32 to vector<16xi32>
      %add3A_66 = arith.addi %iota3A, %add3A_65 : vector<16xi32>
      tpu.vector_store_idx %arg7[%add3A_66, %get3A_63], %broadcast_in_dim3A_36 : memref<128x128xi32, #tpu.memory_space<vmem>>[vector<16xi32>, vector<16xi32>], vector<16xi32>,
      %get3A_67 = arith.index_cast %add3A_31 : i32 to index
      %get3A_68 = arith.constant 80 : index
      %get3A_69 = tpu.vector_load %arg5[%get3A_67, %get3A_68] {strides = array<i32>} : memref<512x128xi32, #tpu.memory_space<vmem>>, vector<16xi32>,
      %add3A_70 = arith.constant 80 : i32
      %add3A_71 = vector.broadcast %add3A_70 : i32 to vector<16xi32>
      %add3A_72 = arith.addi %iota3A, %add3A_71 : vector<16xi32>
      tpu.vector_store_idx %arg7[%add3A_72, %get3A_69], %broadcast_in_dim3A_36 : memref<128x128xi32, #tpu.memory_space<vmem>>[vector<16xi32>, vector<16xi32>], vector<16xi32>,
      %get3A_73 = arith.index_cast %add3A_31 : i32 to index
      %get3A_74 = arith.constant 96 : index
      %get3A_75 = tpu.vector_load %arg5[%get3A_73, %get3A_74] {strides = array<i32>} : memref<512x128xi32, #tpu.memory_space<vmem>>, vector<16xi32>,
      %add3A_76 = arith.constant 96 : i32
      %add3A_77 = vector.broadcast %add3A_76 : i32 to vector<16xi32>
      %add3A_78 = arith.addi %iota3A, %add3A_77 : vector<16xi32>
      tpu.vector_store_idx %arg7[%add3A_78, %get3A_75], %broadcast_in_dim3A_36 : memref<128x128xi32, #tpu.memory_space<vmem>>[vector<16xi32>, vector<16xi32>], vector<16xi32>,
      %get3A_79 = arith.index_cast %add3A_31 : i32 to index
      %get3A_80 = arith.constant 112 : index
      %get3A_81 = tpu.vector_load %arg5[%get3A_79, %get3A_80] {strides = array<i32>} : memref<512x128xi32, #tpu.memory_space<vmem>>, vector<16xi32>,
      %add3A_82 = arith.constant 112 : i32
      %add3A_83 = vector.broadcast %add3A_82 : i32 to vector<16xi32>
      %add3A_84 = arith.addi %iota3A, %add3A_83 : vector<16xi32>
      tpu.vector_store_idx %arg7[%add3A_84, %get3A_81], %broadcast_in_dim3A_36 : memref<128x128xi32, #tpu.memory_space<vmem>>[vector<16xi32>, vector<16xi32>], vector<16xi32>,
      %mul3A_85 = arith.constant 16 : i32
      %mul3A_86 = arith.muli %while3A_23, %mul3A_85 : i32
      %add3A_87 = arith.constant 1 : i32
      %add3A_88 = arith.addi %mul3A_86, %add3A_87 : i32
      %add3A_89 = arith.addi %mul3A_2, %add3A_88 : i32
      %mul3A_90 = arith.constant 128 : i32
      %mul3A_91 = arith.muli %add3A_89, %mul3A_90 : i32
      %slice3A_92 = vector.extract_strided_slice %get3A_27 {offsets = [1], sizes = [1], strides = [1]} : vector<16xi32> to vector<1xi32>
      %squeeze3A_93 = vector.extract %slice3A_92[0] : i32 from vector<1xi32>
      %add3A_94 = arith.addi %mul3A_91, %squeeze3A_93 : i32
      %broadcast_in_dim3A_95 = vector.broadcast %add3A_94 : i32 to vector<16xi32>
      %get3A_96 = arith.index_cast %add3A_88 : i32 to index
      %get3A_97 = arith.constant 0 : index
      %get3A_98 = tpu.vector_load %arg5[%get3A_96, %get3A_97] {strides = array<i32>} : memref<512x128xi32, #tpu.memory_space<vmem>>, vector<16xi32>,
      %add3A_99 = arith.constant 0 : i32
      %add3A_100 = vector.broadcast %add3A_99 : i32 to vector<16xi32>
      %add3A_101 = arith.addi %iota3A, %add3A_100 : vector<16xi32>
      tpu.vector_store_idx %arg7[%add3A_101, %get3A_98], %broadcast_in_dim3A_95 : memref<128x128xi32, #tpu.memory_space<vmem>>[vector<16xi32>, vector<16xi32>], vector<16xi32>,
      %get3A_102 = arith.index_cast %add3A_88 : i32 to index
      %get3A_103 = arith.constant 16 : index
      %get3A_104 = tpu.vector_load %arg5[%get3A_102, %get3A_103] {strides = array<i32>} : memref<512x128xi32, #tpu.memory_space<vmem>>, vector<16xi32>,
      %add3A_105 = arith.constant 16 : i32
      %add3A_106 = vector.broadcast %add3A_105 : i32 to vector<16xi32>
      %add3A_107 = arith.addi %iota3A, %add3A_106 : vector<16xi32>
      tpu.vector_store_idx %arg7[%add3A_107, %get3A_104], %broadcast_in_dim3A_95 : memref<128x128xi32, #tpu.memory_space<vmem>>[vector<16xi32>, vector<16xi32>], vector<16xi32>,
      %get3A_108 = arith.index_cast %add3A_88 : i32 to index
      %get3A_109 = arith.constant 32 : index
      %get3A_110 = tpu.vector_load %arg5[%get3A_108, %get3A_109] {strides = array<i32>} : memref<512x128xi32, #tpu.memory_space<vmem>>, vector<16xi32>,
      %add3A_111 = arith.constant 32 : i32
      %add3A_112 = vector.broadcast %add3A_111 : i32 to vector<16xi32>
      %add3A_113 = arith.addi %iota3A, %add3A_112 : vector<16xi32>
      tpu.vector_store_idx %arg7[%add3A_113, %get3A_110], %broadcast_in_dim3A_95 : memref<128x128xi32, #tpu.memory_space<vmem>>[vector<16xi32>, vector<16xi32>], vector<16xi32>,
      %get3A_114 = arith.index_cast %add3A_88 : i32 to index
      %get3A_115 = arith.constant 48 : index
      %get3A_116 = tpu.vector_load %arg5[%get3A_114, %get3A_115] {strides = array<i32>} : memref<512x128xi32, #tpu.memory_space<vmem>>, vector<16xi32>,
      %add3A_117 = arith.constant 48 : i32
      %add3A_118 = vector.broadcast %add3A_117 : i32 to vector<16xi32>
      %add3A_119 = arith.addi %iota3A, %add3A_118 : vector<16xi32>
      tpu.vector_store_idx %arg7[%add3A_119, %get3A_116], %broadcast_in_dim3A_95 : memref<128x128xi32, #tpu.memory_space<vmem>>[vector<16xi32>, vector<16xi32>], vector<16xi32>,
      %get3A_120 = arith.index_cast %add3A_88 : i32 to index
      %get3A_121 = arith.constant 64 : index
      %get3A_122 = tpu.vector_load %arg5[%get3A_120, %get3A_121] {strides = array<i32>} : memref<512x128xi32, #tpu.memory_space<vmem>>, vector<16xi32>,
      %add3A_123 = arith.constant 64 : i32
      %add3A_124 = vector.broadcast %add3A_123 : i32 to vector<16xi32>
      %add3A_125 = arith.addi %iota3A, %add3A_124 : vector<16xi32>
      tpu.vector_store_idx %arg7[%add3A_125, %get3A_122], %broadcast_in_dim3A_95 : memref<128x128xi32, #tpu.memory_space<vmem>>[vector<16xi32>, vector<16xi32>], vector<16xi32>,
      %get3A_126 = arith.index_cast %add3A_88 : i32 to index
      %get3A_127 = arith.constant 80 : index
      %get3A_128 = tpu.vector_load %arg5[%get3A_126, %get3A_127] {strides = array<i32>} : memref<512x128xi32, #tpu.memory_space<vmem>>, vector<16xi32>,
      %add3A_129 = arith.constant 80 : i32
      %add3A_130 = vector.broadcast %add3A_129 : i32 to vector<16xi32>
      %add3A_131 = arith.addi %iota3A, %add3A_130 : vector<16xi32>
      tpu.vector_store_idx %arg7[%add3A_131, %get3A_128], %broadcast_in_dim3A_95 : memref<128x128xi32, #tpu.memory_space<vmem>>[vector<16xi32>, vector<16xi32>], vector<16xi32>,
      %get3A_132 = arith.index_cast %add3A_88 : i32 to index
      %get3A_133 = arith.constant 96 : index
      %get3A_134 = tpu.vector_load %arg5[%get3A_132, %get3A_133] {strides = array<i32>} : memref<512x128xi32, #tpu.memory_space<vmem>>, vector<16xi32>,
      %add3A_135 = arith.constant 96 : i32
      %add3A_136 = vector.broadcast %add3A_135 : i32 to vector<16xi32>
      %add3A_137 = arith.addi %iota3A, %add3A_136 : vector<16xi32>
      tpu.vector_store_idx %arg7[%add3A_137, %get3A_134], %broadcast_in_dim3A_95 : memref<128x128xi32, #tpu.memory_space<vmem>>[vector<16xi32>, vector<16xi32>], vector<16xi32>,
      %get3A_138 = arith.index_cast %add3A_88 : i32 to index
      %get3A_139 = arith.constant 112 : index
      %get3A_140 = tpu.vector_load %arg5[%get3A_138, %get3A_139] {strides = array<i32>} : memref<512x128xi32, #tpu.memory_space<vmem>>, vector<16xi32>,
      %add3A_141 = arith.constant 112 : i32
      %add3A_142 = vector.broadcast %add3A_141 : i32 to vector<16xi32>
      %add3A_143 = arith.addi %iota3A, %add3A_142 : vector<16xi32>
      tpu.vector_store_idx %arg7[%add3A_143, %get3A_140], %broadcast_in_dim3A_95 : memref<128x128xi32, #tpu.memory_space<vmem>>[vector<16xi32>, vector<16xi32>], vector<16xi32>,
      %mul3A_144 = arith.constant 16 : i32
      %mul3A_145 = arith.muli %while3A_23, %mul3A_144 : i32
      %add3A_146 = arith.constant 2 : i32
      %add3A_147 = arith.addi %mul3A_145, %add3A_146 : i32
      %add3A_148 = arith.addi %mul3A_2, %add3A_147 : i32
      %mul3A_149 = arith.constant 128 : i32
      %mul3A_150 = arith.muli %add3A_148, %mul3A_149 : i32
      %slice3A_151 = vector.extract_strided_slice %get3A_27 {offsets = [2], sizes = [1], strides = [1]} : vector<16xi32> to vector<1xi32>
      %squeeze3A_152 = vector.extract %slice3A_151[0] : i32 from vector<1xi32>
      %add3A_153 = arith.addi %mul3A_150, %squeeze3A_152 : i32
      %broadcast_in_dim3A_154 = vector.broadcast %add3A_153 : i32 to vector<16xi32>
      %get3A_155 = arith.index_cast %add3A_147 : i32 to index
      %get3A_156 = arith.constant 0 : index
      %get3A_157 = tpu.vector_load %arg5[%get3A_155, %get3A_156] {strides = array<i32>} : memref<512x128xi32, #tpu.memory_space<vmem>>, vector<16xi32>,
      %add3A_158 = arith.constant 0 : i32
      %add3A_159 = vector.broadcast %add3A_158 : i32 to vector<16xi32>
      %add3A_160 = arith.addi %iota3A, %add3A_159 : vector<16xi32>
      tpu.vector_store_idx %arg7[%add3A_160, %get3A_157], %broadcast_in_dim3A_154 : memref<128x128xi32, #tpu.memory_space<vmem>>[vector<16xi32>, vector<16xi32>], vector<16xi32>,
      %get3A_161 = arith.index_cast %add3A_147 : i32 to index
      %get3A_162 = arith.constant 16 : index
      %get3A_163 = tpu.vector_load %arg5[%get3A_161, %get3A_162] {strides = array<i32>} : memref<512x128xi32, #tpu.memory_space<vmem>>, vector<16xi32>,
      %add3A_164 = arith.constant 16 : i32
      %add3A_165 = vector.broadcast %add3A_164 : i32 to vector<16xi32>
      %add3A_166 = arith.addi %iota3A, %add3A_165 : vector<16xi32>
      tpu.vector_store_idx %arg7[%add3A_166, %get3A_163], %broadcast_in_dim3A_154 : memref<128x128xi32, #tpu.memory_space<vmem>>[vector<16xi32>, vector<16xi32>], vector<16xi32>,
      %get3A_167 = arith.index_cast %add3A_147 : i32 to index
      %get3A_168 = arith.constant 32 : index
      %get3A_169 = tpu.vector_load %arg5[%get3A_167, %get3A_168] {strides = array<i32>} : memref<512x128xi32, #tpu.memory_space<vmem>>, vector<16xi32>,
      %add3A_170 = arith.constant 32 : i32
      %add3A_171 = vector.broadcast %add3A_170 : i32 to vector<16xi32>
      %add3A_172 = arith.addi %iota3A, %add3A_171 : vector<16xi32>
      tpu.vector_store_idx %arg7[%add3A_172, %get3A_169], %broadcast_in_dim3A_154 : memref<128x128xi32, #tpu.memory_space<vmem>>[vector<16xi32>, vector<16xi32>], vector<16xi32>,
      %get3A_173 = arith.index_cast %add3A_147 : i32 to index
      %get3A_174 = arith.constant 48 : index
      %get3A_175 = tpu.vector_load %arg5[%get3A_173, %get3A_174] {strides = array<i32>} : memref<512x128xi32, #tpu.memory_space<vmem>>, vector<16xi32>,
      %add3A_176 = arith.constant 48 : i32
      %add3A_177 = vector.broadcast %add3A_176 : i32 to vector<16xi32>
      %add3A_178 = arith.addi %iota3A, %add3A_177 : vector<16xi32>
      tpu.vector_store_idx %arg7[%add3A_178, %get3A_175], %broadcast_in_dim3A_154 : memref<128x128xi32, #tpu.memory_space<vmem>>[vector<16xi32>, vector<16xi32>], vector<16xi32>,
      %get3A_179 = arith.index_cast %add3A_147 : i32 to index
      %get3A_180 = arith.constant 64 : index
      %get3A_181 = tpu.vector_load %arg5[%get3A_179, %get3A_180] {strides = array<i32>} : memref<512x128xi32, #tpu.memory_space<vmem>>, vector<16xi32>,
      %add3A_182 = arith.constant 64 : i32
      %add3A_183 = vector.broadcast %add3A_182 : i32 to vector<16xi32>
      %add3A_184 = arith.addi %iota3A, %add3A_183 : vector<16xi32>
      tpu.vector_store_idx %arg7[%add3A_184, %get3A_181], %broadcast_in_dim3A_154 : memref<128x128xi32, #tpu.memory_space<vmem>>[vector<16xi32>, vector<16xi32>], vector<16xi32>,
      %get3A_185 = arith.index_cast %add3A_147 : i32 to index
      %get3A_186 = arith.constant 80 : index
      %get3A_187 = tpu.vector_load %arg5[%get3A_185, %get3A_186] {strides = array<i32>} : memref<512x128xi32, #tpu.memory_space<vmem>>, vector<16xi32>,
      %add3A_188 = arith.constant 80 : i32
      %add3A_189 = vector.broadcast %add3A_188 : i32 to vector<16xi32>
      %add3A_190 = arith.addi %iota3A, %add3A_189 : vector<16xi32>
      tpu.vector_store_idx %arg7[%add3A_190, %get3A_187], %broadcast_in_dim3A_154 : memref<128x128xi32, #tpu.memory_space<vmem>>[vector<16xi32>, vector<16xi32>], vector<16xi32>,
      %get3A_191 = arith.index_cast %add3A_147 : i32 to index
      %get3A_192 = arith.constant 96 : index
      %get3A_193 = tpu.vector_load %arg5[%get3A_191, %get3A_192] {strides = array<i32>} : memref<512x128xi32, #tpu.memory_space<vmem>>, vector<16xi32>,
      %add3A_194 = arith.constant 96 : i32
      %add3A_195 = vector.broadcast %add3A_194 : i32 to vector<16xi32>
      %add3A_196 = arith.addi %iota3A, %add3A_195 : vector<16xi32>
      tpu.vector_store_idx %arg7[%add3A_196, %get3A_193], %broadcast_in_dim3A_154 : memref<128x128xi32, #tpu.memory_space<vmem>>[vector<16xi32>, vector<16xi32>], vector<16xi32>,
      %get3A_197 = arith.index_cast %add3A_147 : i32 to index
      %get3A_198 = arith.constant 112 : index
      %get3A_199 = tpu.vector_load %arg5[%get3A_197, %get3A_198] {strides = array<i32>} : memref<512x128xi32, #tpu.memory_space<vmem>>, vector<16xi32>,
      %add3A_200 = arith.constant 112 : i32
      %add3A_201 = vector.broadcast %add3A_200 : i32 to vector<16xi32>
      %add3A_202 = arith.addi %iota3A, %add3A_201 : vector<16xi32>
      tpu.vector_store_idx %arg7[%add3A_202, %get3A_199], %broadcast_in_dim3A_154 : memref<128x128xi32, #tpu.memory_space<vmem>>[vector<16xi32>, vector<16xi32>], vector<16xi32>,
      %mul3A_203 = arith.constant 16 : i32
      %mul3A_204 = arith.muli %while3A_23, %mul3A_203 : i32
      %add3A_205 = arith.constant 3 : i32
      %add3A_206 = arith.addi %mul3A_204, %add3A_205 : i32
      %add3A_207 = arith.addi %mul3A_2, %add3A_206 : i32
      %mul3A_208 = arith.constant 128 : i32
      %mul3A_209 = arith.muli %add3A_207, %mul3A_208 : i32
      %slice3A_210 = vector.extract_strided_slice %get3A_27 {offsets = [3], sizes = [1], strides = [1]} : vector<16xi32> to vector<1xi32>
      %squeeze3A_211 = vector.extract %slice3A_210[0] : i32 from vector<1xi32>
      %add3A_212 = arith.addi %mul3A_209, %squeeze3A_211 : i32
      %broadcast_in_dim3A_213 = vector.broadcast %add3A_212 : i32 to vector<16xi32>
      %get3A_214 = arith.index_cast %add3A_206 : i32 to index
      %get3A_215 = arith.constant 0 : index
      %get3A_216 = tpu.vector_load %arg5[%get3A_214, %get3A_215] {strides = array<i32>} : memref<512x128xi32, #tpu.memory_space<vmem>>, vector<16xi32>,
      %add3A_217 = arith.constant 0 : i32
      %add3A_218 = vector.broadcast %add3A_217 : i32 to vector<16xi32>
      %add3A_219 = arith.addi %iota3A, %add3A_218 : vector<16xi32>
      tpu.vector_store_idx %arg7[%add3A_219, %get3A_216], %broadcast_in_dim3A_213 : memref<128x128xi32, #tpu.memory_space<vmem>>[vector<16xi32>, vector<16xi32>], vector<16xi32>,
      %get3A_220 = arith.index_cast %add3A_206 : i32 to index
      %get3A_221 = arith.constant 16 : index
      %get3A_222 = tpu.vector_load %arg5[%get3A_220, %get3A_221] {strides = array<i32>} : memref<512x128xi32, #tpu.memory_space<vmem>>, vector<16xi32>,
      %add3A_223 = arith.constant 16 : i32
      %add3A_224 = vector.broadcast %add3A_223 : i32 to vector<16xi32>
      %add3A_225 = arith.addi %iota3A, %add3A_224 : vector<16xi32>
      tpu.vector_store_idx %arg7[%add3A_225, %get3A_222], %broadcast_in_dim3A_213 : memref<128x128xi32, #tpu.memory_space<vmem>>[vector<16xi32>, vector<16xi32>], vector<16xi32>,
      %get3A_226 = arith.index_cast %add3A_206 : i32 to index
      %get3A_227 = arith.constant 32 : index
      %get3A_228 = tpu.vector_load %arg5[%get3A_226, %get3A_227] {strides = array<i32>} : memref<512x128xi32, #tpu.memory_space<vmem>>, vector<16xi32>,
      %add3A_229 = arith.constant 32 : i32
      %add3A_230 = vector.broadcast %add3A_229 : i32 to vector<16xi32>
      %add3A_231 = arith.addi %iota3A, %add3A_230 : vector<16xi32>
      tpu.vector_store_idx %arg7[%add3A_231, %get3A_228], %broadcast_in_dim3A_213 : memref<128x128xi32, #tpu.memory_space<vmem>>[vector<16xi32>, vector<16xi32>], vector<16xi32>,
      %get3A_232 = arith.index_cast %add3A_206 : i32 to index
      %get3A_233 = arith.constant 48 : index
      %get3A_234 = tpu.vector_load %arg5[%get3A_232, %get3A_233] {strides = array<i32>} : memref<512x128xi32, #tpu.memory_space<vmem>>, vector<16xi32>,
      %add3A_235 = arith.constant 48 : i32
      %add3A_236 = vector.broadcast %add3A_235 : i32 to vector<16xi32>
      %add3A_237 = arith.addi %iota3A, %add3A_236 : vector<16xi32>
      tpu.vector_store_idx %arg7[%add3A_237, %get3A_234], %broadcast_in_dim3A_213 : memref<128x128xi32, #tpu.memory_space<vmem>>[vector<16xi32>, vector<16xi32>], vector<16xi32>,
      %get3A_238 = arith.index_cast %add3A_206 : i32 to index
      %get3A_239 = arith.constant 64 : index
      %get3A_240 = tpu.vector_load %arg5[%get3A_238, %get3A_239] {strides = array<i32>} : memref<512x128xi32, #tpu.memory_space<vmem>>, vector<16xi32>,
      %add3A_241 = arith.constant 64 : i32
      %add3A_242 = vector.broadcast %add3A_241 : i32 to vector<16xi32>
      %add3A_243 = arith.addi %iota3A, %add3A_242 : vector<16xi32>
      tpu.vector_store_idx %arg7[%add3A_243, %get3A_240], %broadcast_in_dim3A_213 : memref<128x128xi32, #tpu.memory_space<vmem>>[vector<16xi32>, vector<16xi32>], vector<16xi32>,
      %get3A_244 = arith.index_cast %add3A_206 : i32 to index
      %get3A_245 = arith.constant 80 : index
      %get3A_246 = tpu.vector_load %arg5[%get3A_244, %get3A_245] {strides = array<i32>} : memref<512x128xi32, #tpu.memory_space<vmem>>, vector<16xi32>,
      %add3A_247 = arith.constant 80 : i32
      %add3A_248 = vector.broadcast %add3A_247 : i32 to vector<16xi32>
      %add3A_249 = arith.addi %iota3A, %add3A_248 : vector<16xi32>
      tpu.vector_store_idx %arg7[%add3A_249, %get3A_246], %broadcast_in_dim3A_213 : memref<128x128xi32, #tpu.memory_space<vmem>>[vector<16xi32>, vector<16xi32>], vector<16xi32>,
      %get3A_250 = arith.index_cast %add3A_206 : i32 to index
      %get3A_251 = arith.constant 96 : index
      %get3A_252 = tpu.vector_load %arg5[%get3A_250, %get3A_251] {strides = array<i32>} : memref<512x128xi32, #tpu.memory_space<vmem>>, vector<16xi32>,
      %add3A_253 = arith.constant 96 : i32
      %add3A_254 = vector.broadcast %add3A_253 : i32 to vector<16xi32>
      %add3A_255 = arith.addi %iota3A, %add3A_254 : vector<16xi32>
      tpu.vector_store_idx %arg7[%add3A_255, %get3A_252], %broadcast_in_dim3A_213 : memref<128x128xi32, #tpu.memory_space<vmem>>[vector<16xi32>, vector<16xi32>], vector<16xi32>,
      %get3A_256 = arith.index_cast %add3A_206 : i32 to index
      %get3A_257 = arith.constant 112 : index
      %get3A_258 = tpu.vector_load %arg5[%get3A_256, %get3A_257] {strides = array<i32>} : memref<512x128xi32, #tpu.memory_space<vmem>>, vector<16xi32>,
      %add3A_259 = arith.constant 112 : i32
      %add3A_260 = vector.broadcast %add3A_259 : i32 to vector<16xi32>
      %add3A_261 = arith.addi %iota3A, %add3A_260 : vector<16xi32>
      tpu.vector_store_idx %arg7[%add3A_261, %get3A_258], %broadcast_in_dim3A_213 : memref<128x128xi32, #tpu.memory_space<vmem>>[vector<16xi32>, vector<16xi32>], vector<16xi32>,
      %mul3A_262 = arith.constant 16 : i32
      %mul3A_263 = arith.muli %while3A_23, %mul3A_262 : i32
      %add3A_264 = arith.constant 4 : i32
      %add3A_265 = arith.addi %mul3A_263, %add3A_264 : i32
      %add3A_266 = arith.addi %mul3A_2, %add3A_265 : i32
      %mul3A_267 = arith.constant 128 : i32
      %mul3A_268 = arith.muli %add3A_266, %mul3A_267 : i32
      %slice3A_269 = vector.extract_strided_slice %get3A_27 {offsets = [4], sizes = [1], strides = [1]} : vector<16xi32> to vector<1xi32>
      %squeeze3A_270 = vector.extract %slice3A_269[0] : i32 from vector<1xi32>
      %add3A_271 = arith.addi %mul3A_268, %squeeze3A_270 : i32
      %broadcast_in_dim3A_272 = vector.broadcast %add3A_271 : i32 to vector<16xi32>
      %get3A_273 = arith.index_cast %add3A_265 : i32 to index
      %get3A_274 = arith.constant 0 : index
      %get3A_275 = tpu.vector_load %arg5[%get3A_273, %get3A_274] {strides = array<i32>} : memref<512x128xi32, #tpu.memory_space<vmem>>, vector<16xi32>,
      %add3A_276 = arith.constant 0 : i32
      %add3A_277 = vector.broadcast %add3A_276 : i32 to vector<16xi32>
      %add3A_278 = arith.addi %iota3A, %add3A_277 : vector<16xi32>
      tpu.vector_store_idx %arg7[%add3A_278, %get3A_275], %broadcast_in_dim3A_272 : memref<128x128xi32, #tpu.memory_space<vmem>>[vector<16xi32>, vector<16xi32>], vector<16xi32>,
      %get3A_279 = arith.index_cast %add3A_265 : i32 to index
      %get3A_280 = arith.constant 16 : index
      %get3A_281 = tpu.vector_load %arg5[%get3A_279, %get3A_280] {strides = array<i32>} : memref<512x128xi32, #tpu.memory_space<vmem>>, vector<16xi32>,
      %add3A_282 = arith.constant 16 : i32
      %add3A_283 = vector.broadcast %add3A_282 : i32 to vector<16xi32>
      %add3A_284 = arith.addi %iota3A, %add3A_283 : vector<16xi32>
      tpu.vector_store_idx %arg7[%add3A_284, %get3A_281], %broadcast_in_dim3A_272 : memref<128x128xi32, #tpu.memory_space<vmem>>[vector<16xi32>, vector<16xi32>], vector<16xi32>,
      %get3A_285 = arith.index_cast %add3A_265 : i32 to index
      %get3A_286 = arith.constant 32 : index
      %get3A_287 = tpu.vector_load %arg5[%get3A_285, %get3A_286] {strides = array<i32>} : memref<512x128xi32, #tpu.memory_space<vmem>>, vector<16xi32>,
      %add3A_288 = arith.constant 32 : i32
      %add3A_289 = vector.broadcast %add3A_288 : i32 to vector<16xi32>
      %add3A_290 = arith.addi %iota3A, %add3A_289 : vector<16xi32>
      tpu.vector_store_idx %arg7[%add3A_290, %get3A_287], %broadcast_in_dim3A_272 : memref<128x128xi32, #tpu.memory_space<vmem>>[vector<16xi32>, vector<16xi32>], vector<16xi32>,
      %get3A_291 = arith.index_cast %add3A_265 : i32 to index
      %get3A_292 = arith.constant 48 : index
      %get3A_293 = tpu.vector_load %arg5[%get3A_291, %get3A_292] {strides = array<i32>} : memref<512x128xi32, #tpu.memory_space<vmem>>, vector<16xi32>,
      %add3A_294 = arith.constant 48 : i32
      %add3A_295 = vector.broadcast %add3A_294 : i32 to vector<16xi32>
      %add3A_296 = arith.addi %iota3A, %add3A_295 : vector<16xi32>
      tpu.vector_store_idx %arg7[%add3A_296, %get3A_293], %broadcast_in_dim3A_272 : memref<128x128xi32, #tpu.memory_space<vmem>>[vector<16xi32>, vector<16xi32>], vector<16xi32>,
      %get3A_297 = arith.index_cast %add3A_265 : i32 to index
      %get3A_298 = arith.constant 64 : index
      %get3A_299 = tpu.vector_load %arg5[%get3A_297, %get3A_298] {strides = array<i32>} : memref<512x128xi32, #tpu.memory_space<vmem>>, vector<16xi32>,
      %add3A_300 = arith.constant 64 : i32
      %add3A_301 = vector.broadcast %add3A_300 : i32 to vector<16xi32>
      %add3A_302 = arith.addi %iota3A, %add3A_301 : vector<16xi32>
      tpu.vector_store_idx %arg7[%add3A_302, %get3A_299], %broadcast_in_dim3A_272 : memref<128x128xi32, #tpu.memory_space<vmem>>[vector<16xi32>, vector<16xi32>], vector<16xi32>,
      %get3A_303 = arith.index_cast %add3A_265 : i32 to index
      %get3A_304 = arith.constant 80 : index
      %get3A_305 = tpu.vector_load %arg5[%get3A_303, %get3A_304] {strides = array<i32>} : memref<512x128xi32, #tpu.memory_space<vmem>>, vector<16xi32>,
      %add3A_306 = arith.constant 80 : i32
      %add3A_307 = vector.broadcast %add3A_306 : i32 to vector<16xi32>
      %add3A_308 = arith.addi %iota3A, %add3A_307 : vector<16xi32>
      tpu.vector_store_idx %arg7[%add3A_308, %get3A_305], %broadcast_in_dim3A_272 : memref<128x128xi32, #tpu.memory_space<vmem>>[vector<16xi32>, vector<16xi32>], vector<16xi32>,
      %get3A_309 = arith.index_cast %add3A_265 : i32 to index
      %get3A_310 = arith.constant 96 : index
      %get3A_311 = tpu.vector_load %arg5[%get3A_309, %get3A_310] {strides = array<i32>} : memref<512x128xi32, #tpu.memory_space<vmem>>, vector<16xi32>,
      %add3A_312 = arith.constant 96 : i32
      %add3A_313 = vector.broadcast %add3A_312 : i32 to vector<16xi32>
      %add3A_314 = arith.addi %iota3A, %add3A_313 : vector<16xi32>
      tpu.vector_store_idx %arg7[%add3A_314, %get3A_311], %broadcast_in_dim3A_272 : memref<128x128xi32, #tpu.memory_space<vmem>>[vector<16xi32>, vector<16xi32>], vector<16xi32>,
      %get3A_315 = arith.index_cast %add3A_265 : i32 to index
      %get3A_316 = arith.constant 112 : index
      %get3A_317 = tpu.vector_load %arg5[%get3A_315, %get3A_316] {strides = array<i32>} : memref<512x128xi32, #tpu.memory_space<vmem>>, vector<16xi32>,
      %add3A_318 = arith.constant 112 : i32
      %add3A_319 = vector.broadcast %add3A_318 : i32 to vector<16xi32>
      %add3A_320 = arith.addi %iota3A, %add3A_319 : vector<16xi32>
      tpu.vector_store_idx %arg7[%add3A_320, %get3A_317], %broadcast_in_dim3A_272 : memref<128x128xi32, #tpu.memory_space<vmem>>[vector<16xi32>, vector<16xi32>], vector<16xi32>,
      %mul3A_321 = arith.constant 16 : i32
      %mul3A_322 = arith.muli %while3A_23, %mul3A_321 : i32
      %add3A_323 = arith.constant 5 : i32
      %add3A_324 = arith.addi %mul3A_322, %add3A_323 : i32
      %add3A_325 = arith.addi %mul3A_2, %add3A_324 : i32
      %mul3A_326 = arith.constant 128 : i32
      %mul3A_327 = arith.muli %add3A_325, %mul3A_326 : i32
      %slice3A_328 = vector.extract_strided_slice %get3A_27 {offsets = [5], sizes = [1], strides = [1]} : vector<16xi32> to vector<1xi32>
      %squeeze3A_329 = vector.extract %slice3A_328[0] : i32 from vector<1xi32>
      %add3A_330 = arith.addi %mul3A_327, %squeeze3A_329 : i32
      %broadcast_in_dim3A_331 = vector.broadcast %add3A_330 : i32 to vector<16xi32>
      %get3A_332 = arith.index_cast %add3A_324 : i32 to index
      %get3A_333 = arith.constant 0 : index
      %get3A_334 = tpu.vector_load %arg5[%get3A_332, %get3A_333] {strides = array<i32>} : memref<512x128xi32, #tpu.memory_space<vmem>>, vector<16xi32>,
      %add3A_335 = arith.constant 0 : i32
      %add3A_336 = vector.broadcast %add3A_335 : i32 to vector<16xi32>
      %add3A_337 = arith.addi %iota3A, %add3A_336 : vector<16xi32>
      tpu.vector_store_idx %arg7[%add3A_337, %get3A_334], %broadcast_in_dim3A_331 : memref<128x128xi32, #tpu.memory_space<vmem>>[vector<16xi32>, vector<16xi32>], vector<16xi32>,
      %get3A_338 = arith.index_cast %add3A_324 : i32 to index
      %get3A_339 = arith.constant 16 : index
      %get3A_340 = tpu.vector_load %arg5[%get3A_338, %get3A_339] {strides = array<i32>} : memref<512x128xi32, #tpu.memory_space<vmem>>, vector<16xi32>,
      %add3A_341 = arith.constant 16 : i32
      %add3A_342 = vector.broadcast %add3A_341 : i32 to vector<16xi32>
      %add3A_343 = arith.addi %iota3A, %add3A_342 : vector<16xi32>
      tpu.vector_store_idx %arg7[%add3A_343, %get3A_340], %broadcast_in_dim3A_331 : memref<128x128xi32, #tpu.memory_space<vmem>>[vector<16xi32>, vector<16xi32>], vector<16xi32>,
      %get3A_344 = arith.index_cast %add3A_324 : i32 to index
      %get3A_345 = arith.constant 32 : index
      %get3A_346 = tpu.vector_load %arg5[%get3A_344, %get3A_345] {strides = array<i32>} : memref<512x128xi32, #tpu.memory_space<vmem>>, vector<16xi32>,
      %add3A_347 = arith.constant 32 : i32
      %add3A_348 = vector.broadcast %add3A_347 : i32 to vector<16xi32>
      %add3A_349 = arith.addi %iota3A, %add3A_348 : vector<16xi32>
      tpu.vector_store_idx %arg7[%add3A_349, %get3A_346], %broadcast_in_dim3A_331 : memref<128x128xi32, #tpu.memory_space<vmem>>[vector<16xi32>, vector<16xi32>], vector<16xi32>,
      %get3A_350 = arith.index_cast %add3A_324 : i32 to index
      %get3A_351 = arith.constant 48 : index
      %get3A_352 = tpu.vector_load %arg5[%get3A_350, %get3A_351] {strides = array<i32>} : memref<512x128xi32, #tpu.memory_space<vmem>>, vector<16xi32>,
      %add3A_353 = arith.constant 48 : i32
      %add3A_354 = vector.broadcast %add3A_353 : i32 to vector<16xi32>
      %add3A_355 = arith.addi %iota3A, %add3A_354 : vector<16xi32>
      tpu.vector_store_idx %arg7[%add3A_355, %get3A_352], %broadcast_in_dim3A_331 : memref<128x128xi32, #tpu.memory_space<vmem>>[vector<16xi32>, vector<16xi32>], vector<16xi32>,
      %get3A_356 = arith.index_cast %add3A_324 : i32 to index
      %get3A_357 = arith.constant 64 : index
      %get3A_358 = tpu.vector_load %arg5[%get3A_356, %get3A_357] {strides = array<i32>} : memref<512x128xi32, #tpu.memory_space<vmem>>, vector<16xi32>,
      %add3A_359 = arith.constant 64 : i32
      %add3A_360 = vector.broadcast %add3A_359 : i32 to vector<16xi32>
      %add3A_361 = arith.addi %iota3A, %add3A_360 : vector<16xi32>
      tpu.vector_store_idx %arg7[%add3A_361, %get3A_358], %broadcast_in_dim3A_331 : memref<128x128xi32, #tpu.memory_space<vmem>>[vector<16xi32>, vector<16xi32>], vector<16xi32>,
      %get3A_362 = arith.index_cast %add3A_324 : i32 to index
      %get3A_363 = arith.constant 80 : index
      %get3A_364 = tpu.vector_load %arg5[%get3A_362, %get3A_363] {strides = array<i32>} : memref<512x128xi32, #tpu.memory_space<vmem>>, vector<16xi32>,
      %add3A_365 = arith.constant 80 : i32
      %add3A_366 = vector.broadcast %add3A_365 : i32 to vector<16xi32>
      %add3A_367 = arith.addi %iota3A, %add3A_366 : vector<16xi32>
      tpu.vector_store_idx %arg7[%add3A_367, %get3A_364], %broadcast_in_dim3A_331 : memref<128x128xi32, #tpu.memory_space<vmem>>[vector<16xi32>, vector<16xi32>], vector<16xi32>,
      %get3A_368 = arith.index_cast %add3A_324 : i32 to index
      %get3A_369 = arith.constant 96 : index
      %get3A_370 = tpu.vector_load %arg5[%get3A_368, %get3A_369] {strides = array<i32>} : memref<512x128xi32, #tpu.memory_space<vmem>>, vector<16xi32>,
      %add3A_371 = arith.constant 96 : i32
      %add3A_372 = vector.broadcast %add3A_371 : i32 to vector<16xi32>
      %add3A_373 = arith.addi %iota3A, %add3A_372 : vector<16xi32>
      tpu.vector_store_idx %arg7[%add3A_373, %get3A_370], %broadcast_in_dim3A_331 : memref<128x128xi32, #tpu.memory_space<vmem>>[vector<16xi32>, vector<16xi32>], vector<16xi32>,
      %get3A_374 = arith.index_cast %add3A_324 : i32 to index
      %get3A_375 = arith.constant 112 : index
      %get3A_376 = tpu.vector_load %arg5[%get3A_374, %get3A_375] {strides = array<i32>} : memref<512x128xi32, #tpu.memory_space<vmem>>, vector<16xi32>,
      %add3A_377 = arith.constant 112 : i32
      %add3A_378 = vector.broadcast %add3A_377 : i32 to vector<16xi32>
      %add3A_379 = arith.addi %iota3A, %add3A_378 : vector<16xi32>
      tpu.vector_store_idx %arg7[%add3A_379, %get3A_376], %broadcast_in_dim3A_331 : memref<128x128xi32, #tpu.memory_space<vmem>>[vector<16xi32>, vector<16xi32>], vector<16xi32>,
      %mul3A_380 = arith.constant 16 : i32
      %mul3A_381 = arith.muli %while3A_23, %mul3A_380 : i32
      %add3A_382 = arith.constant 6 : i32
      %add3A_383 = arith.addi %mul3A_381, %add3A_382 : i32
      %add3A_384 = arith.addi %mul3A_2, %add3A_383 : i32
      %mul3A_385 = arith.constant 128 : i32
      %mul3A_386 = arith.muli %add3A_384, %mul3A_385 : i32
      %slice3A_387 = vector.extract_strided_slice %get3A_27 {offsets = [6], sizes = [1], strides = [1]} : vector<16xi32> to vector<1xi32>
      %squeeze3A_388 = vector.extract %slice3A_387[0] : i32 from vector<1xi32>
      %add3A_389 = arith.addi %mul3A_386, %squeeze3A_388 : i32
      %broadcast_in_dim3A_390 = vector.broadcast %add3A_389 : i32 to vector<16xi32>
      %get3A_391 = arith.index_cast %add3A_383 : i32 to index
      %get3A_392 = arith.constant 0 : index
      %get3A_393 = tpu.vector_load %arg5[%get3A_391, %get3A_392] {strides = array<i32>} : memref<512x128xi32, #tpu.memory_space<vmem>>, vector<16xi32>,
      %add3A_394 = arith.constant 0 : i32
      %add3A_395 = vector.broadcast %add3A_394 : i32 to vector<16xi32>
      %add3A_396 = arith.addi %iota3A, %add3A_395 : vector<16xi32>
      tpu.vector_store_idx %arg7[%add3A_396, %get3A_393], %broadcast_in_dim3A_390 : memref<128x128xi32, #tpu.memory_space<vmem>>[vector<16xi32>, vector<16xi32>], vector<16xi32>,
      %get3A_397 = arith.index_cast %add3A_383 : i32 to index
      %get3A_398 = arith.constant 16 : index
      %get3A_399 = tpu.vector_load %arg5[%get3A_397, %get3A_398] {strides = array<i32>} : memref<512x128xi32, #tpu.memory_space<vmem>>, vector<16xi32>,
      %add3A_400 = arith.constant 16 : i32
      %add3A_401 = vector.broadcast %add3A_400 : i32 to vector<16xi32>
      %add3A_402 = arith.addi %iota3A, %add3A_401 : vector<16xi32>
      tpu.vector_store_idx %arg7[%add3A_402, %get3A_399], %broadcast_in_dim3A_390 : memref<128x128xi32, #tpu.memory_space<vmem>>[vector<16xi32>, vector<16xi32>], vector<16xi32>,
      %get3A_403 = arith.index_cast %add3A_383 : i32 to index
      %get3A_404 = arith.constant 32 : index
      %get3A_405 = tpu.vector_load %arg5[%get3A_403, %get3A_404] {strides = array<i32>} : memref<512x128xi32, #tpu.memory_space<vmem>>, vector<16xi32>,
      %add3A_406 = arith.constant 32 : i32
      %add3A_407 = vector.broadcast %add3A_406 : i32 to vector<16xi32>
      %add3A_408 = arith.addi %iota3A, %add3A_407 : vector<16xi32>
      tpu.vector_store_idx %arg7[%add3A_408, %get3A_405], %broadcast_in_dim3A_390 : memref<128x128xi32, #tpu.memory_space<vmem>>[vector<16xi32>, vector<16xi32>], vector<16xi32>,
      %get3A_409 = arith.index_cast %add3A_383 : i32 to index
      %get3A_410 = arith.constant 48 : index
      %get3A_411 = tpu.vector_load %arg5[%get3A_409, %get3A_410] {strides = array<i32>} : memref<512x128xi32, #tpu.memory_space<vmem>>, vector<16xi32>,
      %add3A_412 = arith.constant 48 : i32
      %add3A_413 = vector.broadcast %add3A_412 : i32 to vector<16xi32>
      %add3A_414 = arith.addi %iota3A, %add3A_413 : vector<16xi32>
      tpu.vector_store_idx %arg7[%add3A_414, %get3A_411], %broadcast_in_dim3A_390 : memref<128x128xi32, #tpu.memory_space<vmem>>[vector<16xi32>, vector<16xi32>], vector<16xi32>,
      %get3A_415 = arith.index_cast %add3A_383 : i32 to index
      %get3A_416 = arith.constant 64 : index
      %get3A_417 = tpu.vector_load %arg5[%get3A_415, %get3A_416] {strides = array<i32>} : memref<512x128xi32, #tpu.memory_space<vmem>>, vector<16xi32>,
      %add3A_418 = arith.constant 64 : i32
      %add3A_419 = vector.broadcast %add3A_418 : i32 to vector<16xi32>
      %add3A_420 = arith.addi %iota3A, %add3A_419 : vector<16xi32>
      tpu.vector_store_idx %arg7[%add3A_420, %get3A_417], %broadcast_in_dim3A_390 : memref<128x128xi32, #tpu.memory_space<vmem>>[vector<16xi32>, vector<16xi32>], vector<16xi32>,
      %get3A_421 = arith.index_cast %add3A_383 : i32 to index
      %get3A_422 = arith.constant 80 : index
      %get3A_423 = tpu.vector_load %arg5[%get3A_421, %get3A_422] {strides = array<i32>} : memref<512x128xi32, #tpu.memory_space<vmem>>, vector<16xi32>,
      %add3A_424 = arith.constant 80 : i32
      %add3A_425 = vector.broadcast %add3A_424 : i32 to vector<16xi32>
      %add3A_426 = arith.addi %iota3A, %add3A_425 : vector<16xi32>
      tpu.vector_store_idx %arg7[%add3A_426, %get3A_423], %broadcast_in_dim3A_390 : memref<128x128xi32, #tpu.memory_space<vmem>>[vector<16xi32>, vector<16xi32>], vector<16xi32>,
      %get3A_427 = arith.index_cast %add3A_383 : i32 to index
      %get3A_428 = arith.constant 96 : index
      %get3A_429 = tpu.vector_load %arg5[%get3A_427, %get3A_428] {strides = array<i32>} : memref<512x128xi32, #tpu.memory_space<vmem>>, vector<16xi32>,
      %add3A_430 = arith.constant 96 : i32
      %add3A_431 = vector.broadcast %add3A_430 : i32 to vector<16xi32>
      %add3A_432 = arith.addi %iota3A, %add3A_431 : vector<16xi32>
      tpu.vector_store_idx %arg7[%add3A_432, %get3A_429], %broadcast_in_dim3A_390 : memref<128x128xi32, #tpu.memory_space<vmem>>[vector<16xi32>, vector<16xi32>], vector<16xi32>,
      %get3A_433 = arith.index_cast %add3A_383 : i32 to index
      %get3A_434 = arith.constant 112 : index
      %get3A_435 = tpu.vector_load %arg5[%get3A_433, %get3A_434] {strides = array<i32>} : memref<512x128xi32, #tpu.memory_space<vmem>>, vector<16xi32>,
      %add3A_436 = arith.constant 112 : i32
      %add3A_437 = vector.broadcast %add3A_436 : i32 to vector<16xi32>
      %add3A_438 = arith.addi %iota3A, %add3A_437 : vector<16xi32>
      tpu.vector_store_idx %arg7[%add3A_438, %get3A_435], %broadcast_in_dim3A_390 : memref<128x128xi32, #tpu.memory_space<vmem>>[vector<16xi32>, vector<16xi32>], vector<16xi32>,
      %mul3A_439 = arith.constant 16 : i32
      %mul3A_440 = arith.muli %while3A_23, %mul3A_439 : i32
      %add3A_441 = arith.constant 7 : i32
      %add3A_442 = arith.addi %mul3A_440, %add3A_441 : i32
      %add3A_443 = arith.addi %mul3A_2, %add3A_442 : i32
      %mul3A_444 = arith.constant 128 : i32
      %mul3A_445 = arith.muli %add3A_443, %mul3A_444 : i32
      %slice3A_446 = vector.extract_strided_slice %get3A_27 {offsets = [7], sizes = [1], strides = [1]} : vector<16xi32> to vector<1xi32>
      %squeeze3A_447 = vector.extract %slice3A_446[0] : i32 from vector<1xi32>
      %add3A_448 = arith.addi %mul3A_445, %squeeze3A_447 : i32
      %broadcast_in_dim3A_449 = vector.broadcast %add3A_448 : i32 to vector<16xi32>
      %get3A_450 = arith.index_cast %add3A_442 : i32 to index
      %get3A_451 = arith.constant 0 : index
      %get3A_452 = tpu.vector_load %arg5[%get3A_450, %get3A_451] {strides = array<i32>} : memref<512x128xi32, #tpu.memory_space<vmem>>, vector<16xi32>,
      %add3A_453 = arith.constant 0 : i32
      %add3A_454 = vector.broadcast %add3A_453 : i32 to vector<16xi32>
      %add3A_455 = arith.addi %iota3A, %add3A_454 : vector<16xi32>
      tpu.vector_store_idx %arg7[%add3A_455, %get3A_452], %broadcast_in_dim3A_449 : memref<128x128xi32, #tpu.memory_space<vmem>>[vector<16xi32>, vector<16xi32>], vector<16xi32>,
      %get3A_456 = arith.index_cast %add3A_442 : i32 to index
      %get3A_457 = arith.constant 16 : index
      %get3A_458 = tpu.vector_load %arg5[%get3A_456, %get3A_457] {strides = array<i32>} : memref<512x128xi32, #tpu.memory_space<vmem>>, vector<16xi32>,
      %add3A_459 = arith.constant 16 : i32
      %add3A_460 = vector.broadcast %add3A_459 : i32 to vector<16xi32>
      %add3A_461 = arith.addi %iota3A, %add3A_460 : vector<16xi32>
      tpu.vector_store_idx %arg7[%add3A_461, %get3A_458], %broadcast_in_dim3A_449 : memref<128x128xi32, #tpu.memory_space<vmem>>[vector<16xi32>, vector<16xi32>], vector<16xi32>,
      %get3A_462 = arith.index_cast %add3A_442 : i32 to index
      %get3A_463 = arith.constant 32 : index
      %get3A_464 = tpu.vector_load %arg5[%get3A_462, %get3A_463] {strides = array<i32>} : memref<512x128xi32, #tpu.memory_space<vmem>>, vector<16xi32>,
      %add3A_465 = arith.constant 32 : i32
      %add3A_466 = vector.broadcast %add3A_465 : i32 to vector<16xi32>
      %add3A_467 = arith.addi %iota3A, %add3A_466 : vector<16xi32>
      tpu.vector_store_idx %arg7[%add3A_467, %get3A_464], %broadcast_in_dim3A_449 : memref<128x128xi32, #tpu.memory_space<vmem>>[vector<16xi32>, vector<16xi32>], vector<16xi32>,
      %get3A_468 = arith.index_cast %add3A_442 : i32 to index
      %get3A_469 = arith.constant 48 : index
      %get3A_470 = tpu.vector_load %arg5[%get3A_468, %get3A_469] {strides = array<i32>} : memref<512x128xi32, #tpu.memory_space<vmem>>, vector<16xi32>,
      %add3A_471 = arith.constant 48 : i32
      %add3A_472 = vector.broadcast %add3A_471 : i32 to vector<16xi32>
      %add3A_473 = arith.addi %iota3A, %add3A_472 : vector<16xi32>
      tpu.vector_store_idx %arg7[%add3A_473, %get3A_470], %broadcast_in_dim3A_449 : memref<128x128xi32, #tpu.memory_space<vmem>>[vector<16xi32>, vector<16xi32>], vector<16xi32>,
      %get3A_474 = arith.index_cast %add3A_442 : i32 to index
      %get3A_475 = arith.constant 64 : index
      %get3A_476 = tpu.vector_load %arg5[%get3A_474, %get3A_475] {strides = array<i32>} : memref<512x128xi32, #tpu.memory_space<vmem>>, vector<16xi32>,
      %add3A_477 = arith.constant 64 : i32
      %add3A_478 = vector.broadcast %add3A_477 : i32 to vector<16xi32>
      %add3A_479 = arith.addi %iota3A, %add3A_478 : vector<16xi32>
      tpu.vector_store_idx %arg7[%add3A_479, %get3A_476], %broadcast_in_dim3A_449 : memref<128x128xi32, #tpu.memory_space<vmem>>[vector<16xi32>, vector<16xi32>], vector<16xi32>,
      %get3A_480 = arith.index_cast %add3A_442 : i32 to index
      %get3A_481 = arith.constant 80 : index
      %get3A_482 = tpu.vector_load %arg5[%get3A_480, %get3A_481] {strides = array<i32>} : memref<512x128xi32, #tpu.memory_space<vmem>>, vector<16xi32>,
      %add3A_483 = arith.constant 80 : i32
      %add3A_484 = vector.broadcast %add3A_483 : i32 to vector<16xi32>
      %add3A_485 = arith.addi %iota3A, %add3A_484 : vector<16xi32>
      tpu.vector_store_idx %arg7[%add3A_485, %get3A_482], %broadcast_in_dim3A_449 : memref<128x128xi32, #tpu.memory_space<vmem>>[vector<16xi32>, vector<16xi32>], vector<16xi32>,
      %get3A_486 = arith.index_cast %add3A_442 : i32 to index
      %get3A_487 = arith.constant 96 : index
      %get3A_488 = tpu.vector_load %arg5[%get3A_486, %get3A_487] {strides = array<i32>} : memref<512x128xi32, #tpu.memory_space<vmem>>, vector<16xi32>,
      %add3A_489 = arith.constant 96 : i32
      %add3A_490 = vector.broadcast %add3A_489 : i32 to vector<16xi32>
      %add3A_491 = arith.addi %iota3A, %add3A_490 : vector<16xi32>
      tpu.vector_store_idx %arg7[%add3A_491, %get3A_488], %broadcast_in_dim3A_449 : memref<128x128xi32, #tpu.memory_space<vmem>>[vector<16xi32>, vector<16xi32>], vector<16xi32>,
      %get3A_492 = arith.index_cast %add3A_442 : i32 to index
      %get3A_493 = arith.constant 112 : index
      %get3A_494 = tpu.vector_load %arg5[%get3A_492, %get3A_493] {strides = array<i32>} : memref<512x128xi32, #tpu.memory_space<vmem>>, vector<16xi32>,
      %add3A_495 = arith.constant 112 : i32
      %add3A_496 = vector.broadcast %add3A_495 : i32 to vector<16xi32>
      %add3A_497 = arith.addi %iota3A, %add3A_496 : vector<16xi32>
      tpu.vector_store_idx %arg7[%add3A_497, %get3A_494], %broadcast_in_dim3A_449 : memref<128x128xi32, #tpu.memory_space<vmem>>[vector<16xi32>, vector<16xi32>], vector<16xi32>,
      %mul3A_498 = arith.constant 16 : i32
      %mul3A_499 = arith.muli %while3A_23, %mul3A_498 : i32
      %add3A_500 = arith.constant 8 : i32
      %add3A_501 = arith.addi %mul3A_499, %add3A_500 : i32
      %add3A_502 = arith.addi %mul3A_2, %add3A_501 : i32
      %mul3A_503 = arith.constant 128 : i32
      %mul3A_504 = arith.muli %add3A_502, %mul3A_503 : i32
      %slice3A_505 = vector.extract_strided_slice %get3A_27 {offsets = [8], sizes = [1], strides = [1]} : vector<16xi32> to vector<1xi32>
      %squeeze3A_506 = vector.extract %slice3A_505[0] : i32 from vector<1xi32>
      %add3A_507 = arith.addi %mul3A_504, %squeeze3A_506 : i32
      %broadcast_in_dim3A_508 = vector.broadcast %add3A_507 : i32 to vector<16xi32>
      %get3A_509 = arith.index_cast %add3A_501 : i32 to index
      %get3A_510 = arith.constant 0 : index
      %get3A_511 = tpu.vector_load %arg5[%get3A_509, %get3A_510] {strides = array<i32>} : memref<512x128xi32, #tpu.memory_space<vmem>>, vector<16xi32>,
      %add3A_512 = arith.constant 0 : i32
      %add3A_513 = vector.broadcast %add3A_512 : i32 to vector<16xi32>
      %add3A_514 = arith.addi %iota3A, %add3A_513 : vector<16xi32>
      tpu.vector_store_idx %arg7[%add3A_514, %get3A_511], %broadcast_in_dim3A_508 : memref<128x128xi32, #tpu.memory_space<vmem>>[vector<16xi32>, vector<16xi32>], vector<16xi32>,
      %get3A_515 = arith.index_cast %add3A_501 : i32 to index
      %get3A_516 = arith.constant 16 : index
      %get3A_517 = tpu.vector_load %arg5[%get3A_515, %get3A_516] {strides = array<i32>} : memref<512x128xi32, #tpu.memory_space<vmem>>, vector<16xi32>,
      %add3A_518 = arith.constant 16 : i32
      %add3A_519 = vector.broadcast %add3A_518 : i32 to vector<16xi32>
      %add3A_520 = arith.addi %iota3A, %add3A_519 : vector<16xi32>
      tpu.vector_store_idx %arg7[%add3A_520, %get3A_517], %broadcast_in_dim3A_508 : memref<128x128xi32, #tpu.memory_space<vmem>>[vector<16xi32>, vector<16xi32>], vector<16xi32>,
      %get3A_521 = arith.index_cast %add3A_501 : i32 to index
      %get3A_522 = arith.constant 32 : index
      %get3A_523 = tpu.vector_load %arg5[%get3A_521, %get3A_522] {strides = array<i32>} : memref<512x128xi32, #tpu.memory_space<vmem>>, vector<16xi32>,
      %add3A_524 = arith.constant 32 : i32
      %add3A_525 = vector.broadcast %add3A_524 : i32 to vector<16xi32>
      %add3A_526 = arith.addi %iota3A, %add3A_525 : vector<16xi32>
      tpu.vector_store_idx %arg7[%add3A_526, %get3A_523], %broadcast_in_dim3A_508 : memref<128x128xi32, #tpu.memory_space<vmem>>[vector<16xi32>, vector<16xi32>], vector<16xi32>,
      %get3A_527 = arith.index_cast %add3A_501 : i32 to index
      %get3A_528 = arith.constant 48 : index
      %get3A_529 = tpu.vector_load %arg5[%get3A_527, %get3A_528] {strides = array<i32>} : memref<512x128xi32, #tpu.memory_space<vmem>>, vector<16xi32>,
      %add3A_530 = arith.constant 48 : i32
      %add3A_531 = vector.broadcast %add3A_530 : i32 to vector<16xi32>
      %add3A_532 = arith.addi %iota3A, %add3A_531 : vector<16xi32>
      tpu.vector_store_idx %arg7[%add3A_532, %get3A_529], %broadcast_in_dim3A_508 : memref<128x128xi32, #tpu.memory_space<vmem>>[vector<16xi32>, vector<16xi32>], vector<16xi32>,
      %get3A_533 = arith.index_cast %add3A_501 : i32 to index
      %get3A_534 = arith.constant 64 : index
      %get3A_535 = tpu.vector_load %arg5[%get3A_533, %get3A_534] {strides = array<i32>} : memref<512x128xi32, #tpu.memory_space<vmem>>, vector<16xi32>,
      %add3A_536 = arith.constant 64 : i32
      %add3A_537 = vector.broadcast %add3A_536 : i32 to vector<16xi32>
      %add3A_538 = arith.addi %iota3A, %add3A_537 : vector<16xi32>
      tpu.vector_store_idx %arg7[%add3A_538, %get3A_535], %broadcast_in_dim3A_508 : memref<128x128xi32, #tpu.memory_space<vmem>>[vector<16xi32>, vector<16xi32>], vector<16xi32>,
      %get3A_539 = arith.index_cast %add3A_501 : i32 to index
      %get3A_540 = arith.constant 80 : index
      %get3A_541 = tpu.vector_load %arg5[%get3A_539, %get3A_540] {strides = array<i32>} : memref<512x128xi32, #tpu.memory_space<vmem>>, vector<16xi32>,
      %add3A_542 = arith.constant 80 : i32
      %add3A_543 = vector.broadcast %add3A_542 : i32 to vector<16xi32>
      %add3A_544 = arith.addi %iota3A, %add3A_543 : vector<16xi32>
      tpu.vector_store_idx %arg7[%add3A_544, %get3A_541], %broadcast_in_dim3A_508 : memref<128x128xi32, #tpu.memory_space<vmem>>[vector<16xi32>, vector<16xi32>], vector<16xi32>,
      %get3A_545 = arith.index_cast %add3A_501 : i32 to index
      %get3A_546 = arith.constant 96 : index
      %get3A_547 = tpu.vector_load %arg5[%get3A_545, %get3A_546] {strides = array<i32>} : memref<512x128xi32, #tpu.memory_space<vmem>>, vector<16xi32>,
      %add3A_548 = arith.constant 96 : i32
      %add3A_549 = vector.broadcast %add3A_548 : i32 to vector<16xi32>
      %add3A_550 = arith.addi %iota3A, %add3A_549 : vector<16xi32>
      tpu.vector_store_idx %arg7[%add3A_550, %get3A_547], %broadcast_in_dim3A_508 : memref<128x128xi32, #tpu.memory_space<vmem>>[vector<16xi32>, vector<16xi32>], vector<16xi32>,
      %get3A_551 = arith.index_cast %add3A_501 : i32 to index
      %get3A_552 = arith.constant 112 : index
      %get3A_553 = tpu.vector_load %arg5[%get3A_551, %get3A_552] {strides = array<i32>} : memref<512x128xi32, #tpu.memory_space<vmem>>, vector<16xi32>,
      %add3A_554 = arith.constant 112 : i32
      %add3A_555 = vector.broadcast %add3A_554 : i32 to vector<16xi32>
      %add3A_556 = arith.addi %iota3A, %add3A_555 : vector<16xi32>
      tpu.vector_store_idx %arg7[%add3A_556, %get3A_553], %broadcast_in_dim3A_508 : memref<128x128xi32, #tpu.memory_space<vmem>>[vector<16xi32>, vector<16xi32>], vector<16xi32>,
      %mul3A_557 = arith.constant 16 : i32
      %mul3A_558 = arith.muli %while3A_23, %mul3A_557 : i32
      %add3A_559 = arith.constant 9 : i32
      %add3A_560 = arith.addi %mul3A_558, %add3A_559 : i32
      %add3A_561 = arith.addi %mul3A_2, %add3A_560 : i32
      %mul3A_562 = arith.constant 128 : i32
      %mul3A_563 = arith.muli %add3A_561, %mul3A_562 : i32
      %slice3A_564 = vector.extract_strided_slice %get3A_27 {offsets = [9], sizes = [1], strides = [1]} : vector<16xi32> to vector<1xi32>
      %squeeze3A_565 = vector.extract %slice3A_564[0] : i32 from vector<1xi32>
      %add3A_566 = arith.addi %mul3A_563, %squeeze3A_565 : i32
      %broadcast_in_dim3A_567 = vector.broadcast %add3A_566 : i32 to vector<16xi32>
      %get3A_568 = arith.index_cast %add3A_560 : i32 to index
      %get3A_569 = arith.constant 0 : index
      %get3A_570 = tpu.vector_load %arg5[%get3A_568, %get3A_569] {strides = array<i32>} : memref<512x128xi32, #tpu.memory_space<vmem>>, vector<16xi32>,
      %add3A_571 = arith.constant 0 : i32
      %add3A_572 = vector.broadcast %add3A_571 : i32 to vector<16xi32>
      %add3A_573 = arith.addi %iota3A, %add3A_572 : vector<16xi32>
      tpu.vector_store_idx %arg7[%add3A_573, %get3A_570], %broadcast_in_dim3A_567 : memref<128x128xi32, #tpu.memory_space<vmem>>[vector<16xi32>, vector<16xi32>], vector<16xi32>,
      %get3A_574 = arith.index_cast %add3A_560 : i32 to index
      %get3A_575 = arith.constant 16 : index
      %get3A_576 = tpu.vector_load %arg5[%get3A_574, %get3A_575] {strides = array<i32>} : memref<512x128xi32, #tpu.memory_space<vmem>>, vector<16xi32>,
      %add3A_577 = arith.constant 16 : i32
      %add3A_578 = vector.broadcast %add3A_577 : i32 to vector<16xi32>
      %add3A_579 = arith.addi %iota3A, %add3A_578 : vector<16xi32>
      tpu.vector_store_idx %arg7[%add3A_579, %get3A_576], %broadcast_in_dim3A_567 : memref<128x128xi32, #tpu.memory_space<vmem>>[vector<16xi32>, vector<16xi32>], vector<16xi32>,
      %get3A_580 = arith.index_cast %add3A_560 : i32 to index
      %get3A_581 = arith.constant 32 : index
      %get3A_582 = tpu.vector_load %arg5[%get3A_580, %get3A_581] {strides = array<i32>} : memref<512x128xi32, #tpu.memory_space<vmem>>, vector<16xi32>,
      %add3A_583 = arith.constant 32 : i32
      %add3A_584 = vector.broadcast %add3A_583 : i32 to vector<16xi32>
      %add3A_585 = arith.addi %iota3A, %add3A_584 : vector<16xi32>
      tpu.vector_store_idx %arg7[%add3A_585, %get3A_582], %broadcast_in_dim3A_567 : memref<128x128xi32, #tpu.memory_space<vmem>>[vector<16xi32>, vector<16xi32>], vector<16xi32>,
      %get3A_586 = arith.index_cast %add3A_560 : i32 to index
      %get3A_587 = arith.constant 48 : index
      %get3A_588 = tpu.vector_load %arg5[%get3A_586, %get3A_587] {strides = array<i32>} : memref<512x128xi32, #tpu.memory_space<vmem>>, vector<16xi32>,
      %add3A_589 = arith.constant 48 : i32
      %add3A_590 = vector.broadcast %add3A_589 : i32 to vector<16xi32>
      %add3A_591 = arith.addi %iota3A, %add3A_590 : vector<16xi32>
      tpu.vector_store_idx %arg7[%add3A_591, %get3A_588], %broadcast_in_dim3A_567 : memref<128x128xi32, #tpu.memory_space<vmem>>[vector<16xi32>, vector<16xi32>], vector<16xi32>,
      %get3A_592 = arith.index_cast %add3A_560 : i32 to index
      %get3A_593 = arith.constant 64 : index
      %get3A_594 = tpu.vector_load %arg5[%get3A_592, %get3A_593] {strides = array<i32>} : memref<512x128xi32, #tpu.memory_space<vmem>>, vector<16xi32>,
      %add3A_595 = arith.constant 64 : i32
      %add3A_596 = vector.broadcast %add3A_595 : i32 to vector<16xi32>
      %add3A_597 = arith.addi %iota3A, %add3A_596 : vector<16xi32>
      tpu.vector_store_idx %arg7[%add3A_597, %get3A_594], %broadcast_in_dim3A_567 : memref<128x128xi32, #tpu.memory_space<vmem>>[vector<16xi32>, vector<16xi32>], vector<16xi32>,
      %get3A_598 = arith.index_cast %add3A_560 : i32 to index
      %get3A_599 = arith.constant 80 : index
      %get3A_600 = tpu.vector_load %arg5[%get3A_598, %get3A_599] {strides = array<i32>} : memref<512x128xi32, #tpu.memory_space<vmem>>, vector<16xi32>,
      %add3A_601 = arith.constant 80 : i32
      %add3A_602 = vector.broadcast %add3A_601 : i32 to vector<16xi32>
      %add3A_603 = arith.addi %iota3A, %add3A_602 : vector<16xi32>
      tpu.vector_store_idx %arg7[%add3A_603, %get3A_600], %broadcast_in_dim3A_567 : memref<128x128xi32, #tpu.memory_space<vmem>>[vector<16xi32>, vector<16xi32>], vector<16xi32>,
      %get3A_604 = arith.index_cast %add3A_560 : i32 to index
      %get3A_605 = arith.constant 96 : index
      %get3A_606 = tpu.vector_load %arg5[%get3A_604, %get3A_605] {strides = array<i32>} : memref<512x128xi32, #tpu.memory_space<vmem>>, vector<16xi32>,
      %add3A_607 = arith.constant 96 : i32
      %add3A_608 = vector.broadcast %add3A_607 : i32 to vector<16xi32>
      %add3A_609 = arith.addi %iota3A, %add3A_608 : vector<16xi32>
      tpu.vector_store_idx %arg7[%add3A_609, %get3A_606], %broadcast_in_dim3A_567 : memref<128x128xi32, #tpu.memory_space<vmem>>[vector<16xi32>, vector<16xi32>], vector<16xi32>,
      %get3A_610 = arith.index_cast %add3A_560 : i32 to index
      %get3A_611 = arith.constant 112 : index
      %get3A_612 = tpu.vector_load %arg5[%get3A_610, %get3A_611] {strides = array<i32>} : memref<512x128xi32, #tpu.memory_space<vmem>>, vector<16xi32>,
      %add3A_613 = arith.constant 112 : i32
      %add3A_614 = vector.broadcast %add3A_613 : i32 to vector<16xi32>
      %add3A_615 = arith.addi %iota3A, %add3A_614 : vector<16xi32>
      tpu.vector_store_idx %arg7[%add3A_615, %get3A_612], %broadcast_in_dim3A_567 : memref<128x128xi32, #tpu.memory_space<vmem>>[vector<16xi32>, vector<16xi32>], vector<16xi32>,
      %mul3A_616 = arith.constant 16 : i32
      %mul3A_617 = arith.muli %while3A_23, %mul3A_616 : i32
      %add3A_618 = arith.constant 10 : i32
      %add3A_619 = arith.addi %mul3A_617, %add3A_618 : i32
      %add3A_620 = arith.addi %mul3A_2, %add3A_619 : i32
      %mul3A_621 = arith.constant 128 : i32
      %mul3A_622 = arith.muli %add3A_620, %mul3A_621 : i32
      %slice3A_623 = vector.extract_strided_slice %get3A_27 {offsets = [10], sizes = [1], strides = [1]} : vector<16xi32> to vector<1xi32>
      %squeeze3A_624 = vector.extract %slice3A_623[0] : i32 from vector<1xi32>
      %add3A_625 = arith.addi %mul3A_622, %squeeze3A_624 : i32
      %broadcast_in_dim3A_626 = vector.broadcast %add3A_625 : i32 to vector<16xi32>
      %get3A_627 = arith.index_cast %add3A_619 : i32 to index
      %get3A_628 = arith.constant 0 : index
      %get3A_629 = tpu.vector_load %arg5[%get3A_627, %get3A_628] {strides = array<i32>} : memref<512x128xi32, #tpu.memory_space<vmem>>, vector<16xi32>,
      %add3A_630 = arith.constant 0 : i32
      %add3A_631 = vector.broadcast %add3A_630 : i32 to vector<16xi32>
      %add3A_632 = arith.addi %iota3A, %add3A_631 : vector<16xi32>
      tpu.vector_store_idx %arg7[%add3A_632, %get3A_629], %broadcast_in_dim3A_626 : memref<128x128xi32, #tpu.memory_space<vmem>>[vector<16xi32>, vector<16xi32>], vector<16xi32>,
      %get3A_633 = arith.index_cast %add3A_619 : i32 to index
      %get3A_634 = arith.constant 16 : index
      %get3A_635 = tpu.vector_load %arg5[%get3A_633, %get3A_634] {strides = array<i32>} : memref<512x128xi32, #tpu.memory_space<vmem>>, vector<16xi32>,
      %add3A_636 = arith.constant 16 : i32
      %add3A_637 = vector.broadcast %add3A_636 : i32 to vector<16xi32>
      %add3A_638 = arith.addi %iota3A, %add3A_637 : vector<16xi32>
      tpu.vector_store_idx %arg7[%add3A_638, %get3A_635], %broadcast_in_dim3A_626 : memref<128x128xi32, #tpu.memory_space<vmem>>[vector<16xi32>, vector<16xi32>], vector<16xi32>,
      %get3A_639 = arith.index_cast %add3A_619 : i32 to index
      %get3A_640 = arith.constant 32 : index
      %get3A_641 = tpu.vector_load %arg5[%get3A_639, %get3A_640] {strides = array<i32>} : memref<512x128xi32, #tpu.memory_space<vmem>>, vector<16xi32>,
      %add3A_642 = arith.constant 32 : i32
      %add3A_643 = vector.broadcast %add3A_642 : i32 to vector<16xi32>
      %add3A_644 = arith.addi %iota3A, %add3A_643 : vector<16xi32>
      tpu.vector_store_idx %arg7[%add3A_644, %get3A_641], %broadcast_in_dim3A_626 : memref<128x128xi32, #tpu.memory_space<vmem>>[vector<16xi32>, vector<16xi32>], vector<16xi32>,
      %get3A_645 = arith.index_cast %add3A_619 : i32 to index
      %get3A_646 = arith.constant 48 : index
      %get3A_647 = tpu.vector_load %arg5[%get3A_645, %get3A_646] {strides = array<i32>} : memref<512x128xi32, #tpu.memory_space<vmem>>, vector<16xi32>,
      %add3A_648 = arith.constant 48 : i32
      %add3A_649 = vector.broadcast %add3A_648 : i32 to vector<16xi32>
      %add3A_650 = arith.addi %iota3A, %add3A_649 : vector<16xi32>
      tpu.vector_store_idx %arg7[%add3A_650, %get3A_647], %broadcast_in_dim3A_626 : memref<128x128xi32, #tpu.memory_space<vmem>>[vector<16xi32>, vector<16xi32>], vector<16xi32>,
      %get3A_651 = arith.index_cast %add3A_619 : i32 to index
      %get3A_652 = arith.constant 64 : index
      %get3A_653 = tpu.vector_load %arg5[%get3A_651, %get3A_652] {strides = array<i32>} : memref<512x128xi32, #tpu.memory_space<vmem>>, vector<16xi32>,
      %add3A_654 = arith.constant 64 : i32
      %add3A_655 = vector.broadcast %add3A_654 : i32 to vector<16xi32>
      %add3A_656 = arith.addi %iota3A, %add3A_655 : vector<16xi32>
      tpu.vector_store_idx %arg7[%add3A_656, %get3A_653], %broadcast_in_dim3A_626 : memref<128x128xi32, #tpu.memory_space<vmem>>[vector<16xi32>, vector<16xi32>], vector<16xi32>,
      %get3A_657 = arith.index_cast %add3A_619 : i32 to index
      %get3A_658 = arith.constant 80 : index
      %get3A_659 = tpu.vector_load %arg5[%get3A_657, %get3A_658] {strides = array<i32>} : memref<512x128xi32, #tpu.memory_space<vmem>>, vector<16xi32>,
      %add3A_660 = arith.constant 80 : i32
      %add3A_661 = vector.broadcast %add3A_660 : i32 to vector<16xi32>
      %add3A_662 = arith.addi %iota3A, %add3A_661 : vector<16xi32>
      tpu.vector_store_idx %arg7[%add3A_662, %get3A_659], %broadcast_in_dim3A_626 : memref<128x128xi32, #tpu.memory_space<vmem>>[vector<16xi32>, vector<16xi32>], vector<16xi32>,
      %get3A_663 = arith.index_cast %add3A_619 : i32 to index
      %get3A_664 = arith.constant 96 : index
      %get3A_665 = tpu.vector_load %arg5[%get3A_663, %get3A_664] {strides = array<i32>} : memref<512x128xi32, #tpu.memory_space<vmem>>, vector<16xi32>,
      %add3A_666 = arith.constant 96 : i32
      %add3A_667 = vector.broadcast %add3A_666 : i32 to vector<16xi32>
      %add3A_668 = arith.addi %iota3A, %add3A_667 : vector<16xi32>
      tpu.vector_store_idx %arg7[%add3A_668, %get3A_665], %broadcast_in_dim3A_626 : memref<128x128xi32, #tpu.memory_space<vmem>>[vector<16xi32>, vector<16xi32>], vector<16xi32>,
      %get3A_669 = arith.index_cast %add3A_619 : i32 to index
      %get3A_670 = arith.constant 112 : index
      %get3A_671 = tpu.vector_load %arg5[%get3A_669, %get3A_670] {strides = array<i32>} : memref<512x128xi32, #tpu.memory_space<vmem>>, vector<16xi32>,
      %add3A_672 = arith.constant 112 : i32
      %add3A_673 = vector.broadcast %add3A_672 : i32 to vector<16xi32>
      %add3A_674 = arith.addi %iota3A, %add3A_673 : vector<16xi32>
      tpu.vector_store_idx %arg7[%add3A_674, %get3A_671], %broadcast_in_dim3A_626 : memref<128x128xi32, #tpu.memory_space<vmem>>[vector<16xi32>, vector<16xi32>], vector<16xi32>,
      %mul3A_675 = arith.constant 16 : i32
      %mul3A_676 = arith.muli %while3A_23, %mul3A_675 : i32
      %add3A_677 = arith.constant 11 : i32
      %add3A_678 = arith.addi %mul3A_676, %add3A_677 : i32
      %add3A_679 = arith.addi %mul3A_2, %add3A_678 : i32
      %mul3A_680 = arith.constant 128 : i32
      %mul3A_681 = arith.muli %add3A_679, %mul3A_680 : i32
      %slice3A_682 = vector.extract_strided_slice %get3A_27 {offsets = [11], sizes = [1], strides = [1]} : vector<16xi32> to vector<1xi32>
      %squeeze3A_683 = vector.extract %slice3A_682[0] : i32 from vector<1xi32>
      %add3A_684 = arith.addi %mul3A_681, %squeeze3A_683 : i32
      %broadcast_in_dim3A_685 = vector.broadcast %add3A_684 : i32 to vector<16xi32>
      %get3A_686 = arith.index_cast %add3A_678 : i32 to index
      %get3A_687 = arith.constant 0 : index
      %get3A_688 = tpu.vector_load %arg5[%get3A_686, %get3A_687] {strides = array<i32>} : memref<512x128xi32, #tpu.memory_space<vmem>>, vector<16xi32>,
      %add3A_689 = arith.constant 0 : i32
      %add3A_690 = vector.broadcast %add3A_689 : i32 to vector<16xi32>
      %add3A_691 = arith.addi %iota3A, %add3A_690 : vector<16xi32>
      tpu.vector_store_idx %arg7[%add3A_691, %get3A_688], %broadcast_in_dim3A_685 : memref<128x128xi32, #tpu.memory_space<vmem>>[vector<16xi32>, vector<16xi32>], vector<16xi32>,
      %get3A_692 = arith.index_cast %add3A_678 : i32 to index
      %get3A_693 = arith.constant 16 : index
      %get3A_694 = tpu.vector_load %arg5[%get3A_692, %get3A_693] {strides = array<i32>} : memref<512x128xi32, #tpu.memory_space<vmem>>, vector<16xi32>,
      %add3A_695 = arith.constant 16 : i32
      %add3A_696 = vector.broadcast %add3A_695 : i32 to vector<16xi32>
      %add3A_697 = arith.addi %iota3A, %add3A_696 : vector<16xi32>
      tpu.vector_store_idx %arg7[%add3A_697, %get3A_694], %broadcast_in_dim3A_685 : memref<128x128xi32, #tpu.memory_space<vmem>>[vector<16xi32>, vector<16xi32>], vector<16xi32>,
      %get3A_698 = arith.index_cast %add3A_678 : i32 to index
      %get3A_699 = arith.constant 32 : index
      %get3A_700 = tpu.vector_load %arg5[%get3A_698, %get3A_699] {strides = array<i32>} : memref<512x128xi32, #tpu.memory_space<vmem>>, vector<16xi32>,
      %add3A_701 = arith.constant 32 : i32
      %add3A_702 = vector.broadcast %add3A_701 : i32 to vector<16xi32>
      %add3A_703 = arith.addi %iota3A, %add3A_702 : vector<16xi32>
      tpu.vector_store_idx %arg7[%add3A_703, %get3A_700], %broadcast_in_dim3A_685 : memref<128x128xi32, #tpu.memory_space<vmem>>[vector<16xi32>, vector<16xi32>], vector<16xi32>,
      %get3A_704 = arith.index_cast %add3A_678 : i32 to index
      %get3A_705 = arith.constant 48 : index
      %get3A_706 = tpu.vector_load %arg5[%get3A_704, %get3A_705] {strides = array<i32>} : memref<512x128xi32, #tpu.memory_space<vmem>>, vector<16xi32>,
      %add3A_707 = arith.constant 48 : i32
      %add3A_708 = vector.broadcast %add3A_707 : i32 to vector<16xi32>
      %add3A_709 = arith.addi %iota3A, %add3A_708 : vector<16xi32>
      tpu.vector_store_idx %arg7[%add3A_709, %get3A_706], %broadcast_in_dim3A_685 : memref<128x128xi32, #tpu.memory_space<vmem>>[vector<16xi32>, vector<16xi32>], vector<16xi32>,
      %get3A_710 = arith.index_cast %add3A_678 : i32 to index
      %get3A_711 = arith.constant 64 : index
      %get3A_712 = tpu.vector_load %arg5[%get3A_710, %get3A_711] {strides = array<i32>} : memref<512x128xi32, #tpu.memory_space<vmem>>, vector<16xi32>,
      %add3A_713 = arith.constant 64 : i32
      %add3A_714 = vector.broadcast %add3A_713 : i32 to vector<16xi32>
      %add3A_715 = arith.addi %iota3A, %add3A_714 : vector<16xi32>
      tpu.vector_store_idx %arg7[%add3A_715, %get3A_712], %broadcast_in_dim3A_685 : memref<128x128xi32, #tpu.memory_space<vmem>>[vector<16xi32>, vector<16xi32>], vector<16xi32>,
      %get3A_716 = arith.index_cast %add3A_678 : i32 to index
      %get3A_717 = arith.constant 80 : index
      %get3A_718 = tpu.vector_load %arg5[%get3A_716, %get3A_717] {strides = array<i32>} : memref<512x128xi32, #tpu.memory_space<vmem>>, vector<16xi32>,
      %add3A_719 = arith.constant 80 : i32
      %add3A_720 = vector.broadcast %add3A_719 : i32 to vector<16xi32>
      %add3A_721 = arith.addi %iota3A, %add3A_720 : vector<16xi32>
      tpu.vector_store_idx %arg7[%add3A_721, %get3A_718], %broadcast_in_dim3A_685 : memref<128x128xi32, #tpu.memory_space<vmem>>[vector<16xi32>, vector<16xi32>], vector<16xi32>,
      %get3A_722 = arith.index_cast %add3A_678 : i32 to index
      %get3A_723 = arith.constant 96 : index
      %get3A_724 = tpu.vector_load %arg5[%get3A_722, %get3A_723] {strides = array<i32>} : memref<512x128xi32, #tpu.memory_space<vmem>>, vector<16xi32>,
      %add3A_725 = arith.constant 96 : i32
      %add3A_726 = vector.broadcast %add3A_725 : i32 to vector<16xi32>
      %add3A_727 = arith.addi %iota3A, %add3A_726 : vector<16xi32>
      tpu.vector_store_idx %arg7[%add3A_727, %get3A_724], %broadcast_in_dim3A_685 : memref<128x128xi32, #tpu.memory_space<vmem>>[vector<16xi32>, vector<16xi32>], vector<16xi32>,
      %get3A_728 = arith.index_cast %add3A_678 : i32 to index
      %get3A_729 = arith.constant 112 : index
      %get3A_730 = tpu.vector_load %arg5[%get3A_728, %get3A_729] {strides = array<i32>} : memref<512x128xi32, #tpu.memory_space<vmem>>, vector<16xi32>,
      %add3A_731 = arith.constant 112 : i32
      %add3A_732 = vector.broadcast %add3A_731 : i32 to vector<16xi32>
      %add3A_733 = arith.addi %iota3A, %add3A_732 : vector<16xi32>
      tpu.vector_store_idx %arg7[%add3A_733, %get3A_730], %broadcast_in_dim3A_685 : memref<128x128xi32, #tpu.memory_space<vmem>>[vector<16xi32>, vector<16xi32>], vector<16xi32>,
      %mul3A_734 = arith.constant 16 : i32
      %mul3A_735 = arith.muli %while3A_23, %mul3A_734 : i32
      %add3A_736 = arith.constant 12 : i32
      %add3A_737 = arith.addi %mul3A_735, %add3A_736 : i32
      %add3A_738 = arith.addi %mul3A_2, %add3A_737 : i32
      %mul3A_739 = arith.constant 128 : i32
      %mul3A_740 = arith.muli %add3A_738, %mul3A_739 : i32
      %slice3A_741 = vector.extract_strided_slice %get3A_27 {offsets = [12], sizes = [1], strides = [1]} : vector<16xi32> to vector<1xi32>
      %squeeze3A_742 = vector.extract %slice3A_741[0] : i32 from vector<1xi32>
      %add3A_743 = arith.addi %mul3A_740, %squeeze3A_742 : i32
      %broadcast_in_dim3A_744 = vector.broadcast %add3A_743 : i32 to vector<16xi32>
      %get3A_745 = arith.index_cast %add3A_737 : i32 to index
      %get3A_746 = arith.constant 0 : index
      %get3A_747 = tpu.vector_load %arg5[%get3A_745, %get3A_746] {strides = array<i32>} : memref<512x128xi32, #tpu.memory_space<vmem>>, vector<16xi32>,
      %add3A_748 = arith.constant 0 : i32
      %add3A_749 = vector.broadcast %add3A_748 : i32 to vector<16xi32>
      %add3A_750 = arith.addi %iota3A, %add3A_749 : vector<16xi32>
      tpu.vector_store_idx %arg7[%add3A_750, %get3A_747], %broadcast_in_dim3A_744 : memref<128x128xi32, #tpu.memory_space<vmem>>[vector<16xi32>, vector<16xi32>], vector<16xi32>,
      %get3A_751 = arith.index_cast %add3A_737 : i32 to index
      %get3A_752 = arith.constant 16 : index
      %get3A_753 = tpu.vector_load %arg5[%get3A_751, %get3A_752] {strides = array<i32>} : memref<512x128xi32, #tpu.memory_space<vmem>>, vector<16xi32>,
      %add3A_754 = arith.constant 16 : i32
      %add3A_755 = vector.broadcast %add3A_754 : i32 to vector<16xi32>
      %add3A_756 = arith.addi %iota3A, %add3A_755 : vector<16xi32>
      tpu.vector_store_idx %arg7[%add3A_756, %get3A_753], %broadcast_in_dim3A_744 : memref<128x128xi32, #tpu.memory_space<vmem>>[vector<16xi32>, vector<16xi32>], vector<16xi32>,
      %get3A_757 = arith.index_cast %add3A_737 : i32 to index
      %get3A_758 = arith.constant 32 : index
      %get3A_759 = tpu.vector_load %arg5[%get3A_757, %get3A_758] {strides = array<i32>} : memref<512x128xi32, #tpu.memory_space<vmem>>, vector<16xi32>,
      %add3A_760 = arith.constant 32 : i32
      %add3A_761 = vector.broadcast %add3A_760 : i32 to vector<16xi32>
      %add3A_762 = arith.addi %iota3A, %add3A_761 : vector<16xi32>
      tpu.vector_store_idx %arg7[%add3A_762, %get3A_759], %broadcast_in_dim3A_744 : memref<128x128xi32, #tpu.memory_space<vmem>>[vector<16xi32>, vector<16xi32>], vector<16xi32>,
      %get3A_763 = arith.index_cast %add3A_737 : i32 to index
      %get3A_764 = arith.constant 48 : index
      %get3A_765 = tpu.vector_load %arg5[%get3A_763, %get3A_764] {strides = array<i32>} : memref<512x128xi32, #tpu.memory_space<vmem>>, vector<16xi32>,
      %add3A_766 = arith.constant 48 : i32
      %add3A_767 = vector.broadcast %add3A_766 : i32 to vector<16xi32>
      %add3A_768 = arith.addi %iota3A, %add3A_767 : vector<16xi32>
      tpu.vector_store_idx %arg7[%add3A_768, %get3A_765], %broadcast_in_dim3A_744 : memref<128x128xi32, #tpu.memory_space<vmem>>[vector<16xi32>, vector<16xi32>], vector<16xi32>,
      %get3A_769 = arith.index_cast %add3A_737 : i32 to index
      %get3A_770 = arith.constant 64 : index
      %get3A_771 = tpu.vector_load %arg5[%get3A_769, %get3A_770] {strides = array<i32>} : memref<512x128xi32, #tpu.memory_space<vmem>>, vector<16xi32>,
      %add3A_772 = arith.constant 64 : i32
      %add3A_773 = vector.broadcast %add3A_772 : i32 to vector<16xi32>
      %add3A_774 = arith.addi %iota3A, %add3A_773 : vector<16xi32>
      tpu.vector_store_idx %arg7[%add3A_774, %get3A_771], %broadcast_in_dim3A_744 : memref<128x128xi32, #tpu.memory_space<vmem>>[vector<16xi32>, vector<16xi32>], vector<16xi32>,
      %get3A_775 = arith.index_cast %add3A_737 : i32 to index
      %get3A_776 = arith.constant 80 : index
      %get3A_777 = tpu.vector_load %arg5[%get3A_775, %get3A_776] {strides = array<i32>} : memref<512x128xi32, #tpu.memory_space<vmem>>, vector<16xi32>,
      %add3A_778 = arith.constant 80 : i32
      %add3A_779 = vector.broadcast %add3A_778 : i32 to vector<16xi32>
      %add3A_780 = arith.addi %iota3A, %add3A_779 : vector<16xi32>
      tpu.vector_store_idx %arg7[%add3A_780, %get3A_777], %broadcast_in_dim3A_744 : memref<128x128xi32, #tpu.memory_space<vmem>>[vector<16xi32>, vector<16xi32>], vector<16xi32>,
      %get3A_781 = arith.index_cast %add3A_737 : i32 to index
      %get3A_782 = arith.constant 96 : index
      %get3A_783 = tpu.vector_load %arg5[%get3A_781, %get3A_782] {strides = array<i32>} : memref<512x128xi32, #tpu.memory_space<vmem>>, vector<16xi32>,
      %add3A_784 = arith.constant 96 : i32
      %add3A_785 = vector.broadcast %add3A_784 : i32 to vector<16xi32>
      %add3A_786 = arith.addi %iota3A, %add3A_785 : vector<16xi32>
      tpu.vector_store_idx %arg7[%add3A_786, %get3A_783], %broadcast_in_dim3A_744 : memref<128x128xi32, #tpu.memory_space<vmem>>[vector<16xi32>, vector<16xi32>], vector<16xi32>,
      %get3A_787 = arith.index_cast %add3A_737 : i32 to index
      %get3A_788 = arith.constant 112 : index
      %get3A_789 = tpu.vector_load %arg5[%get3A_787, %get3A_788] {strides = array<i32>} : memref<512x128xi32, #tpu.memory_space<vmem>>, vector<16xi32>,
      %add3A_790 = arith.constant 112 : i32
      %add3A_791 = vector.broadcast %add3A_790 : i32 to vector<16xi32>
      %add3A_792 = arith.addi %iota3A, %add3A_791 : vector<16xi32>
      tpu.vector_store_idx %arg7[%add3A_792, %get3A_789], %broadcast_in_dim3A_744 : memref<128x128xi32, #tpu.memory_space<vmem>>[vector<16xi32>, vector<16xi32>], vector<16xi32>,
      %mul3A_793 = arith.constant 16 : i32
      %mul3A_794 = arith.muli %while3A_23, %mul3A_793 : i32
      %add3A_795 = arith.constant 13 : i32
      %add3A_796 = arith.addi %mul3A_794, %add3A_795 : i32
      %add3A_797 = arith.addi %mul3A_2, %add3A_796 : i32
      %mul3A_798 = arith.constant 128 : i32
      %mul3A_799 = arith.muli %add3A_797, %mul3A_798 : i32
      %slice3A_800 = vector.extract_strided_slice %get3A_27 {offsets = [13], sizes = [1], strides = [1]} : vector<16xi32> to vector<1xi32>
      %squeeze3A_801 = vector.extract %slice3A_800[0] : i32 from vector<1xi32>
      %add3A_802 = arith.addi %mul3A_799, %squeeze3A_801 : i32
      %broadcast_in_dim3A_803 = vector.broadcast %add3A_802 : i32 to vector<16xi32>
      %get3A_804 = arith.index_cast %add3A_796 : i32 to index
      %get3A_805 = arith.constant 0 : index
      %get3A_806 = tpu.vector_load %arg5[%get3A_804, %get3A_805] {strides = array<i32>} : memref<512x128xi32, #tpu.memory_space<vmem>>, vector<16xi32>,
      %add3A_807 = arith.constant 0 : i32
      %add3A_808 = vector.broadcast %add3A_807 : i32 to vector<16xi32>
      %add3A_809 = arith.addi %iota3A, %add3A_808 : vector<16xi32>
      tpu.vector_store_idx %arg7[%add3A_809, %get3A_806], %broadcast_in_dim3A_803 : memref<128x128xi32, #tpu.memory_space<vmem>>[vector<16xi32>, vector<16xi32>], vector<16xi32>,
      %get3A_810 = arith.index_cast %add3A_796 : i32 to index
      %get3A_811 = arith.constant 16 : index
      %get3A_812 = tpu.vector_load %arg5[%get3A_810, %get3A_811] {strides = array<i32>} : memref<512x128xi32, #tpu.memory_space<vmem>>, vector<16xi32>,
      %add3A_813 = arith.constant 16 : i32
      %add3A_814 = vector.broadcast %add3A_813 : i32 to vector<16xi32>
      %add3A_815 = arith.addi %iota3A, %add3A_814 : vector<16xi32>
      tpu.vector_store_idx %arg7[%add3A_815, %get3A_812], %broadcast_in_dim3A_803 : memref<128x128xi32, #tpu.memory_space<vmem>>[vector<16xi32>, vector<16xi32>], vector<16xi32>,
      %get3A_816 = arith.index_cast %add3A_796 : i32 to index
      %get3A_817 = arith.constant 32 : index
      %get3A_818 = tpu.vector_load %arg5[%get3A_816, %get3A_817] {strides = array<i32>} : memref<512x128xi32, #tpu.memory_space<vmem>>, vector<16xi32>,
      %add3A_819 = arith.constant 32 : i32
      %add3A_820 = vector.broadcast %add3A_819 : i32 to vector<16xi32>
      %add3A_821 = arith.addi %iota3A, %add3A_820 : vector<16xi32>
      tpu.vector_store_idx %arg7[%add3A_821, %get3A_818], %broadcast_in_dim3A_803 : memref<128x128xi32, #tpu.memory_space<vmem>>[vector<16xi32>, vector<16xi32>], vector<16xi32>,
      %get3A_822 = arith.index_cast %add3A_796 : i32 to index
      %get3A_823 = arith.constant 48 : index
      %get3A_824 = tpu.vector_load %arg5[%get3A_822, %get3A_823] {strides = array<i32>} : memref<512x128xi32, #tpu.memory_space<vmem>>, vector<16xi32>,
      %add3A_825 = arith.constant 48 : i32
      %add3A_826 = vector.broadcast %add3A_825 : i32 to vector<16xi32>
      %add3A_827 = arith.addi %iota3A, %add3A_826 : vector<16xi32>
      tpu.vector_store_idx %arg7[%add3A_827, %get3A_824], %broadcast_in_dim3A_803 : memref<128x128xi32, #tpu.memory_space<vmem>>[vector<16xi32>, vector<16xi32>], vector<16xi32>,
      %get3A_828 = arith.index_cast %add3A_796 : i32 to index
      %get3A_829 = arith.constant 64 : index
      %get3A_830 = tpu.vector_load %arg5[%get3A_828, %get3A_829] {strides = array<i32>} : memref<512x128xi32, #tpu.memory_space<vmem>>, vector<16xi32>,
      %add3A_831 = arith.constant 64 : i32
      %add3A_832 = vector.broadcast %add3A_831 : i32 to vector<16xi32>
      %add3A_833 = arith.addi %iota3A, %add3A_832 : vector<16xi32>
      tpu.vector_store_idx %arg7[%add3A_833, %get3A_830], %broadcast_in_dim3A_803 : memref<128x128xi32, #tpu.memory_space<vmem>>[vector<16xi32>, vector<16xi32>], vector<16xi32>,
      %get3A_834 = arith.index_cast %add3A_796 : i32 to index
      %get3A_835 = arith.constant 80 : index
      %get3A_836 = tpu.vector_load %arg5[%get3A_834, %get3A_835] {strides = array<i32>} : memref<512x128xi32, #tpu.memory_space<vmem>>, vector<16xi32>,
      %add3A_837 = arith.constant 80 : i32
      %add3A_838 = vector.broadcast %add3A_837 : i32 to vector<16xi32>
      %add3A_839 = arith.addi %iota3A, %add3A_838 : vector<16xi32>
      tpu.vector_store_idx %arg7[%add3A_839, %get3A_836], %broadcast_in_dim3A_803 : memref<128x128xi32, #tpu.memory_space<vmem>>[vector<16xi32>, vector<16xi32>], vector<16xi32>,
      %get3A_840 = arith.index_cast %add3A_796 : i32 to index
      %get3A_841 = arith.constant 96 : index
      %get3A_842 = tpu.vector_load %arg5[%get3A_840, %get3A_841] {strides = array<i32>} : memref<512x128xi32, #tpu.memory_space<vmem>>, vector<16xi32>,
      %add3A_843 = arith.constant 96 : i32
      %add3A_844 = vector.broadcast %add3A_843 : i32 to vector<16xi32>
      %add3A_845 = arith.addi %iota3A, %add3A_844 : vector<16xi32>
      tpu.vector_store_idx %arg7[%add3A_845, %get3A_842], %broadcast_in_dim3A_803 : memref<128x128xi32, #tpu.memory_space<vmem>>[vector<16xi32>, vector<16xi32>], vector<16xi32>,
      %get3A_846 = arith.index_cast %add3A_796 : i32 to index
      %get3A_847 = arith.constant 112 : index
      %get3A_848 = tpu.vector_load %arg5[%get3A_846, %get3A_847] {strides = array<i32>} : memref<512x128xi32, #tpu.memory_space<vmem>>, vector<16xi32>,
      %add3A_849 = arith.constant 112 : i32
      %add3A_850 = vector.broadcast %add3A_849 : i32 to vector<16xi32>
      %add3A_851 = arith.addi %iota3A, %add3A_850 : vector<16xi32>
      tpu.vector_store_idx %arg7[%add3A_851, %get3A_848], %broadcast_in_dim3A_803 : memref<128x128xi32, #tpu.memory_space<vmem>>[vector<16xi32>, vector<16xi32>], vector<16xi32>,
      %mul3A_852 = arith.constant 16 : i32
      %mul3A_853 = arith.muli %while3A_23, %mul3A_852 : i32
      %add3A_854 = arith.constant 14 : i32
      %add3A_855 = arith.addi %mul3A_853, %add3A_854 : i32
      %add3A_856 = arith.addi %mul3A_2, %add3A_855 : i32
      %mul3A_857 = arith.constant 128 : i32
      %mul3A_858 = arith.muli %add3A_856, %mul3A_857 : i32
      %slice3A_859 = vector.extract_strided_slice %get3A_27 {offsets = [14], sizes = [1], strides = [1]} : vector<16xi32> to vector<1xi32>
      %squeeze3A_860 = vector.extract %slice3A_859[0] : i32 from vector<1xi32>
      %add3A_861 = arith.addi %mul3A_858, %squeeze3A_860 : i32
      %broadcast_in_dim3A_862 = vector.broadcast %add3A_861 : i32 to vector<16xi32>
      %get3A_863 = arith.index_cast %add3A_855 : i32 to index
      %get3A_864 = arith.constant 0 : index
      %get3A_865 = tpu.vector_load %arg5[%get3A_863, %get3A_864] {strides = array<i32>} : memref<512x128xi32, #tpu.memory_space<vmem>>, vector<16xi32>,
      %add3A_866 = arith.constant 0 : i32
      %add3A_867 = vector.broadcast %add3A_866 : i32 to vector<16xi32>
      %add3A_868 = arith.addi %iota3A, %add3A_867 : vector<16xi32>
      tpu.vector_store_idx %arg7[%add3A_868, %get3A_865], %broadcast_in_dim3A_862 : memref<128x128xi32, #tpu.memory_space<vmem>>[vector<16xi32>, vector<16xi32>], vector<16xi32>,
      %get3A_869 = arith.index_cast %add3A_855 : i32 to index
      %get3A_870 = arith.constant 16 : index
      %get3A_871 = tpu.vector_load %arg5[%get3A_869, %get3A_870] {strides = array<i32>} : memref<512x128xi32, #tpu.memory_space<vmem>>, vector<16xi32>,
      %add3A_872 = arith.constant 16 : i32
      %add3A_873 = vector.broadcast %add3A_872 : i32 to vector<16xi32>
      %add3A_874 = arith.addi %iota3A, %add3A_873 : vector<16xi32>
      tpu.vector_store_idx %arg7[%add3A_874, %get3A_871], %broadcast_in_dim3A_862 : memref<128x128xi32, #tpu.memory_space<vmem>>[vector<16xi32>, vector<16xi32>], vector<16xi32>,
      %get3A_875 = arith.index_cast %add3A_855 : i32 to index
      %get3A_876 = arith.constant 32 : index
      %get3A_877 = tpu.vector_load %arg5[%get3A_875, %get3A_876] {strides = array<i32>} : memref<512x128xi32, #tpu.memory_space<vmem>>, vector<16xi32>,
      %add3A_878 = arith.constant 32 : i32
      %add3A_879 = vector.broadcast %add3A_878 : i32 to vector<16xi32>
      %add3A_880 = arith.addi %iota3A, %add3A_879 : vector<16xi32>
      tpu.vector_store_idx %arg7[%add3A_880, %get3A_877], %broadcast_in_dim3A_862 : memref<128x128xi32, #tpu.memory_space<vmem>>[vector<16xi32>, vector<16xi32>], vector<16xi32>,
      %get3A_881 = arith.index_cast %add3A_855 : i32 to index
      %get3A_882 = arith.constant 48 : index
      %get3A_883 = tpu.vector_load %arg5[%get3A_881, %get3A_882] {strides = array<i32>} : memref<512x128xi32, #tpu.memory_space<vmem>>, vector<16xi32>,
      %add3A_884 = arith.constant 48 : i32
      %add3A_885 = vector.broadcast %add3A_884 : i32 to vector<16xi32>
      %add3A_886 = arith.addi %iota3A, %add3A_885 : vector<16xi32>
      tpu.vector_store_idx %arg7[%add3A_886, %get3A_883], %broadcast_in_dim3A_862 : memref<128x128xi32, #tpu.memory_space<vmem>>[vector<16xi32>, vector<16xi32>], vector<16xi32>,
      %get3A_887 = arith.index_cast %add3A_855 : i32 to index
      %get3A_888 = arith.constant 64 : index
      %get3A_889 = tpu.vector_load %arg5[%get3A_887, %get3A_888] {strides = array<i32>} : memref<512x128xi32, #tpu.memory_space<vmem>>, vector<16xi32>,
      %add3A_890 = arith.constant 64 : i32
      %add3A_891 = vector.broadcast %add3A_890 : i32 to vector<16xi32>
      %add3A_892 = arith.addi %iota3A, %add3A_891 : vector<16xi32>
      tpu.vector_store_idx %arg7[%add3A_892, %get3A_889], %broadcast_in_dim3A_862 : memref<128x128xi32, #tpu.memory_space<vmem>>[vector<16xi32>, vector<16xi32>], vector<16xi32>,
      %get3A_893 = arith.index_cast %add3A_855 : i32 to index
      %get3A_894 = arith.constant 80 : index
      %get3A_895 = tpu.vector_load %arg5[%get3A_893, %get3A_894] {strides = array<i32>} : memref<512x128xi32, #tpu.memory_space<vmem>>, vector<16xi32>,
      %add3A_896 = arith.constant 80 : i32
      %add3A_897 = vector.broadcast %add3A_896 : i32 to vector<16xi32>
      %add3A_898 = arith.addi %iota3A, %add3A_897 : vector<16xi32>
      tpu.vector_store_idx %arg7[%add3A_898, %get3A_895], %broadcast_in_dim3A_862 : memref<128x128xi32, #tpu.memory_space<vmem>>[vector<16xi32>, vector<16xi32>], vector<16xi32>,
      %get3A_899 = arith.index_cast %add3A_855 : i32 to index
      %get3A_900 = arith.constant 96 : index
      %get3A_901 = tpu.vector_load %arg5[%get3A_899, %get3A_900] {strides = array<i32>} : memref<512x128xi32, #tpu.memory_space<vmem>>, vector<16xi32>,
      %add3A_902 = arith.constant 96 : i32
      %add3A_903 = vector.broadcast %add3A_902 : i32 to vector<16xi32>
      %add3A_904 = arith.addi %iota3A, %add3A_903 : vector<16xi32>
      tpu.vector_store_idx %arg7[%add3A_904, %get3A_901], %broadcast_in_dim3A_862 : memref<128x128xi32, #tpu.memory_space<vmem>>[vector<16xi32>, vector<16xi32>], vector<16xi32>,
      %get3A_905 = arith.index_cast %add3A_855 : i32 to index
      %get3A_906 = arith.constant 112 : index
      %get3A_907 = tpu.vector_load %arg5[%get3A_905, %get3A_906] {strides = array<i32>} : memref<512x128xi32, #tpu.memory_space<vmem>>, vector<16xi32>,
      %add3A_908 = arith.constant 112 : i32
      %add3A_909 = vector.broadcast %add3A_908 : i32 to vector<16xi32>
      %add3A_910 = arith.addi %iota3A, %add3A_909 : vector<16xi32>
      tpu.vector_store_idx %arg7[%add3A_910, %get3A_907], %broadcast_in_dim3A_862 : memref<128x128xi32, #tpu.memory_space<vmem>>[vector<16xi32>, vector<16xi32>], vector<16xi32>,
      %mul3A_911 = arith.constant 16 : i32
      %mul3A_912 = arith.muli %while3A_23, %mul3A_911 : i32
      %add3A_913 = arith.constant 15 : i32
      %add3A_914 = arith.addi %mul3A_912, %add3A_913 : i32
      %add3A_915 = arith.addi %mul3A_2, %add3A_914 : i32
      %mul3A_916 = arith.constant 128 : i32
      %mul3A_917 = arith.muli %add3A_915, %mul3A_916 : i32
      %slice3A_918 = vector.extract_strided_slice %get3A_27 {offsets = [15], sizes = [1], strides = [1]} : vector<16xi32> to vector<1xi32>
      %squeeze3A_919 = vector.extract %slice3A_918[0] : i32 from vector<1xi32>
      %add3A_920 = arith.addi %mul3A_917, %squeeze3A_919 : i32
      %broadcast_in_dim3A_921 = vector.broadcast %add3A_920 : i32 to vector<16xi32>
      %get3A_922 = arith.index_cast %add3A_914 : i32 to index
      %get3A_923 = arith.constant 0 : index
      %get3A_924 = tpu.vector_load %arg5[%get3A_922, %get3A_923] {strides = array<i32>} : memref<512x128xi32, #tpu.memory_space<vmem>>, vector<16xi32>,
      %add3A_925 = arith.constant 0 : i32
      %add3A_926 = vector.broadcast %add3A_925 : i32 to vector<16xi32>
      %add3A_927 = arith.addi %iota3A, %add3A_926 : vector<16xi32>
      tpu.vector_store_idx %arg7[%add3A_927, %get3A_924], %broadcast_in_dim3A_921 : memref<128x128xi32, #tpu.memory_space<vmem>>[vector<16xi32>, vector<16xi32>], vector<16xi32>,
      %get3A_928 = arith.index_cast %add3A_914 : i32 to index
      %get3A_929 = arith.constant 16 : index
      %get3A_930 = tpu.vector_load %arg5[%get3A_928, %get3A_929] {strides = array<i32>} : memref<512x128xi32, #tpu.memory_space<vmem>>, vector<16xi32>,
      %add3A_931 = arith.constant 16 : i32
      %add3A_932 = vector.broadcast %add3A_931 : i32 to vector<16xi32>
      %add3A_933 = arith.addi %iota3A, %add3A_932 : vector<16xi32>
      tpu.vector_store_idx %arg7[%add3A_933, %get3A_930], %broadcast_in_dim3A_921 : memref<128x128xi32, #tpu.memory_space<vmem>>[vector<16xi32>, vector<16xi32>], vector<16xi32>,
      %get3A_934 = arith.index_cast %add3A_914 : i32 to index
      %get3A_935 = arith.constant 32 : index
      %get3A_936 = tpu.vector_load %arg5[%get3A_934, %get3A_935] {strides = array<i32>} : memref<512x128xi32, #tpu.memory_space<vmem>>, vector<16xi32>,
      %add3A_937 = arith.constant 32 : i32
      %add3A_938 = vector.broadcast %add3A_937 : i32 to vector<16xi32>
      %add3A_939 = arith.addi %iota3A, %add3A_938 : vector<16xi32>
      tpu.vector_store_idx %arg7[%add3A_939, %get3A_936], %broadcast_in_dim3A_921 : memref<128x128xi32, #tpu.memory_space<vmem>>[vector<16xi32>, vector<16xi32>], vector<16xi32>,
      %get3A_940 = arith.index_cast %add3A_914 : i32 to index
      %get3A_941 = arith.constant 48 : index
      %get3A_942 = tpu.vector_load %arg5[%get3A_940, %get3A_941] {strides = array<i32>} : memref<512x128xi32, #tpu.memory_space<vmem>>, vector<16xi32>,
      %add3A_943 = arith.constant 48 : i32
      %add3A_944 = vector.broadcast %add3A_943 : i32 to vector<16xi32>
      %add3A_945 = arith.addi %iota3A, %add3A_944 : vector<16xi32>
      tpu.vector_store_idx %arg7[%add3A_945, %get3A_942], %broadcast_in_dim3A_921 : memref<128x128xi32, #tpu.memory_space<vmem>>[vector<16xi32>, vector<16xi32>], vector<16xi32>,
      %get3A_946 = arith.index_cast %add3A_914 : i32 to index
      %get3A_947 = arith.constant 64 : index
      %get3A_948 = tpu.vector_load %arg5[%get3A_946, %get3A_947] {strides = array<i32>} : memref<512x128xi32, #tpu.memory_space<vmem>>, vector<16xi32>,
      %add3A_949 = arith.constant 64 : i32
      %add3A_950 = vector.broadcast %add3A_949 : i32 to vector<16xi32>
      %add3A_951 = arith.addi %iota3A, %add3A_950 : vector<16xi32>
      tpu.vector_store_idx %arg7[%add3A_951, %get3A_948], %broadcast_in_dim3A_921 : memref<128x128xi32, #tpu.memory_space<vmem>>[vector<16xi32>, vector<16xi32>], vector<16xi32>,
      %get3A_952 = arith.index_cast %add3A_914 : i32 to index
      %get3A_953 = arith.constant 80 : index
      %get3A_954 = tpu.vector_load %arg5[%get3A_952, %get3A_953] {strides = array<i32>} : memref<512x128xi32, #tpu.memory_space<vmem>>, vector<16xi32>,
      %add3A_955 = arith.constant 80 : i32
      %add3A_956 = vector.broadcast %add3A_955 : i32 to vector<16xi32>
      %add3A_957 = arith.addi %iota3A, %add3A_956 : vector<16xi32>
      tpu.vector_store_idx %arg7[%add3A_957, %get3A_954], %broadcast_in_dim3A_921 : memref<128x128xi32, #tpu.memory_space<vmem>>[vector<16xi32>, vector<16xi32>], vector<16xi32>,
      %get3A_958 = arith.index_cast %add3A_914 : i32 to index
      %get3A_959 = arith.constant 96 : index
      %get3A_960 = tpu.vector_load %arg5[%get3A_958, %get3A_959] {strides = array<i32>} : memref<512x128xi32, #tpu.memory_space<vmem>>, vector<16xi32>,
      %add3A_961 = arith.constant 96 : i32
      %add3A_962 = vector.broadcast %add3A_961 : i32 to vector<16xi32>
      %add3A_963 = arith.addi %iota3A, %add3A_962 : vector<16xi32>
      tpu.vector_store_idx %arg7[%add3A_963, %get3A_960], %broadcast_in_dim3A_921 : memref<128x128xi32, #tpu.memory_space<vmem>>[vector<16xi32>, vector<16xi32>], vector<16xi32>,
      %get3A_964 = arith.index_cast %add3A_914 : i32 to index
      %get3A_965 = arith.constant 112 : index
      %get3A_966 = tpu.vector_load %arg5[%get3A_964, %get3A_965] {strides = array<i32>} : memref<512x128xi32, #tpu.memory_space<vmem>>, vector<16xi32>,
      %add3A_967 = arith.constant 112 : i32
      %add3A_968 = vector.broadcast %add3A_967 : i32 to vector<16xi32>
      %add3A_969 = arith.addi %iota3A, %add3A_968 : vector<16xi32>
      tpu.vector_store_idx %arg7[%add3A_969, %get3A_966], %broadcast_in_dim3A_921 : memref<128x128xi32, #tpu.memory_space<vmem>>[vector<16xi32>, vector<16xi32>], vector<16xi32>,
      %while3A_970 = arith.constant 0 : i32
      scf.yield %while3A_970 : i32
    }
    "tpu.region"() ({
      %run_scoped3A = tpu.sem_alloc : memref<!tpu.dma_semaphore, #tpu.memory_space<semaphore_mem>>
      %dma_start3A = arith.constant 0 : i32
      %dma_start3A_23 = arith.constant 0 : i32
      %dma_start3A_24 = tpu.memref_slice %arg4[%add3A, %dma_start3A, %dma_start3A_23] : memref<32x128x128xi32, #tpu.memory_space<hbm>> -> memref<1x128x128xi32, #tpu.memory_space<hbm>>
      %dma_start3A_25 = tpu.memref_squeeze %dma_start3A_24 : memref<1x128x128xi32, #tpu.memory_space<hbm>> -> memref<128x128xi32, #tpu.memory_space<hbm>>
      %dma_start3A_26 = arith.constant 0 : i32
      %dma_start3A_27 = arith.constant 0 : i32
      %dma_start3A_28 = tpu.memref_slice %arg4[%add3A, %dma_start3A_26, %dma_start3A_27] : memref<32x128x128xi32, #tpu.memory_space<hbm>> -> memref<1x128x128xi32, #tpu.memory_space<hbm>>
      %dma_start3A_29 = tpu.memref_squeeze %dma_start3A_28 : memref<1x128x128xi32, #tpu.memory_space<hbm>> -> memref<128x128xi32, #tpu.memory_space<hbm>>
      tpu.enqueue_dma source(%arg7 : memref<128x128xi32, #tpu.memory_space<vmem>>) target(%dma_start3A_29 : memref<128x128xi32, #tpu.memory_space<hbm>>) target_semaphore(%run_scoped3A : memref<!tpu.dma_semaphore, #tpu.memory_space<semaphore_mem>>)
      %dma_wait3A = arith.constant 0 : i32
      %dma_wait3A_30 = arith.constant 0 : i32
      %dma_wait3A_31 = tpu.memref_slice %arg4[%add3A, %dma_wait3A, %dma_wait3A_30] : memref<32x128x128xi32, #tpu.memory_space<hbm>> -> memref<1x128x128xi32, #tpu.memory_space<hbm>>
      %dma_wait3A_32 = tpu.memref_squeeze %dma_wait3A_31 : memref<1x128x128xi32, #tpu.memory_space<hbm>> -> memref<128x128xi32, #tpu.memory_space<hbm>>
      %dma_wait3A_33 = arith.constant 0 : i32
      %dma_wait3A_34 = arith.constant 0 : i32
      %dma_wait3A_35 = tpu.memref_slice %arg4[%add3A, %dma_wait3A_33, %dma_wait3A_34] : memref<32x128x128xi32, #tpu.memory_space<hbm>> -> memref<1x128x128xi32, #tpu.memory_space<hbm>>
      %dma_wait3A_36 = tpu.memref_squeeze %dma_wait3A_35 : memref<1x128x128xi32, #tpu.memory_space<hbm>> -> memref<128x128xi32, #tpu.memory_space<hbm>>
      tpu.wait_dma2 semaphore(%run_scoped3A : memref<!tpu.dma_semaphore, #tpu.memory_space<semaphore_mem>>) src(%arg7 : memref<128x128xi32, #tpu.memory_space<vmem>>) dst(%dma_wait3A_36 : memref<128x128xi32, #tpu.memory_space<hbm>>)
      tpu.yield
    }) : () -> ()
    return
  }
}

module attributes {stable_mosaic.version = 14 : i64} {
  func.func @_tc_body(%arg0: memref<32x128x128xi32, #tpu.memory_space<vmem>>, %arg1: memref<128x128xf32, #tpu.memory_space<vmem>>, %arg2: memref<128x1xf32, #tpu.memory_space<vmem>>, %arg3: memref<128x128xf32, #tpu.memory_space<vmem>>, %arg4: memref<128x128xf32, #tpu.memory_space<vmem>>, %arg5: memref<128x128xi32, #tpu.memory_space<vmem>>, %arg6: memref<1x128xf32, #tpu.memory_space<vmem>>, %arg7: memref<128x128xi32, #tpu.memory_space<vmem>>, %arg8: memref<128x128xf32, #tpu.memory_space<vmem>>, %arg9: memref<128x128xf32, #tpu.memory_space<vmem>>) attributes {dimension_semantics = [], scalar_prefetch = 0 : i64, scratch_operands = 3 : i64, tpu.core_type = #tpu.core_type<tc>} {
    %iota3A = tpu.iota {dimensions = array<i32: 0>} : vector<128x128xi32>
    %iota3A_0 = tpu.iota {dimensions = array<i32: 1>} : vector<128x128xi32>
    %convert_element_type3A = arith.sitofp %iota3A : vector<128x128xi32> to vector<128x128xf32>
    %convert_element_type3A_1 = arith.sitofp %iota3A_0 : vector<128x128xi32> to vector<128x128xf32>
    %eq3A = arith.cmpi eq, %iota3A, %iota3A_0 : vector<128x128xi32>
    %jit3A = arith.constant 1.000000e+00 : f32
    %jit3A_2 = arith.constant 0.000000e+00 : f32
    %broadcast_in_dim3A = vector.broadcast %jit3A : f32 to vector<128x128xf32>
    %broadcast_in_dim3A_3 = vector.broadcast %jit3A_2 : f32 to vector<128x128xf32>
    %select_n3A = arith.select %eq3A, %broadcast_in_dim3A, %broadcast_in_dim3A_3 : vector<128x128xi1>, vector<128x128xf32>
    %add3A = arith.constant 1 : i32
    %add3A_4 = vector.broadcast %add3A : i32 to vector<128x128xi32>
    %add3A_5 = arith.addi %iota3A_0, %add3A_4 : vector<128x128xi32>
    %and3A = arith.constant 127 : i32
    %and3A_6 = vector.broadcast %and3A : i32 to vector<128x128xi32>
    %and3A_7 = arith.andi %add3A_5, %and3A_6 : vector<128x128xi32>
    %eq3A_8 = arith.cmpi eq, %iota3A, %and3A_7 : vector<128x128xi32>
    %jit3A_9 = arith.constant 1.000000e+00 : f32
    %jit3A_10 = arith.constant 0.000000e+00 : f32
    %broadcast_in_dim3A_11 = vector.broadcast %jit3A_9 : f32 to vector<128x128xf32>
    %broadcast_in_dim3A_12 = vector.broadcast %jit3A_10 : f32 to vector<128x128xf32>
    %select_n3A_13 = arith.select %eq3A_8, %broadcast_in_dim3A_11, %broadcast_in_dim3A_12 : vector<128x128xi1>, vector<128x128xf32>
    %sub3A = arith.subf %select_n3A, %select_n3A_13 : vector<128x128xf32>
    %slice3A = vector.extract_strided_slice %convert_element_type3A_1 {offsets = [0, 0], sizes = [1, 128], strides = [1, 1]} : vector<128x128xf32> to vector<1x128xf32>
    %broadcast_in_dim3A_14 = arith.constant 1.000000e+00 : f32
    %broadcast_in_dim3A_15 = vector.broadcast %broadcast_in_dim3A_14 : f32 to vector<1x128xf32>
    %lt3A = arith.cmpi slt, %iota3A, %iota3A_0 : vector<128x128xi32>
    %dot_general3A = arith.constant dense<0.000000e+00> : vector<128x1xf32>
    %dot_general3A_16 = tpu.matmul %select_n3A, %slice3A, %dot_general3A {dimension_numbers = #tpu.dot_dimension_numbers<[1], [1], [0], [0], [0, 0, 1, 0], [], []>, precision = #tpu.contract_precision<fp32>, transpose_lhs_hint = false} : vector<128x128xf32>, vector<1x128xf32>, vector<128x1xf32> -> vector<128x1xf32>
    %dot_general3A_17 = arith.constant dense<0.000000e+00> : vector<128x1xf32>
    %dot_general3A_18 = tpu.matmul %select_n3A, %broadcast_in_dim3A_15, %dot_general3A_17 {dimension_numbers = #tpu.dot_dimension_numbers<[1], [1], [0], [0], [0, 0, 1, 0], [], []>, precision = #tpu.contract_precision<fp32>, transpose_lhs_hint = false} : vector<128x128xf32>, vector<1x128xf32>, vector<128x1xf32> -> vector<128x1xf32>
    %get3A = arith.constant 0 : index
    %get3A_19 = arith.constant 0 : index
    %get3A_20 = arith.constant 0 : index
    %get3A_21 = vector.load %arg0[%get3A, %get3A_19, %get3A_20] : memref<32x128x128xi32, #tpu.memory_space<vmem>>, vector<1x128x128xi32>
    %get3A_22 = vector.shape_cast %get3A_21 : vector<1x128x128xi32> to vector<128x128xi32>
    %get3A_23 = arith.constant 1 : index
    %get3A_24 = arith.constant 0 : index
    %get3A_25 = arith.constant 0 : index
    %get3A_26 = vector.load %arg0[%get3A_23, %get3A_24, %get3A_25] : memref<32x128x128xi32, #tpu.memory_space<vmem>>, vector<1x128x128xi32>
    %get3A_27 = vector.shape_cast %get3A_26 : vector<1x128x128xi32> to vector<128x128xi32>
    %max3A = arith.maxsi %get3A_22, %get3A_27 : vector<128x128xi32>
    %get3A_28 = arith.constant 2 : index
    %get3A_29 = arith.constant 0 : index
    %get3A_30 = arith.constant 0 : index
    %get3A_31 = vector.load %arg0[%get3A_28, %get3A_29, %get3A_30] : memref<32x128x128xi32, #tpu.memory_space<vmem>>, vector<1x128x128xi32>
    %get3A_32 = vector.shape_cast %get3A_31 : vector<1x128x128xi32> to vector<128x128xi32>
    %max3A_33 = arith.maxsi %max3A, %get3A_32 : vector<128x128xi32>
    %get3A_34 = arith.constant 3 : index
    %get3A_35 = arith.constant 0 : index
    %get3A_36 = arith.constant 0 : index
    %get3A_37 = vector.load %arg0[%get3A_34, %get3A_35, %get3A_36] : memref<32x128x128xi32, #tpu.memory_space<vmem>>, vector<1x128x128xi32>
    %get3A_38 = vector.shape_cast %get3A_37 : vector<1x128x128xi32> to vector<128x128xi32>
    %max3A_39 = arith.maxsi %max3A_33, %get3A_38 : vector<128x128xi32>
    %get3A_40 = arith.constant 4 : index
    %get3A_41 = arith.constant 0 : index
    %get3A_42 = arith.constant 0 : index
    %get3A_43 = vector.load %arg0[%get3A_40, %get3A_41, %get3A_42] : memref<32x128x128xi32, #tpu.memory_space<vmem>>, vector<1x128x128xi32>
    %get3A_44 = vector.shape_cast %get3A_43 : vector<1x128x128xi32> to vector<128x128xi32>
    %max3A_45 = arith.maxsi %max3A_39, %get3A_44 : vector<128x128xi32>
    %get3A_46 = arith.constant 5 : index
    %get3A_47 = arith.constant 0 : index
    %get3A_48 = arith.constant 0 : index
    %get3A_49 = vector.load %arg0[%get3A_46, %get3A_47, %get3A_48] : memref<32x128x128xi32, #tpu.memory_space<vmem>>, vector<1x128x128xi32>
    %get3A_50 = vector.shape_cast %get3A_49 : vector<1x128x128xi32> to vector<128x128xi32>
    %max3A_51 = arith.maxsi %max3A_45, %get3A_50 : vector<128x128xi32>
    %get3A_52 = arith.constant 6 : index
    %get3A_53 = arith.constant 0 : index
    %get3A_54 = arith.constant 0 : index
    %get3A_55 = vector.load %arg0[%get3A_52, %get3A_53, %get3A_54] : memref<32x128x128xi32, #tpu.memory_space<vmem>>, vector<1x128x128xi32>
    %get3A_56 = vector.shape_cast %get3A_55 : vector<1x128x128xi32> to vector<128x128xi32>
    %max3A_57 = arith.maxsi %max3A_51, %get3A_56 : vector<128x128xi32>
    %get3A_58 = arith.constant 7 : index
    %get3A_59 = arith.constant 0 : index
    %get3A_60 = arith.constant 0 : index
    %get3A_61 = vector.load %arg0[%get3A_58, %get3A_59, %get3A_60] : memref<32x128x128xi32, #tpu.memory_space<vmem>>, vector<1x128x128xi32>
    %get3A_62 = vector.shape_cast %get3A_61 : vector<1x128x128xi32> to vector<128x128xi32>
    %max3A_63 = arith.maxsi %max3A_57, %get3A_62 : vector<128x128xi32>
    %get3A_64 = arith.constant 8 : index
    %get3A_65 = arith.constant 0 : index
    %get3A_66 = arith.constant 0 : index
    %get3A_67 = vector.load %arg0[%get3A_64, %get3A_65, %get3A_66] : memref<32x128x128xi32, #tpu.memory_space<vmem>>, vector<1x128x128xi32>
    %get3A_68 = vector.shape_cast %get3A_67 : vector<1x128x128xi32> to vector<128x128xi32>
    %max3A_69 = arith.maxsi %max3A_63, %get3A_68 : vector<128x128xi32>
    %get3A_70 = arith.constant 9 : index
    %get3A_71 = arith.constant 0 : index
    %get3A_72 = arith.constant 0 : index
    %get3A_73 = vector.load %arg0[%get3A_70, %get3A_71, %get3A_72] : memref<32x128x128xi32, #tpu.memory_space<vmem>>, vector<1x128x128xi32>
    %get3A_74 = vector.shape_cast %get3A_73 : vector<1x128x128xi32> to vector<128x128xi32>
    %max3A_75 = arith.maxsi %max3A_69, %get3A_74 : vector<128x128xi32>
    %get3A_76 = arith.constant 10 : index
    %get3A_77 = arith.constant 0 : index
    %get3A_78 = arith.constant 0 : index
    %get3A_79 = vector.load %arg0[%get3A_76, %get3A_77, %get3A_78] : memref<32x128x128xi32, #tpu.memory_space<vmem>>, vector<1x128x128xi32>
    %get3A_80 = vector.shape_cast %get3A_79 : vector<1x128x128xi32> to vector<128x128xi32>
    %max3A_81 = arith.maxsi %max3A_75, %get3A_80 : vector<128x128xi32>
    %get3A_82 = arith.constant 11 : index
    %get3A_83 = arith.constant 0 : index
    %get3A_84 = arith.constant 0 : index
    %get3A_85 = vector.load %arg0[%get3A_82, %get3A_83, %get3A_84] : memref<32x128x128xi32, #tpu.memory_space<vmem>>, vector<1x128x128xi32>
    %get3A_86 = vector.shape_cast %get3A_85 : vector<1x128x128xi32> to vector<128x128xi32>
    %max3A_87 = arith.maxsi %max3A_81, %get3A_86 : vector<128x128xi32>
    %get3A_88 = arith.constant 12 : index
    %get3A_89 = arith.constant 0 : index
    %get3A_90 = arith.constant 0 : index
    %get3A_91 = vector.load %arg0[%get3A_88, %get3A_89, %get3A_90] : memref<32x128x128xi32, #tpu.memory_space<vmem>>, vector<1x128x128xi32>
    %get3A_92 = vector.shape_cast %get3A_91 : vector<1x128x128xi32> to vector<128x128xi32>
    %max3A_93 = arith.maxsi %max3A_87, %get3A_92 : vector<128x128xi32>
    %get3A_94 = arith.constant 13 : index
    %get3A_95 = arith.constant 0 : index
    %get3A_96 = arith.constant 0 : index
    %get3A_97 = vector.load %arg0[%get3A_94, %get3A_95, %get3A_96] : memref<32x128x128xi32, #tpu.memory_space<vmem>>, vector<1x128x128xi32>
    %get3A_98 = vector.shape_cast %get3A_97 : vector<1x128x128xi32> to vector<128x128xi32>
    %max3A_99 = arith.maxsi %max3A_93, %get3A_98 : vector<128x128xi32>
    %get3A_100 = arith.constant 14 : index
    %get3A_101 = arith.constant 0 : index
    %get3A_102 = arith.constant 0 : index
    %get3A_103 = vector.load %arg0[%get3A_100, %get3A_101, %get3A_102] : memref<32x128x128xi32, #tpu.memory_space<vmem>>, vector<1x128x128xi32>
    %get3A_104 = vector.shape_cast %get3A_103 : vector<1x128x128xi32> to vector<128x128xi32>
    %max3A_105 = arith.maxsi %max3A_99, %get3A_104 : vector<128x128xi32>
    %get3A_106 = arith.constant 15 : index
    %get3A_107 = arith.constant 0 : index
    %get3A_108 = arith.constant 0 : index
    %get3A_109 = vector.load %arg0[%get3A_106, %get3A_107, %get3A_108] : memref<32x128x128xi32, #tpu.memory_space<vmem>>, vector<1x128x128xi32>
    %get3A_110 = vector.shape_cast %get3A_109 : vector<1x128x128xi32> to vector<128x128xi32>
    %max3A_111 = arith.maxsi %max3A_105, %get3A_110 : vector<128x128xi32>
    %get3A_112 = arith.constant 16 : index
    %get3A_113 = arith.constant 0 : index
    %get3A_114 = arith.constant 0 : index
    %get3A_115 = vector.load %arg0[%get3A_112, %get3A_113, %get3A_114] : memref<32x128x128xi32, #tpu.memory_space<vmem>>, vector<1x128x128xi32>
    %get3A_116 = vector.shape_cast %get3A_115 : vector<1x128x128xi32> to vector<128x128xi32>
    %max3A_117 = arith.maxsi %max3A_111, %get3A_116 : vector<128x128xi32>
    %get3A_118 = arith.constant 17 : index
    %get3A_119 = arith.constant 0 : index
    %get3A_120 = arith.constant 0 : index
    %get3A_121 = vector.load %arg0[%get3A_118, %get3A_119, %get3A_120] : memref<32x128x128xi32, #tpu.memory_space<vmem>>, vector<1x128x128xi32>
    %get3A_122 = vector.shape_cast %get3A_121 : vector<1x128x128xi32> to vector<128x128xi32>
    %max3A_123 = arith.maxsi %max3A_117, %get3A_122 : vector<128x128xi32>
    %get3A_124 = arith.constant 18 : index
    %get3A_125 = arith.constant 0 : index
    %get3A_126 = arith.constant 0 : index
    %get3A_127 = vector.load %arg0[%get3A_124, %get3A_125, %get3A_126] : memref<32x128x128xi32, #tpu.memory_space<vmem>>, vector<1x128x128xi32>
    %get3A_128 = vector.shape_cast %get3A_127 : vector<1x128x128xi32> to vector<128x128xi32>
    %max3A_129 = arith.maxsi %max3A_123, %get3A_128 : vector<128x128xi32>
    %get3A_130 = arith.constant 19 : index
    %get3A_131 = arith.constant 0 : index
    %get3A_132 = arith.constant 0 : index
    %get3A_133 = vector.load %arg0[%get3A_130, %get3A_131, %get3A_132] : memref<32x128x128xi32, #tpu.memory_space<vmem>>, vector<1x128x128xi32>
    %get3A_134 = vector.shape_cast %get3A_133 : vector<1x128x128xi32> to vector<128x128xi32>
    %max3A_135 = arith.maxsi %max3A_129, %get3A_134 : vector<128x128xi32>
    %get3A_136 = arith.constant 20 : index
    %get3A_137 = arith.constant 0 : index
    %get3A_138 = arith.constant 0 : index
    %get3A_139 = vector.load %arg0[%get3A_136, %get3A_137, %get3A_138] : memref<32x128x128xi32, #tpu.memory_space<vmem>>, vector<1x128x128xi32>
    %get3A_140 = vector.shape_cast %get3A_139 : vector<1x128x128xi32> to vector<128x128xi32>
    %max3A_141 = arith.maxsi %max3A_135, %get3A_140 : vector<128x128xi32>
    %get3A_142 = arith.constant 21 : index
    %get3A_143 = arith.constant 0 : index
    %get3A_144 = arith.constant 0 : index
    %get3A_145 = vector.load %arg0[%get3A_142, %get3A_143, %get3A_144] : memref<32x128x128xi32, #tpu.memory_space<vmem>>, vector<1x128x128xi32>
    %get3A_146 = vector.shape_cast %get3A_145 : vector<1x128x128xi32> to vector<128x128xi32>
    %max3A_147 = arith.maxsi %max3A_141, %get3A_146 : vector<128x128xi32>
    %get3A_148 = arith.constant 22 : index
    %get3A_149 = arith.constant 0 : index
    %get3A_150 = arith.constant 0 : index
    %get3A_151 = vector.load %arg0[%get3A_148, %get3A_149, %get3A_150] : memref<32x128x128xi32, #tpu.memory_space<vmem>>, vector<1x128x128xi32>
    %get3A_152 = vector.shape_cast %get3A_151 : vector<1x128x128xi32> to vector<128x128xi32>
    %max3A_153 = arith.maxsi %max3A_147, %get3A_152 : vector<128x128xi32>
    %get3A_154 = arith.constant 23 : index
    %get3A_155 = arith.constant 0 : index
    %get3A_156 = arith.constant 0 : index
    %get3A_157 = vector.load %arg0[%get3A_154, %get3A_155, %get3A_156] : memref<32x128x128xi32, #tpu.memory_space<vmem>>, vector<1x128x128xi32>
    %get3A_158 = vector.shape_cast %get3A_157 : vector<1x128x128xi32> to vector<128x128xi32>
    %max3A_159 = arith.maxsi %max3A_153, %get3A_158 : vector<128x128xi32>
    %get3A_160 = arith.constant 24 : index
    %get3A_161 = arith.constant 0 : index
    %get3A_162 = arith.constant 0 : index
    %get3A_163 = vector.load %arg0[%get3A_160, %get3A_161, %get3A_162] : memref<32x128x128xi32, #tpu.memory_space<vmem>>, vector<1x128x128xi32>
    %get3A_164 = vector.shape_cast %get3A_163 : vector<1x128x128xi32> to vector<128x128xi32>
    %max3A_165 = arith.maxsi %max3A_159, %get3A_164 : vector<128x128xi32>
    %get3A_166 = arith.constant 25 : index
    %get3A_167 = arith.constant 0 : index
    %get3A_168 = arith.constant 0 : index
    %get3A_169 = vector.load %arg0[%get3A_166, %get3A_167, %get3A_168] : memref<32x128x128xi32, #tpu.memory_space<vmem>>, vector<1x128x128xi32>
    %get3A_170 = vector.shape_cast %get3A_169 : vector<1x128x128xi32> to vector<128x128xi32>
    %max3A_171 = arith.maxsi %max3A_165, %get3A_170 : vector<128x128xi32>
    %get3A_172 = arith.constant 26 : index
    %get3A_173 = arith.constant 0 : index
    %get3A_174 = arith.constant 0 : index
    %get3A_175 = vector.load %arg0[%get3A_172, %get3A_173, %get3A_174] : memref<32x128x128xi32, #tpu.memory_space<vmem>>, vector<1x128x128xi32>
    %get3A_176 = vector.shape_cast %get3A_175 : vector<1x128x128xi32> to vector<128x128xi32>
    %max3A_177 = arith.maxsi %max3A_171, %get3A_176 : vector<128x128xi32>
    %get3A_178 = arith.constant 27 : index
    %get3A_179 = arith.constant 0 : index
    %get3A_180 = arith.constant 0 : index
    %get3A_181 = vector.load %arg0[%get3A_178, %get3A_179, %get3A_180] : memref<32x128x128xi32, #tpu.memory_space<vmem>>, vector<1x128x128xi32>
    %get3A_182 = vector.shape_cast %get3A_181 : vector<1x128x128xi32> to vector<128x128xi32>
    %max3A_183 = arith.maxsi %max3A_177, %get3A_182 : vector<128x128xi32>
    %get3A_184 = arith.constant 28 : index
    %get3A_185 = arith.constant 0 : index
    %get3A_186 = arith.constant 0 : index
    %get3A_187 = vector.load %arg0[%get3A_184, %get3A_185, %get3A_186] : memref<32x128x128xi32, #tpu.memory_space<vmem>>, vector<1x128x128xi32>
    %get3A_188 = vector.shape_cast %get3A_187 : vector<1x128x128xi32> to vector<128x128xi32>
    %max3A_189 = arith.maxsi %max3A_183, %get3A_188 : vector<128x128xi32>
    %get3A_190 = arith.constant 29 : index
    %get3A_191 = arith.constant 0 : index
    %get3A_192 = arith.constant 0 : index
    %get3A_193 = vector.load %arg0[%get3A_190, %get3A_191, %get3A_192] : memref<32x128x128xi32, #tpu.memory_space<vmem>>, vector<1x128x128xi32>
    %get3A_194 = vector.shape_cast %get3A_193 : vector<1x128x128xi32> to vector<128x128xi32>
    %max3A_195 = arith.maxsi %max3A_189, %get3A_194 : vector<128x128xi32>
    %get3A_196 = arith.constant 30 : index
    %get3A_197 = arith.constant 0 : index
    %get3A_198 = arith.constant 0 : index
    %get3A_199 = vector.load %arg0[%get3A_196, %get3A_197, %get3A_198] : memref<32x128x128xi32, #tpu.memory_space<vmem>>, vector<1x128x128xi32>
    %get3A_200 = vector.shape_cast %get3A_199 : vector<1x128x128xi32> to vector<128x128xi32>
    %max3A_201 = arith.maxsi %max3A_195, %get3A_200 : vector<128x128xi32>
    %get3A_202 = arith.constant 31 : index
    %get3A_203 = arith.constant 0 : index
    %get3A_204 = arith.constant 0 : index
    %get3A_205 = vector.load %arg0[%get3A_202, %get3A_203, %get3A_204] : memref<32x128x128xi32, #tpu.memory_space<vmem>>, vector<1x128x128xi32>
    %get3A_206 = vector.shape_cast %get3A_205 : vector<1x128x128xi32> to vector<128x128xi32>
    %max3A_207 = arith.maxsi %max3A_201, %get3A_206 : vector<128x128xi32>
    %swap3A = arith.constant 0 : index
    %swap3A_208 = arith.constant 0 : index
    %swap3A_209 = vector.load %arg7[%swap3A, %swap3A_208] : memref<128x128xi32, #tpu.memory_space<vmem>>, vector<128x128xi32>
    tpu.vector_store %arg7[%swap3A, %swap3A_208], %max3A_207 {strides = array<i32>} : memref<128x128xi32, #tpu.memory_space<vmem>>, vector<128x128xi32>,
    %swap3A_210 = arith.constant 0 : index
    %swap3A_211 = arith.constant 0 : index
    %swap3A_212 = vector.load %arg8[%swap3A_210, %swap3A_211] : memref<128x128xf32, #tpu.memory_space<vmem>>, vector<128x128xf32>
    tpu.vector_store %arg8[%swap3A_210, %swap3A_211], %convert_element_type3A_1 {strides = array<i32>} : memref<128x128xf32, #tpu.memory_space<vmem>>, vector<128x128xf32>,
    %scan3A = arith.constant 0 : i32
    %scan3A_213 = arith.constant 128 : i32
    %scan3A_214 = arith.addi %scan3A, %scan3A_213 : i32
    %scan3A_215 = arith.constant 1 : i32
    scf.for %scan3A_232 = %scan3A to %scan3A_214 step %scan3A_215  : i32 {
      %get3A_233 = arith.index_cast %scan3A_232 : i32 to index
      %get3A_234 = arith.constant 0 : index
      %get3A_235 = vector.load %arg1[%get3A_233, %get3A_234] : memref<128x128xf32, #tpu.memory_space<vmem>>, vector<1x128xf32>
      %dot_general3A_236 = arith.constant dense<0.000000e+00> : vector<128x1xf32>
      %dot_general3A_237 = tpu.matmul %select_n3A, %get3A_235, %dot_general3A_236 {dimension_numbers = #tpu.dot_dimension_numbers<[1], [1], [0], [0], [0, 0, 1, 0], [], []>, transpose_lhs_hint = false} : vector<128x128xf32>, vector<1x128xf32>, vector<128x1xf32> -> vector<128x1xf32>
      %get3A_238 = arith.constant 0 : index
      %get3A_239 = arith.constant 0 : index
      %get3A_240 = vector.load %arg8[%get3A_238, %get3A_239] : memref<128x128xf32, #tpu.memory_space<vmem>>, vector<128x128xf32>
      %eq3A_241 = vector.broadcast %dot_general3A_237 : vector<128x1xf32> to vector<128x128xf32>
      %eq3A_242 = arith.cmpf oeq, %get3A_240, %eq3A_241 : vector<128x128xf32>
      %jit3A_243 = arith.constant 1.000000e+00 : f32
      %jit3A_244 = arith.constant 0.000000e+00 : f32
      %broadcast_in_dim3A_245 = vector.broadcast %jit3A_243 : f32 to vector<128x128xf32>
      %broadcast_in_dim3A_246 = vector.broadcast %jit3A_244 : f32 to vector<128x128xf32>
      %select_n3A_247 = arith.select %eq3A_242, %broadcast_in_dim3A_245, %broadcast_in_dim3A_246 : vector<128x128xi1>, vector<128x128xf32>
      %dot_general3A_248 = arith.constant dense<0.000000e+00> : vector<128x1xf32>
      %dot_general3A_249 = tpu.matmul %select_n3A_247, %dot_general3A_16, %dot_general3A_248 {dimension_numbers = #tpu.dot_dimension_numbers<[1], [0], [0], [1], [0, 0, 1, 1], [], []>, transpose_lhs_hint = false} : vector<128x128xf32>, vector<128x1xf32>, vector<128x1xf32> -> vector<128x1xf32>
      %eq3A_250 = vector.broadcast %dot_general3A_249 : vector<128x1xf32> to vector<128x128xf32>
      %eq3A_251 = arith.cmpf oeq, %eq3A_250, %convert_element_type3A_1 : vector<128x128xf32>
      %get3A_252 = arith.constant 0 : index
      %get3A_253 = arith.constant 0 : index
      %get3A_254 = vector.load %arg2[%get3A_252, %get3A_253] : memref<128x1xf32, #tpu.memory_space<vmem>>, vector<128x1xf32>
      %jit3A_255 = arith.constant -1.000000e+00 : f32
      %broadcast_in_dim3A_256 = vector.shape_cast %get3A_254 : vector<128x1xf32> to vector<128x1xf32>
      %broadcast_in_dim3A_257 = vector.broadcast %broadcast_in_dim3A_256 : vector<128x1xf32> to vector<128x128xf32>
      %broadcast_in_dim3A_258 = vector.broadcast %jit3A_255 : f32 to vector<128x128xf32>
      %select_n3A_259 = arith.select %eq3A_251, %broadcast_in_dim3A_257, %broadcast_in_dim3A_258 : vector<128x128xi1>, vector<128x128xf32>
      %reduce_max3A = arith.constant dense<0xFF800000> : vector<128xf32>
      %reduce_max3A_260 = vector.multi_reduction <maximumf>, %select_n3A_259, %reduce_max3A [0] : vector<128x128xf32> to vector<128xf32>
      %broadcast_in_dim3A_261 = vector.shape_cast %reduce_max3A_260 : vector<128xf32> to vector<1x128xf32>
      %eq3A_262 = arith.constant 0 : i32
      %eq3A_263 = arith.cmpi eq, %scan3A_232, %eq3A_262 : i32
      %sub3A_264 = arith.constant 128 : i32
      %sub3A_265 = arith.subi %sub3A_264, %scan3A_232 : i32
      %jit3A_266 = arith.constant 0 : i32
      %select_n3A_267 = arith.select %eq3A_263, %jit3A_266, %sub3A_265 : i32
      %get3A_268 = arith.index_cast %select_n3A_267 : i32 to index
      %get3A_269 = arith.constant 0 : index
      %get3A_270 = vector.load %arg7[%get3A_268, %get3A_269] : memref<128x128xi32, #tpu.memory_space<vmem>>, vector<1x128xi32>
      %convert_element_type3A_271 = arith.sitofp %get3A_270 : vector<1x128xi32> to vector<1x128xf32>
      %max3A_272 = arith.maximumf %broadcast_in_dim3A_261, %convert_element_type3A_271 : vector<1x128xf32>
      %mul3A = arith.constant 7.812500e-03 : f32
      %mul3A_273 = vector.broadcast %mul3A : f32 to vector<1x128xf32>
      %mul3A_274 = arith.mulf %max3A_272, %mul3A_273 : vector<1x128xf32>
      %floor3A = math.floor %mul3A_274 : vector<1x128xf32>
      %mul3A_275 = arith.constant 1.280000e+02 : f32
      %mul3A_276 = vector.broadcast %mul3A_275 : f32 to vector<1x128xf32>
      %mul3A_277 = arith.mulf %floor3A, %mul3A_276 : vector<1x128xf32>
      %sub3A_278 = arith.subf %max3A_272, %mul3A_277 : vector<1x128xf32>
      %ge3A = arith.constant 0.000000e+00 : f32
      %ge3A_279 = vector.broadcast %ge3A : f32 to vector<1x128xf32>
      %ge3A_280 = arith.cmpf oge, %max3A_272, %ge3A_279 : vector<1x128xf32>
      %jit3A_281 = arith.constant 0.000000e+00 : f32
      %broadcast_in_dim3A_282 = vector.broadcast %jit3A_281 : f32 to vector<1x128xf32>
      %select_n3A_283 = arith.select %ge3A_280, %sub3A_278, %broadcast_in_dim3A_282 : vector<1x128xi1>, vector<1x128xf32>
      %convert_element_type3A_284 = arith.fptosi %select_n3A_283 : vector<1x128xf32> to vector<1x128xi32>
      %swap3A_285 = arith.index_cast %scan3A_232 : i32 to index
      %swap3A_286 = arith.constant 0 : index
      %swap3A_287 = vector.load %arg5[%swap3A_285, %swap3A_286] : memref<128x128xi32, #tpu.memory_space<vmem>>, vector<1x128xi32>
      tpu.vector_store %arg5[%swap3A_285, %swap3A_286], %convert_element_type3A_284 {strides = array<i32>} : memref<128x128xi32, #tpu.memory_space<vmem>>, vector<1x128xi32>,
      %dot_general3A_288 = arith.constant dense<0.000000e+00> : vector<128x1xf32>
      %dot_general3A_289 = tpu.matmul %select_n3A, %select_n3A_283, %dot_general3A_288 {dimension_numbers = #tpu.dot_dimension_numbers<[1], [1], [0], [0], [0, 0, 1, 0], [], []>, transpose_lhs_hint = false} : vector<128x128xf32>, vector<1x128xf32>, vector<128x1xf32> -> vector<128x1xf32>
      %lt3A_290 = vector.broadcast %dot_general3A_289 : vector<128x1xf32> to vector<128x128xf32>
      %lt3A_291 = vector.broadcast %select_n3A_283 : vector<1x128xf32> to vector<128x128xf32>
      %lt3A_292 = arith.cmpf olt, %lt3A_290, %lt3A_291 : vector<128x128xf32>
      %eq3A_293 = vector.broadcast %dot_general3A_289 : vector<128x1xf32> to vector<128x128xf32>
      %eq3A_294 = vector.broadcast %select_n3A_283 : vector<1x128xf32> to vector<128x128xf32>
      %eq3A_295 = arith.cmpf oeq, %eq3A_293, %eq3A_294 : vector<128x128xf32>
      %and3A_296 = arith.andi %eq3A_295, %lt3A : vector<128x128xi1>
      %or3A = arith.ori %lt3A_292, %and3A_296 : vector<128x128xi1>
      %jit3A_297 = arith.constant 1.000000e+00 : f32
      %jit3A_298 = arith.constant 0.000000e+00 : f32
      %broadcast_in_dim3A_299 = vector.broadcast %jit3A_297 : f32 to vector<128x128xf32>
      %broadcast_in_dim3A_300 = vector.broadcast %jit3A_298 : f32 to vector<128x128xf32>
      %select_n3A_301 = arith.select %or3A, %broadcast_in_dim3A_299, %broadcast_in_dim3A_300 : vector<128x128xi1>, vector<128x128xf32>
      %dot_general3A_302 = arith.constant dense<0.000000e+00> : vector<1x128xf32>
      %dot_general3A_303 = tpu.matmul %broadcast_in_dim3A_15, %select_n3A_301, %dot_general3A_302 {dimension_numbers = #tpu.dot_dimension_numbers<[1], [0], [0], [1], [0, 0, 1, 1], [], []>, transpose_lhs_hint = false} : vector<1x128xf32>, vector<128x128xf32>, vector<1x128xf32> -> vector<1x128xf32>
      %swap3A_304 = arith.index_cast %scan3A_232 : i32 to index
      %swap3A_305 = arith.constant 0 : index
      %swap3A_306 = vector.load %arg8[%swap3A_304, %swap3A_305] : memref<128x128xf32, #tpu.memory_space<vmem>>, vector<1x128xf32>
      tpu.vector_store %arg8[%swap3A_304, %swap3A_305], %dot_general3A_303 {strides = array<i32>} : memref<128x128xf32, #tpu.memory_space<vmem>>, vector<1x128xf32>,
    }
    %scan3A_216 = arith.constant 128 : i32
    %scan3A_217 = arith.constant 0 : i32
    %scan3A_218 = arith.constant 16 : i32
    %scan3A_219 = arith.addi %scan3A_217, %scan3A_218 : i32
    %scan3A_220 = arith.constant 1 : i32
    scf.for %scan3A_232 = %scan3A_217 to %scan3A_219 step %scan3A_220  : i32 {
      %mul3A = arith.constant 8 : i32
      %mul3A_233 = arith.muli %scan3A_232, %mul3A : i32
      %add3A_234 = arith.constant 0 : i32
      %add3A_235 = arith.addi %mul3A_233, %add3A_234 : i32
      %get3A_236 = arith.index_cast %add3A_235 : i32 to index
      %get3A_237 = arith.constant 0 : index
      %get3A_238 = vector.load %arg5[%get3A_236, %get3A_237] : memref<128x128xi32, #tpu.memory_space<vmem>>, vector<1x128xi32>
      %convert_element_type3A_239 = arith.sitofp %get3A_238 : vector<1x128xi32> to vector<1x128xf32>
      %eq3A_240 = vector.broadcast %convert_element_type3A_239 : vector<1x128xf32> to vector<128x128xf32>
      %eq3A_241 = arith.cmpf oeq, %convert_element_type3A, %eq3A_240 : vector<128x128xf32>
      %jit3A_242 = arith.constant 1.000000e+00 : f32
      %jit3A_243 = arith.constant 0.000000e+00 : f32
      %broadcast_in_dim3A_244 = vector.broadcast %jit3A_242 : f32 to vector<128x128xf32>
      %broadcast_in_dim3A_245 = vector.broadcast %jit3A_243 : f32 to vector<128x128xf32>
      %select_n3A_246 = arith.select %eq3A_241, %broadcast_in_dim3A_244, %broadcast_in_dim3A_245 : vector<128x128xi1>, vector<128x128xf32>
      %get3A_247 = arith.index_cast %add3A_235 : i32 to index
      %get3A_248 = arith.constant 0 : index
      %get3A_249 = vector.load %arg3[%get3A_247, %get3A_248] : memref<128x128xf32, #tpu.memory_space<vmem>>, vector<1x128xf32>
      %dot_general3A_250 = arith.constant dense<0.000000e+00> : vector<1x128xf32>
      %dot_general3A_251 = tpu.matmul %get3A_249, %select_n3A_246, %dot_general3A_250 {dimension_numbers = #tpu.dot_dimension_numbers<[1], [0], [0], [1], [0, 0, 1, 1], [], []>, transpose_lhs_hint = false} : vector<1x128xf32>, vector<128x128xf32>, vector<1x128xf32> -> vector<1x128xf32>
      %get3A_252 = arith.index_cast %add3A_235 : i32 to index
      %get3A_253 = arith.constant 0 : index
      %get3A_254 = vector.load %arg4[%get3A_252, %get3A_253] : memref<128x128xf32, #tpu.memory_space<vmem>>, vector<1x128xf32>
      %dot_general3A_255 = arith.constant dense<0.000000e+00> : vector<1x128xf32>
      %dot_general3A_256 = tpu.matmul %get3A_254, %select_n3A_246, %dot_general3A_255 {dimension_numbers = #tpu.dot_dimension_numbers<[1], [0], [0], [1], [0, 0, 1, 1], [], []>, transpose_lhs_hint = false} : vector<1x128xf32>, vector<128x128xf32>, vector<1x128xf32> -> vector<1x128xf32>
      %dot_general3A_257 = arith.constant dense<0.000000e+00> : vector<1x128xf32>
      %dot_general3A_258 = tpu.matmul %dot_general3A_251, %sub3A, %dot_general3A_257 {dimension_numbers = #tpu.dot_dimension_numbers<[1], [0], [0], [1], [0, 0, 1, 1], [], []>, transpose_lhs_hint = false} : vector<1x128xf32>, vector<128x128xf32>, vector<1x128xf32> -> vector<1x128xf32>
      %dot_general3A_259 = arith.constant dense<0.000000e+00> : vector<1x128xf32>
      %dot_general3A_260 = tpu.matmul %dot_general3A_256, %sub3A, %dot_general3A_259 {dimension_numbers = #tpu.dot_dimension_numbers<[1], [0], [0], [1], [0, 0, 1, 1], [], []>, transpose_lhs_hint = false} : vector<1x128xf32>, vector<128x128xf32>, vector<1x128xf32> -> vector<1x128xf32>
      %mul3A_261 = arith.mulf %dot_general3A_258, %dot_general3A_258 : vector<1x128xf32>
      %mul3A_262 = arith.mulf %dot_general3A_260, %dot_general3A_260 : vector<1x128xf32>
      %add3A_263 = arith.addf %mul3A_261, %mul3A_262 : vector<1x128xf32>
      %sqrt3A = math.sqrt %add3A_263 : vector<1x128xf32>
      %swap3A_264 = arith.index_cast %add3A_235 : i32 to index
      %swap3A_265 = arith.constant 0 : index
      %swap3A_266 = vector.load %arg9[%swap3A_264, %swap3A_265] : memref<128x128xf32, #tpu.memory_space<vmem>>, vector<1x128xf32>
      tpu.vector_store %arg9[%swap3A_264, %swap3A_265], %sqrt3A {strides = array<i32>} : memref<128x128xf32, #tpu.memory_space<vmem>>, vector<1x128xf32>,
      %mul3A_267 = arith.constant 8 : i32
      %mul3A_268 = arith.muli %scan3A_232, %mul3A_267 : i32
      %add3A_269 = arith.constant 1 : i32
      %add3A_270 = arith.addi %mul3A_268, %add3A_269 : i32
      %get3A_271 = arith.index_cast %add3A_270 : i32 to index
      %get3A_272 = arith.constant 0 : index
      %get3A_273 = vector.load %arg5[%get3A_271, %get3A_272] : memref<128x128xi32, #tpu.memory_space<vmem>>, vector<1x128xi32>
      %convert_element_type3A_274 = arith.sitofp %get3A_273 : vector<1x128xi32> to vector<1x128xf32>
      %eq3A_275 = vector.broadcast %convert_element_type3A_274 : vector<1x128xf32> to vector<128x128xf32>
      %eq3A_276 = arith.cmpf oeq, %convert_element_type3A, %eq3A_275 : vector<128x128xf32>
      %jit3A_277 = arith.constant 1.000000e+00 : f32
      %jit3A_278 = arith.constant 0.000000e+00 : f32
      %broadcast_in_dim3A_279 = vector.broadcast %jit3A_277 : f32 to vector<128x128xf32>
      %broadcast_in_dim3A_280 = vector.broadcast %jit3A_278 : f32 to vector<128x128xf32>
      %select_n3A_281 = arith.select %eq3A_276, %broadcast_in_dim3A_279, %broadcast_in_dim3A_280 : vector<128x128xi1>, vector<128x128xf32>
      %get3A_282 = arith.index_cast %add3A_270 : i32 to index
      %get3A_283 = arith.constant 0 : index
      %get3A_284 = vector.load %arg3[%get3A_282, %get3A_283] : memref<128x128xf32, #tpu.memory_space<vmem>>, vector<1x128xf32>
      %dot_general3A_285 = arith.constant dense<0.000000e+00> : vector<1x128xf32>
      %dot_general3A_286 = tpu.matmul %get3A_284, %select_n3A_281, %dot_general3A_285 {dimension_numbers = #tpu.dot_dimension_numbers<[1], [0], [0], [1], [0, 0, 1, 1], [], []>, transpose_lhs_hint = false} : vector<1x128xf32>, vector<128x128xf32>, vector<1x128xf32> -> vector<1x128xf32>
      %get3A_287 = arith.index_cast %add3A_270 : i32 to index
      %get3A_288 = arith.constant 0 : index
      %get3A_289 = vector.load %arg4[%get3A_287, %get3A_288] : memref<128x128xf32, #tpu.memory_space<vmem>>, vector<1x128xf32>
      %dot_general3A_290 = arith.constant dense<0.000000e+00> : vector<1x128xf32>
      %dot_general3A_291 = tpu.matmul %get3A_289, %select_n3A_281, %dot_general3A_290 {dimension_numbers = #tpu.dot_dimension_numbers<[1], [0], [0], [1], [0, 0, 1, 1], [], []>, transpose_lhs_hint = false} : vector<1x128xf32>, vector<128x128xf32>, vector<1x128xf32> -> vector<1x128xf32>
      %dot_general3A_292 = arith.constant dense<0.000000e+00> : vector<1x128xf32>
      %dot_general3A_293 = tpu.matmul %dot_general3A_286, %sub3A, %dot_general3A_292 {dimension_numbers = #tpu.dot_dimension_numbers<[1], [0], [0], [1], [0, 0, 1, 1], [], []>, transpose_lhs_hint = false} : vector<1x128xf32>, vector<128x128xf32>, vector<1x128xf32> -> vector<1x128xf32>
      %dot_general3A_294 = arith.constant dense<0.000000e+00> : vector<1x128xf32>
      %dot_general3A_295 = tpu.matmul %dot_general3A_291, %sub3A, %dot_general3A_294 {dimension_numbers = #tpu.dot_dimension_numbers<[1], [0], [0], [1], [0, 0, 1, 1], [], []>, transpose_lhs_hint = false} : vector<1x128xf32>, vector<128x128xf32>, vector<1x128xf32> -> vector<1x128xf32>
      %mul3A_296 = arith.mulf %dot_general3A_293, %dot_general3A_293 : vector<1x128xf32>
      %mul3A_297 = arith.mulf %dot_general3A_295, %dot_general3A_295 : vector<1x128xf32>
      %add3A_298 = arith.addf %mul3A_296, %mul3A_297 : vector<1x128xf32>
      %sqrt3A_299 = math.sqrt %add3A_298 : vector<1x128xf32>
      %swap3A_300 = arith.index_cast %add3A_270 : i32 to index
      %swap3A_301 = arith.constant 0 : index
      %swap3A_302 = vector.load %arg9[%swap3A_300, %swap3A_301] : memref<128x128xf32, #tpu.memory_space<vmem>>, vector<1x128xf32>
      tpu.vector_store %arg9[%swap3A_300, %swap3A_301], %sqrt3A_299 {strides = array<i32>} : memref<128x128xf32, #tpu.memory_space<vmem>>, vector<1x128xf32>,
      %mul3A_303 = arith.constant 8 : i32
      %mul3A_304 = arith.muli %scan3A_232, %mul3A_303 : i32
      %add3A_305 = arith.constant 2 : i32
      %add3A_306 = arith.addi %mul3A_304, %add3A_305 : i32
      %get3A_307 = arith.index_cast %add3A_306 : i32 to index
      %get3A_308 = arith.constant 0 : index
      %get3A_309 = vector.load %arg5[%get3A_307, %get3A_308] : memref<128x128xi32, #tpu.memory_space<vmem>>, vector<1x128xi32>
      %convert_element_type3A_310 = arith.sitofp %get3A_309 : vector<1x128xi32> to vector<1x128xf32>
      %eq3A_311 = vector.broadcast %convert_element_type3A_310 : vector<1x128xf32> to vector<128x128xf32>
      %eq3A_312 = arith.cmpf oeq, %convert_element_type3A, %eq3A_311 : vector<128x128xf32>
      %jit3A_313 = arith.constant 1.000000e+00 : f32
      %jit3A_314 = arith.constant 0.000000e+00 : f32
      %broadcast_in_dim3A_315 = vector.broadcast %jit3A_313 : f32 to vector<128x128xf32>
      %broadcast_in_dim3A_316 = vector.broadcast %jit3A_314 : f32 to vector<128x128xf32>
      %select_n3A_317 = arith.select %eq3A_312, %broadcast_in_dim3A_315, %broadcast_in_dim3A_316 : vector<128x128xi1>, vector<128x128xf32>
      %get3A_318 = arith.index_cast %add3A_306 : i32 to index
      %get3A_319 = arith.constant 0 : index
      %get3A_320 = vector.load %arg3[%get3A_318, %get3A_319] : memref<128x128xf32, #tpu.memory_space<vmem>>, vector<1x128xf32>
      %dot_general3A_321 = arith.constant dense<0.000000e+00> : vector<1x128xf32>
      %dot_general3A_322 = tpu.matmul %get3A_320, %select_n3A_317, %dot_general3A_321 {dimension_numbers = #tpu.dot_dimension_numbers<[1], [0], [0], [1], [0, 0, 1, 1], [], []>, transpose_lhs_hint = false} : vector<1x128xf32>, vector<128x128xf32>, vector<1x128xf32> -> vector<1x128xf32>
      %get3A_323 = arith.index_cast %add3A_306 : i32 to index
      %get3A_324 = arith.constant 0 : index
      %get3A_325 = vector.load %arg4[%get3A_323, %get3A_324] : memref<128x128xf32, #tpu.memory_space<vmem>>, vector<1x128xf32>
      %dot_general3A_326 = arith.constant dense<0.000000e+00> : vector<1x128xf32>
      %dot_general3A_327 = tpu.matmul %get3A_325, %select_n3A_317, %dot_general3A_326 {dimension_numbers = #tpu.dot_dimension_numbers<[1], [0], [0], [1], [0, 0, 1, 1], [], []>, transpose_lhs_hint = false} : vector<1x128xf32>, vector<128x128xf32>, vector<1x128xf32> -> vector<1x128xf32>
      %dot_general3A_328 = arith.constant dense<0.000000e+00> : vector<1x128xf32>
      %dot_general3A_329 = tpu.matmul %dot_general3A_322, %sub3A, %dot_general3A_328 {dimension_numbers = #tpu.dot_dimension_numbers<[1], [0], [0], [1], [0, 0, 1, 1], [], []>, transpose_lhs_hint = false} : vector<1x128xf32>, vector<128x128xf32>, vector<1x128xf32> -> vector<1x128xf32>
      %dot_general3A_330 = arith.constant dense<0.000000e+00> : vector<1x128xf32>
      %dot_general3A_331 = tpu.matmul %dot_general3A_327, %sub3A, %dot_general3A_330 {dimension_numbers = #tpu.dot_dimension_numbers<[1], [0], [0], [1], [0, 0, 1, 1], [], []>, transpose_lhs_hint = false} : vector<1x128xf32>, vector<128x128xf32>, vector<1x128xf32> -> vector<1x128xf32>
      %mul3A_332 = arith.mulf %dot_general3A_329, %dot_general3A_329 : vector<1x128xf32>
      %mul3A_333 = arith.mulf %dot_general3A_331, %dot_general3A_331 : vector<1x128xf32>
      %add3A_334 = arith.addf %mul3A_332, %mul3A_333 : vector<1x128xf32>
      %sqrt3A_335 = math.sqrt %add3A_334 : vector<1x128xf32>
      %swap3A_336 = arith.index_cast %add3A_306 : i32 to index
      %swap3A_337 = arith.constant 0 : index
      %swap3A_338 = vector.load %arg9[%swap3A_336, %swap3A_337] : memref<128x128xf32, #tpu.memory_space<vmem>>, vector<1x128xf32>
      tpu.vector_store %arg9[%swap3A_336, %swap3A_337], %sqrt3A_335 {strides = array<i32>} : memref<128x128xf32, #tpu.memory_space<vmem>>, vector<1x128xf32>,
      %mul3A_339 = arith.constant 8 : i32
      %mul3A_340 = arith.muli %scan3A_232, %mul3A_339 : i32
      %add3A_341 = arith.constant 3 : i32
      %add3A_342 = arith.addi %mul3A_340, %add3A_341 : i32
      %get3A_343 = arith.index_cast %add3A_342 : i32 to index
      %get3A_344 = arith.constant 0 : index
      %get3A_345 = vector.load %arg5[%get3A_343, %get3A_344] : memref<128x128xi32, #tpu.memory_space<vmem>>, vector<1x128xi32>
      %convert_element_type3A_346 = arith.sitofp %get3A_345 : vector<1x128xi32> to vector<1x128xf32>
      %eq3A_347 = vector.broadcast %convert_element_type3A_346 : vector<1x128xf32> to vector<128x128xf32>
      %eq3A_348 = arith.cmpf oeq, %convert_element_type3A, %eq3A_347 : vector<128x128xf32>
      %jit3A_349 = arith.constant 1.000000e+00 : f32
      %jit3A_350 = arith.constant 0.000000e+00 : f32
      %broadcast_in_dim3A_351 = vector.broadcast %jit3A_349 : f32 to vector<128x128xf32>
      %broadcast_in_dim3A_352 = vector.broadcast %jit3A_350 : f32 to vector<128x128xf32>
      %select_n3A_353 = arith.select %eq3A_348, %broadcast_in_dim3A_351, %broadcast_in_dim3A_352 : vector<128x128xi1>, vector<128x128xf32>
      %get3A_354 = arith.index_cast %add3A_342 : i32 to index
      %get3A_355 = arith.constant 0 : index
      %get3A_356 = vector.load %arg3[%get3A_354, %get3A_355] : memref<128x128xf32, #tpu.memory_space<vmem>>, vector<1x128xf32>
      %dot_general3A_357 = arith.constant dense<0.000000e+00> : vector<1x128xf32>
      %dot_general3A_358 = tpu.matmul %get3A_356, %select_n3A_353, %dot_general3A_357 {dimension_numbers = #tpu.dot_dimension_numbers<[1], [0], [0], [1], [0, 0, 1, 1], [], []>, transpose_lhs_hint = false} : vector<1x128xf32>, vector<128x128xf32>, vector<1x128xf32> -> vector<1x128xf32>
      %get3A_359 = arith.index_cast %add3A_342 : i32 to index
      %get3A_360 = arith.constant 0 : index
      %get3A_361 = vector.load %arg4[%get3A_359, %get3A_360] : memref<128x128xf32, #tpu.memory_space<vmem>>, vector<1x128xf32>
      %dot_general3A_362 = arith.constant dense<0.000000e+00> : vector<1x128xf32>
      %dot_general3A_363 = tpu.matmul %get3A_361, %select_n3A_353, %dot_general3A_362 {dimension_numbers = #tpu.dot_dimension_numbers<[1], [0], [0], [1], [0, 0, 1, 1], [], []>, transpose_lhs_hint = false} : vector<1x128xf32>, vector<128x128xf32>, vector<1x128xf32> -> vector<1x128xf32>
      %dot_general3A_364 = arith.constant dense<0.000000e+00> : vector<1x128xf32>
      %dot_general3A_365 = tpu.matmul %dot_general3A_358, %sub3A, %dot_general3A_364 {dimension_numbers = #tpu.dot_dimension_numbers<[1], [0], [0], [1], [0, 0, 1, 1], [], []>, transpose_lhs_hint = false} : vector<1x128xf32>, vector<128x128xf32>, vector<1x128xf32> -> vector<1x128xf32>
      %dot_general3A_366 = arith.constant dense<0.000000e+00> : vector<1x128xf32>
      %dot_general3A_367 = tpu.matmul %dot_general3A_363, %sub3A, %dot_general3A_366 {dimension_numbers = #tpu.dot_dimension_numbers<[1], [0], [0], [1], [0, 0, 1, 1], [], []>, transpose_lhs_hint = false} : vector<1x128xf32>, vector<128x128xf32>, vector<1x128xf32> -> vector<1x128xf32>
      %mul3A_368 = arith.mulf %dot_general3A_365, %dot_general3A_365 : vector<1x128xf32>
      %mul3A_369 = arith.mulf %dot_general3A_367, %dot_general3A_367 : vector<1x128xf32>
      %add3A_370 = arith.addf %mul3A_368, %mul3A_369 : vector<1x128xf32>
      %sqrt3A_371 = math.sqrt %add3A_370 : vector<1x128xf32>
      %swap3A_372 = arith.index_cast %add3A_342 : i32 to index
      %swap3A_373 = arith.constant 0 : index
      %swap3A_374 = vector.load %arg9[%swap3A_372, %swap3A_373] : memref<128x128xf32, #tpu.memory_space<vmem>>, vector<1x128xf32>
      tpu.vector_store %arg9[%swap3A_372, %swap3A_373], %sqrt3A_371 {strides = array<i32>} : memref<128x128xf32, #tpu.memory_space<vmem>>, vector<1x128xf32>,
      %mul3A_375 = arith.constant 8 : i32
      %mul3A_376 = arith.muli %scan3A_232, %mul3A_375 : i32
      %add3A_377 = arith.constant 4 : i32
      %add3A_378 = arith.addi %mul3A_376, %add3A_377 : i32
      %get3A_379 = arith.index_cast %add3A_378 : i32 to index
      %get3A_380 = arith.constant 0 : index
      %get3A_381 = vector.load %arg5[%get3A_379, %get3A_380] : memref<128x128xi32, #tpu.memory_space<vmem>>, vector<1x128xi32>
      %convert_element_type3A_382 = arith.sitofp %get3A_381 : vector<1x128xi32> to vector<1x128xf32>
      %eq3A_383 = vector.broadcast %convert_element_type3A_382 : vector<1x128xf32> to vector<128x128xf32>
      %eq3A_384 = arith.cmpf oeq, %convert_element_type3A, %eq3A_383 : vector<128x128xf32>
      %jit3A_385 = arith.constant 1.000000e+00 : f32
      %jit3A_386 = arith.constant 0.000000e+00 : f32
      %broadcast_in_dim3A_387 = vector.broadcast %jit3A_385 : f32 to vector<128x128xf32>
      %broadcast_in_dim3A_388 = vector.broadcast %jit3A_386 : f32 to vector<128x128xf32>
      %select_n3A_389 = arith.select %eq3A_384, %broadcast_in_dim3A_387, %broadcast_in_dim3A_388 : vector<128x128xi1>, vector<128x128xf32>
      %get3A_390 = arith.index_cast %add3A_378 : i32 to index
      %get3A_391 = arith.constant 0 : index
      %get3A_392 = vector.load %arg3[%get3A_390, %get3A_391] : memref<128x128xf32, #tpu.memory_space<vmem>>, vector<1x128xf32>
      %dot_general3A_393 = arith.constant dense<0.000000e+00> : vector<1x128xf32>
      %dot_general3A_394 = tpu.matmul %get3A_392, %select_n3A_389, %dot_general3A_393 {dimension_numbers = #tpu.dot_dimension_numbers<[1], [0], [0], [1], [0, 0, 1, 1], [], []>, transpose_lhs_hint = false} : vector<1x128xf32>, vector<128x128xf32>, vector<1x128xf32> -> vector<1x128xf32>
      %get3A_395 = arith.index_cast %add3A_378 : i32 to index
      %get3A_396 = arith.constant 0 : index
      %get3A_397 = vector.load %arg4[%get3A_395, %get3A_396] : memref<128x128xf32, #tpu.memory_space<vmem>>, vector<1x128xf32>
      %dot_general3A_398 = arith.constant dense<0.000000e+00> : vector<1x128xf32>
      %dot_general3A_399 = tpu.matmul %get3A_397, %select_n3A_389, %dot_general3A_398 {dimension_numbers = #tpu.dot_dimension_numbers<[1], [0], [0], [1], [0, 0, 1, 1], [], []>, transpose_lhs_hint = false} : vector<1x128xf32>, vector<128x128xf32>, vector<1x128xf32> -> vector<1x128xf32>
      %dot_general3A_400 = arith.constant dense<0.000000e+00> : vector<1x128xf32>
      %dot_general3A_401 = tpu.matmul %dot_general3A_394, %sub3A, %dot_general3A_400 {dimension_numbers = #tpu.dot_dimension_numbers<[1], [0], [0], [1], [0, 0, 1, 1], [], []>, transpose_lhs_hint = false} : vector<1x128xf32>, vector<128x128xf32>, vector<1x128xf32> -> vector<1x128xf32>
      %dot_general3A_402 = arith.constant dense<0.000000e+00> : vector<1x128xf32>
      %dot_general3A_403 = tpu.matmul %dot_general3A_399, %sub3A, %dot_general3A_402 {dimension_numbers = #tpu.dot_dimension_numbers<[1], [0], [0], [1], [0, 0, 1, 1], [], []>, transpose_lhs_hint = false} : vector<1x128xf32>, vector<128x128xf32>, vector<1x128xf32> -> vector<1x128xf32>
      %mul3A_404 = arith.mulf %dot_general3A_401, %dot_general3A_401 : vector<1x128xf32>
      %mul3A_405 = arith.mulf %dot_general3A_403, %dot_general3A_403 : vector<1x128xf32>
      %add3A_406 = arith.addf %mul3A_404, %mul3A_405 : vector<1x128xf32>
      %sqrt3A_407 = math.sqrt %add3A_406 : vector<1x128xf32>
      %swap3A_408 = arith.index_cast %add3A_378 : i32 to index
      %swap3A_409 = arith.constant 0 : index
      %swap3A_410 = vector.load %arg9[%swap3A_408, %swap3A_409] : memref<128x128xf32, #tpu.memory_space<vmem>>, vector<1x128xf32>
      tpu.vector_store %arg9[%swap3A_408, %swap3A_409], %sqrt3A_407 {strides = array<i32>} : memref<128x128xf32, #tpu.memory_space<vmem>>, vector<1x128xf32>,
      %mul3A_411 = arith.constant 8 : i32
      %mul3A_412 = arith.muli %scan3A_232, %mul3A_411 : i32
      %add3A_413 = arith.constant 5 : i32
      %add3A_414 = arith.addi %mul3A_412, %add3A_413 : i32
      %get3A_415 = arith.index_cast %add3A_414 : i32 to index
      %get3A_416 = arith.constant 0 : index
      %get3A_417 = vector.load %arg5[%get3A_415, %get3A_416] : memref<128x128xi32, #tpu.memory_space<vmem>>, vector<1x128xi32>
      %convert_element_type3A_418 = arith.sitofp %get3A_417 : vector<1x128xi32> to vector<1x128xf32>
      %eq3A_419 = vector.broadcast %convert_element_type3A_418 : vector<1x128xf32> to vector<128x128xf32>
      %eq3A_420 = arith.cmpf oeq, %convert_element_type3A, %eq3A_419 : vector<128x128xf32>
      %jit3A_421 = arith.constant 1.000000e+00 : f32
      %jit3A_422 = arith.constant 0.000000e+00 : f32
      %broadcast_in_dim3A_423 = vector.broadcast %jit3A_421 : f32 to vector<128x128xf32>
      %broadcast_in_dim3A_424 = vector.broadcast %jit3A_422 : f32 to vector<128x128xf32>
      %select_n3A_425 = arith.select %eq3A_420, %broadcast_in_dim3A_423, %broadcast_in_dim3A_424 : vector<128x128xi1>, vector<128x128xf32>
      %get3A_426 = arith.index_cast %add3A_414 : i32 to index
      %get3A_427 = arith.constant 0 : index
      %get3A_428 = vector.load %arg3[%get3A_426, %get3A_427] : memref<128x128xf32, #tpu.memory_space<vmem>>, vector<1x128xf32>
      %dot_general3A_429 = arith.constant dense<0.000000e+00> : vector<1x128xf32>
      %dot_general3A_430 = tpu.matmul %get3A_428, %select_n3A_425, %dot_general3A_429 {dimension_numbers = #tpu.dot_dimension_numbers<[1], [0], [0], [1], [0, 0, 1, 1], [], []>, transpose_lhs_hint = false} : vector<1x128xf32>, vector<128x128xf32>, vector<1x128xf32> -> vector<1x128xf32>
      %get3A_431 = arith.index_cast %add3A_414 : i32 to index
      %get3A_432 = arith.constant 0 : index
      %get3A_433 = vector.load %arg4[%get3A_431, %get3A_432] : memref<128x128xf32, #tpu.memory_space<vmem>>, vector<1x128xf32>
      %dot_general3A_434 = arith.constant dense<0.000000e+00> : vector<1x128xf32>
      %dot_general3A_435 = tpu.matmul %get3A_433, %select_n3A_425, %dot_general3A_434 {dimension_numbers = #tpu.dot_dimension_numbers<[1], [0], [0], [1], [0, 0, 1, 1], [], []>, transpose_lhs_hint = false} : vector<1x128xf32>, vector<128x128xf32>, vector<1x128xf32> -> vector<1x128xf32>
      %dot_general3A_436 = arith.constant dense<0.000000e+00> : vector<1x128xf32>
      %dot_general3A_437 = tpu.matmul %dot_general3A_430, %sub3A, %dot_general3A_436 {dimension_numbers = #tpu.dot_dimension_numbers<[1], [0], [0], [1], [0, 0, 1, 1], [], []>, transpose_lhs_hint = false} : vector<1x128xf32>, vector<128x128xf32>, vector<1x128xf32> -> vector<1x128xf32>
      %dot_general3A_438 = arith.constant dense<0.000000e+00> : vector<1x128xf32>
      %dot_general3A_439 = tpu.matmul %dot_general3A_435, %sub3A, %dot_general3A_438 {dimension_numbers = #tpu.dot_dimension_numbers<[1], [0], [0], [1], [0, 0, 1, 1], [], []>, transpose_lhs_hint = false} : vector<1x128xf32>, vector<128x128xf32>, vector<1x128xf32> -> vector<1x128xf32>
      %mul3A_440 = arith.mulf %dot_general3A_437, %dot_general3A_437 : vector<1x128xf32>
      %mul3A_441 = arith.mulf %dot_general3A_439, %dot_general3A_439 : vector<1x128xf32>
      %add3A_442 = arith.addf %mul3A_440, %mul3A_441 : vector<1x128xf32>
      %sqrt3A_443 = math.sqrt %add3A_442 : vector<1x128xf32>
      %swap3A_444 = arith.index_cast %add3A_414 : i32 to index
      %swap3A_445 = arith.constant 0 : index
      %swap3A_446 = vector.load %arg9[%swap3A_444, %swap3A_445] : memref<128x128xf32, #tpu.memory_space<vmem>>, vector<1x128xf32>
      tpu.vector_store %arg9[%swap3A_444, %swap3A_445], %sqrt3A_443 {strides = array<i32>} : memref<128x128xf32, #tpu.memory_space<vmem>>, vector<1x128xf32>,
      %mul3A_447 = arith.constant 8 : i32
      %mul3A_448 = arith.muli %scan3A_232, %mul3A_447 : i32
      %add3A_449 = arith.constant 6 : i32
      %add3A_450 = arith.addi %mul3A_448, %add3A_449 : i32
      %get3A_451 = arith.index_cast %add3A_450 : i32 to index
      %get3A_452 = arith.constant 0 : index
      %get3A_453 = vector.load %arg5[%get3A_451, %get3A_452] : memref<128x128xi32, #tpu.memory_space<vmem>>, vector<1x128xi32>
      %convert_element_type3A_454 = arith.sitofp %get3A_453 : vector<1x128xi32> to vector<1x128xf32>
      %eq3A_455 = vector.broadcast %convert_element_type3A_454 : vector<1x128xf32> to vector<128x128xf32>
      %eq3A_456 = arith.cmpf oeq, %convert_element_type3A, %eq3A_455 : vector<128x128xf32>
      %jit3A_457 = arith.constant 1.000000e+00 : f32
      %jit3A_458 = arith.constant 0.000000e+00 : f32
      %broadcast_in_dim3A_459 = vector.broadcast %jit3A_457 : f32 to vector<128x128xf32>
      %broadcast_in_dim3A_460 = vector.broadcast %jit3A_458 : f32 to vector<128x128xf32>
      %select_n3A_461 = arith.select %eq3A_456, %broadcast_in_dim3A_459, %broadcast_in_dim3A_460 : vector<128x128xi1>, vector<128x128xf32>
      %get3A_462 = arith.index_cast %add3A_450 : i32 to index
      %get3A_463 = arith.constant 0 : index
      %get3A_464 = vector.load %arg3[%get3A_462, %get3A_463] : memref<128x128xf32, #tpu.memory_space<vmem>>, vector<1x128xf32>
      %dot_general3A_465 = arith.constant dense<0.000000e+00> : vector<1x128xf32>
      %dot_general3A_466 = tpu.matmul %get3A_464, %select_n3A_461, %dot_general3A_465 {dimension_numbers = #tpu.dot_dimension_numbers<[1], [0], [0], [1], [0, 0, 1, 1], [], []>, transpose_lhs_hint = false} : vector<1x128xf32>, vector<128x128xf32>, vector<1x128xf32> -> vector<1x128xf32>
      %get3A_467 = arith.index_cast %add3A_450 : i32 to index
      %get3A_468 = arith.constant 0 : index
      %get3A_469 = vector.load %arg4[%get3A_467, %get3A_468] : memref<128x128xf32, #tpu.memory_space<vmem>>, vector<1x128xf32>
      %dot_general3A_470 = arith.constant dense<0.000000e+00> : vector<1x128xf32>
      %dot_general3A_471 = tpu.matmul %get3A_469, %select_n3A_461, %dot_general3A_470 {dimension_numbers = #tpu.dot_dimension_numbers<[1], [0], [0], [1], [0, 0, 1, 1], [], []>, transpose_lhs_hint = false} : vector<1x128xf32>, vector<128x128xf32>, vector<1x128xf32> -> vector<1x128xf32>
      %dot_general3A_472 = arith.constant dense<0.000000e+00> : vector<1x128xf32>
      %dot_general3A_473 = tpu.matmul %dot_general3A_466, %sub3A, %dot_general3A_472 {dimension_numbers = #tpu.dot_dimension_numbers<[1], [0], [0], [1], [0, 0, 1, 1], [], []>, transpose_lhs_hint = false} : vector<1x128xf32>, vector<128x128xf32>, vector<1x128xf32> -> vector<1x128xf32>
      %dot_general3A_474 = arith.constant dense<0.000000e+00> : vector<1x128xf32>
      %dot_general3A_475 = tpu.matmul %dot_general3A_471, %sub3A, %dot_general3A_474 {dimension_numbers = #tpu.dot_dimension_numbers<[1], [0], [0], [1], [0, 0, 1, 1], [], []>, transpose_lhs_hint = false} : vector<1x128xf32>, vector<128x128xf32>, vector<1x128xf32> -> vector<1x128xf32>
      %mul3A_476 = arith.mulf %dot_general3A_473, %dot_general3A_473 : vector<1x128xf32>
      %mul3A_477 = arith.mulf %dot_general3A_475, %dot_general3A_475 : vector<1x128xf32>
      %add3A_478 = arith.addf %mul3A_476, %mul3A_477 : vector<1x128xf32>
      %sqrt3A_479 = math.sqrt %add3A_478 : vector<1x128xf32>
      %swap3A_480 = arith.index_cast %add3A_450 : i32 to index
      %swap3A_481 = arith.constant 0 : index
      %swap3A_482 = vector.load %arg9[%swap3A_480, %swap3A_481] : memref<128x128xf32, #tpu.memory_space<vmem>>, vector<1x128xf32>
      tpu.vector_store %arg9[%swap3A_480, %swap3A_481], %sqrt3A_479 {strides = array<i32>} : memref<128x128xf32, #tpu.memory_space<vmem>>, vector<1x128xf32>,
      %mul3A_483 = arith.constant 8 : i32
      %mul3A_484 = arith.muli %scan3A_232, %mul3A_483 : i32
      %add3A_485 = arith.constant 7 : i32
      %add3A_486 = arith.addi %mul3A_484, %add3A_485 : i32
      %get3A_487 = arith.index_cast %add3A_486 : i32 to index
      %get3A_488 = arith.constant 0 : index
      %get3A_489 = vector.load %arg5[%get3A_487, %get3A_488] : memref<128x128xi32, #tpu.memory_space<vmem>>, vector<1x128xi32>
      %convert_element_type3A_490 = arith.sitofp %get3A_489 : vector<1x128xi32> to vector<1x128xf32>
      %eq3A_491 = vector.broadcast %convert_element_type3A_490 : vector<1x128xf32> to vector<128x128xf32>
      %eq3A_492 = arith.cmpf oeq, %convert_element_type3A, %eq3A_491 : vector<128x128xf32>
      %jit3A_493 = arith.constant 1.000000e+00 : f32
      %jit3A_494 = arith.constant 0.000000e+00 : f32
      %broadcast_in_dim3A_495 = vector.broadcast %jit3A_493 : f32 to vector<128x128xf32>
      %broadcast_in_dim3A_496 = vector.broadcast %jit3A_494 : f32 to vector<128x128xf32>
      %select_n3A_497 = arith.select %eq3A_492, %broadcast_in_dim3A_495, %broadcast_in_dim3A_496 : vector<128x128xi1>, vector<128x128xf32>
      %get3A_498 = arith.index_cast %add3A_486 : i32 to index
      %get3A_499 = arith.constant 0 : index
      %get3A_500 = vector.load %arg3[%get3A_498, %get3A_499] : memref<128x128xf32, #tpu.memory_space<vmem>>, vector<1x128xf32>
      %dot_general3A_501 = arith.constant dense<0.000000e+00> : vector<1x128xf32>
      %dot_general3A_502 = tpu.matmul %get3A_500, %select_n3A_497, %dot_general3A_501 {dimension_numbers = #tpu.dot_dimension_numbers<[1], [0], [0], [1], [0, 0, 1, 1], [], []>, transpose_lhs_hint = false} : vector<1x128xf32>, vector<128x128xf32>, vector<1x128xf32> -> vector<1x128xf32>
      %get3A_503 = arith.index_cast %add3A_486 : i32 to index
      %get3A_504 = arith.constant 0 : index
      %get3A_505 = vector.load %arg4[%get3A_503, %get3A_504] : memref<128x128xf32, #tpu.memory_space<vmem>>, vector<1x128xf32>
      %dot_general3A_506 = arith.constant dense<0.000000e+00> : vector<1x128xf32>
      %dot_general3A_507 = tpu.matmul %get3A_505, %select_n3A_497, %dot_general3A_506 {dimension_numbers = #tpu.dot_dimension_numbers<[1], [0], [0], [1], [0, 0, 1, 1], [], []>, transpose_lhs_hint = false} : vector<1x128xf32>, vector<128x128xf32>, vector<1x128xf32> -> vector<1x128xf32>
      %dot_general3A_508 = arith.constant dense<0.000000e+00> : vector<1x128xf32>
      %dot_general3A_509 = tpu.matmul %dot_general3A_502, %sub3A, %dot_general3A_508 {dimension_numbers = #tpu.dot_dimension_numbers<[1], [0], [0], [1], [0, 0, 1, 1], [], []>, transpose_lhs_hint = false} : vector<1x128xf32>, vector<128x128xf32>, vector<1x128xf32> -> vector<1x128xf32>
      %dot_general3A_510 = arith.constant dense<0.000000e+00> : vector<1x128xf32>
      %dot_general3A_511 = tpu.matmul %dot_general3A_507, %sub3A, %dot_general3A_510 {dimension_numbers = #tpu.dot_dimension_numbers<[1], [0], [0], [1], [0, 0, 1, 1], [], []>, transpose_lhs_hint = false} : vector<1x128xf32>, vector<128x128xf32>, vector<1x128xf32> -> vector<1x128xf32>
      %mul3A_512 = arith.mulf %dot_general3A_509, %dot_general3A_509 : vector<1x128xf32>
      %mul3A_513 = arith.mulf %dot_general3A_511, %dot_general3A_511 : vector<1x128xf32>
      %add3A_514 = arith.addf %mul3A_512, %mul3A_513 : vector<1x128xf32>
      %sqrt3A_515 = math.sqrt %add3A_514 : vector<1x128xf32>
      %swap3A_516 = arith.index_cast %add3A_486 : i32 to index
      %swap3A_517 = arith.constant 0 : index
      %swap3A_518 = vector.load %arg9[%swap3A_516, %swap3A_517] : memref<128x128xf32, #tpu.memory_space<vmem>>, vector<1x128xf32>
      tpu.vector_store %arg9[%swap3A_516, %swap3A_517], %sqrt3A_515 {strides = array<i32>} : memref<128x128xf32, #tpu.memory_space<vmem>>, vector<1x128xf32>,
    }
    %scan3A_221 = arith.constant 16 : i32
    %get3A_222 = arith.constant 0 : index
    %get3A_223 = arith.constant 0 : index
    %get3A_224 = vector.load %arg9[%get3A_222, %get3A_223] : memref<128x128xf32, #tpu.memory_space<vmem>>, vector<128x128xf32>
    %dot_general3A_225 = arith.constant dense<0.000000e+00> : vector<128x1xf32>
    %dot_general3A_226 = tpu.matmul %get3A_224, %dot_general3A_18, %dot_general3A_225 {dimension_numbers = #tpu.dot_dimension_numbers<[1], [0], [0], [1], [0, 0, 1, 1], [], []>, precision = #tpu.contract_precision<fp32>, transpose_lhs_hint = false} : vector<128x128xf32>, vector<128x1xf32>, vector<128x1xf32> -> vector<128x1xf32>
    %dot_general3A_227 = arith.constant dense<0.000000e+00> : vector<1x128xf32>
    %dot_general3A_228 = tpu.matmul %dot_general3A_226, %select_n3A, %dot_general3A_227 {dimension_numbers = #tpu.dot_dimension_numbers<[0], [0], [1], [1], [0, 1, 1, 1], [], []>, precision = #tpu.contract_precision<fp32>, transpose_lhs_hint = false} : vector<128x1xf32>, vector<128x128xf32>, vector<1x128xf32> -> vector<1x128xf32>
    %swap3A_229 = arith.constant 0 : index
    %swap3A_230 = arith.constant 0 : index
    %swap3A_231 = vector.load %arg6[%swap3A_229, %swap3A_230] : memref<1x128xf32, #tpu.memory_space<vmem>>, vector<1x128xf32>
    tpu.vector_store %arg6[%swap3A_229, %swap3A_230], %dot_general3A_228 {strides = array<i32>} : memref<1x128xf32, #tpu.memory_space<vmem>>, vector<1x128xf32>,
    return
  }
}

</mosaic_0001>

<sc_bundles>
// kernel: kernel.4.cloned.1.call-start
scs
__scs_entry_jumppad:
0x0: {  	(pc) =	sbr.rel $0x88, $3  }
0x1: {  	(tag) =	ssettag $0x0;
	lr =	simm.s32 $0x1  }
0x2: {  	[smem:$0x3F9D] =	sst lr;
	_ =	strace $0xD0000000  }
0x3: {  	_ = 	snop  }
0x4: {  	_ = 	snop  }
0x5: {  	_ = 	snop  }
0x6: {  	_ = 	snop  }
0x7: {  	_ = 	snop  }
__scs_overlays_trampoline_lowered:
0x8: {  	[smem:$0x3FAC] =	sst s0  }
0x9: {  	[smem:$0x3FAD] =	sst s1  }
0xa: {  	[smem:$0x3FAE] =	sst s2  }
0xb: {  	[smem:$0x3FAF] =	sst s3  }
0xc: {  	[smem:$0x3FB0] =	sst s4  }
0xd: {  	[smem:$0x3FB1] =	sst s5  }
0xe: {  	[smem:$0x3FB2] =	sst s6  }
0xf: {  	[smem:$0x3FB3] =	sst s7  }
0x10: {  	[smem:$0x3FB4] =	sst s8  }
0x11: {  	[smem:$0x3FB5] =	sst s9;
	s0 =	simm.s32 @!p0 $0x0  }
0x12: {  	s1 =	sld [smem:$0x3F9B];
	s0 =	simm.s32 @p0 $0x1  }
0x13: {  	[smem:$0x3FB6] =	sst s0;
	s0 =	simm.s32 @!p1 $0x0  }
0x14: {  	s2 =	sld [smem:$0x3F9A];
	s0 =	simm.s32 @p1 $0x1  }
0x15: {  	[smem:$0x3FB7] =	sst s0;
	s0 =	simm.s32 @!p2 $0x0  }
0x16: {  	s3 =	sld [smem:$0x3FDB];
	s0 =	simm.s32 @p2 $0x1  }
0x17: {  	s4 =	simm.s32 $0x1BF5;
	[smem:$0x3FB9] =	sst s0  }
0x18: {  	s0 =	sld [smem:$0x3F9C];
	_ =	swait.ge [sflag:s4], $0x0  }
0x19: {  	s7 =	sld [smem:$0x3F9D]  }
0x1a: {  	s8 =	sadd.s32 $0xFFFFE003, lr  }
0x1b: {  	s9 =	sadd.s32 $0xFFFFFEF7, lr;
	s5 =	simm.s32 $0xFFFFFFFF;
	p2 =	slt.u32 s8, $0xFFFFF086  }
0x1c: {  	p1 =	slt.u32 s9, $0xF7A;
	s5 =	simm.s32 @!p2 $0x0  }
0x1d: {  	s5 =	simm.s32 @p1 $0x1;
	p0 =	seq.s32 s7, s2  }
0x1e: {  	s7 =	smul.u32 @!p0 $0xF7A, s2;
	p2 =	seq.s32 @!p0 s5, $0x0  }
0x1f: {  	s9 =	smul.u32 $0xF7A, s1;
	s8 =	simm.s32 @!p0 $0x1BF5;
	p2 =	por !p2, p0  }
0x20: {  	[sflag:s8] =	ssyncset.s32 @!p0 $0xFFFFF086;
	s6 =	sadd.s32 @!p0 s3, s7;
	s7 =	simm.s32 @!p0 $0x108  }
0x21: {  	s3 =	sadd.s32 s3, s9;
	s6 =	sadd.s32 @!p0 $0x88, s6;
	s7 =	simm.s32 @p2 $0x1082  }
0x22: {  	[simem:s7], [sflag:s8] =	dma.local @!p0 [hbm:s6], $0xF7A  }
0x23: {  	s9 =	sor.u32 $0xD0000000, s2;
	s6 =	simm.s32 $0x108;
	_ =	swait.ge @!p0 [sflag:s8], $0x0  }
0x24: {  	s3 =	sadd.s32 $0x88, s3;
	s6 =	simm.s32 @!p1 $0x1082;
	[sflag:s4] =	ssyncset.s32 $0xFFFFF086  }
0x25: {  	[simem:s6], [sflag:s4] =	dma.local [hbm:s3], $0xF7A  }
0x26: {  	[smem:$0x3F9D] =	sst s1;
	(tag) =	ssettag s2;
	_ =	strace s9  }
0x27: {  	s1 =	sld [smem:$0x3FAD]  }
0x28: {  	s2 =	sld [smem:$0x3FAE]  }
0x29: {  	s4 =	sld [smem:$0x3FB0]  }
0x2a: {  	p0 =	seq.s32 s5, $0x0;
	s5 =	sld [smem:$0x3FB1]  }
0x2b: {  	s6 =	sld [smem:$0x3FB2]  }
0x2c: {  	s7 =	sld [smem:$0x3FB3]  }
0x2d: {  	s3 =	simm.s32 $0x108;
	s8 =	sld [smem:$0x3FB4]  }
0x2e: {  	s3 =	simm.s32 @!p0 $0x1082;
	s9 =	sld [smem:$0x3FB5]  }
0x2f: {  	lr =	sadd.s32 s0, s3;
	s0 =	sld [smem:$0x3FAC]  }
0x30: {  	s3 =	sld [smem:$0x3FAF]  }
0x31: {  	[smem:$0x3FB8] =	sst s10  }
0x32: {  	s10 =	sld [smem:$0x3FB6];
	_ =	sdelay $0x3  }
0x33: {  	p0 =	seq.s32 s10, $0x1;
	s10 =	sld [smem:$0x3FB8];
	_ =	sdelay $0x3  }
0x34: {  	[smem:$0x3FB8] =	sst s10  }
0x35: {  	s10 =	sld [smem:$0x3FB7];
	_ =	sdelay $0x3  }
0x36: {  	p1 =	seq.s32 s10, $0x1;
	s10 =	sld [smem:$0x3FB8];
	_ =	sdelay $0x3  }
0x37: {  	[smem:$0x3FB8] =	sst s10  }
0x38: {  	s10 =	sld [smem:$0x3FB9]  }
0x39: {  	_ = 	snop;
	(pc) =	sbr.ind lr, $3  }
0x3a: {  	_ = 	snop  }
0x3b: {  	_ = 	snop  }
0x3c: {  	p2 =	seq.s32 s10, $0x1;
	s10 =	sld [smem:$0x3FB8]  }
0x3d: {  	_ =	shalt  }
0x3e: {  	_ =	shalt  }
0x3f: {  	_ =	shalt  }
0x40: {  	_ =	shalt  }
0x41: {  	_ =	shalt  }
0x42: {  	_ =	shalt  }
0x43: {  	_ =	shalt  }
0x44: {  	_ =	shalt  }
0x45: {  	_ =	shalt  }
0x46: {  	_ =	shalt  }
0x47: {  	_ =	shalt  }
0x48: {  	_ =	shalt  }
0x49: {  	_ =	shalt  }
0x4a: {  	_ =	shalt  }
0x4b: {  	_ =	shalt  }
0x4c: {  	_ =	shalt  }
0x4d: {  	_ =	shalt  }
0x4e: {  	_ =	shalt  }
0x4f: {  	_ =	shalt  }
0x50: {  	_ =	shalt  }
0x51: {  	_ =	shalt  }
0x52: {  	_ =	shalt  }
0x53: {  	_ =	shalt  }
0x54: {  	_ =	shalt  }
0x55: {  	_ =	shalt  }
0x56: {  	_ =	shalt  }
0x57: {  	_ =	shalt  }
0x58: {  	_ =	shalt  }
0x59: {  	_ =	shalt  }
0x5a: {  	_ =	shalt  }
0x5b: {  	_ =	shalt  }
0x5c: {  	_ =	shalt  }
0x5d: {  	_ =	shalt  }
0x5e: {  	_ =	shalt  }
0x5f: {  	_ =	shalt  }
0x60: {  	_ =	shalt  }
0x61: {  	_ =	shalt  }
0x62: {  	_ =	shalt  }
0x63: {  	_ =	shalt  }
0x64: {  	_ =	shalt  }
0x65: {  	_ =	shalt  }
0x66: {  	_ =	shalt  }
0x67: {  	_ =	shalt  }
0x68: {  	_ =	shalt  }
0x69: {  	_ =	shalt  }
0x6a: {  	_ =	shalt  }
0x6b: {  	_ =	shalt  }
0x6c: {  	_ =	shalt  }
0x6d: {  	_ =	shalt  }
0x6e: {  	_ =	shalt  }
0x6f: {  	_ =	shalt  }
0x70: {  	_ =	shalt  }
0x71: {  	_ =	shalt  }
0x72: {  	_ =	shalt  }
0x73: {  	_ =	shalt  }
0x74: {  	_ =	shalt  }
0x75: {  	_ =	shalt  }
0x76: {  	_ =	shalt  }
0x77: {  	_ =	shalt  }
0x78: {  	_ =	shalt  }
0x79: {  	_ =	shalt  }
0x7a: {  	_ =	shalt  }
0x7b: {  	_ =	shalt  }
0x7c: {  	_ =	shalt  }
0x7d: {  	_ =	shalt  }
0x7e: {  	_ =	shalt  }
0x7f: {  	_ =	shalt  }
0x80: {  	_ =	shalt  }
0x81: {  	_ =	shalt  }
0x82: {  	_ =	shalt  }
0x83: {  	_ =	shalt  }
0x84: {  	_ =	shalt  }
0x85: {  	_ =	shalt  }
0x86: {  	_ =	shalt  }
0x87: {  	_ =	shalt  }
.Lfunc_end0:
.L_simem_size_0:
called_computation_lowered:
.L_overlay_start_0:
0x88: {  	s2 =	sld [smem:$0x3FD9]  }
0x89: {  	s3 =	sld [smem:$0x3FFE];
	_ =	sdelay $0x1  }
0x8a: {  	s1 =	srdreg.scid  }
0x8b: {  	s0 =	sand.u32 $0x1, s1  }
0x8c: {  	s15 =	sshll.u32 s0, $0xA;
	s2 =	sadd.s32 s3, s2  }
0x8d: {  	s2 =	sadd.s32 s2, s15  }
0x8e: {  	[smem:$0x3FC4] =	sst s2  }
0x8f: {  	_ = 	snop  }
0x90: {  	s2 =	sld [smem:$0x3FD0];
	_ =	sdelay $0x2  }
0x91: {  	s4 =	simm.s32 $0xA;
	s5 =	simm.s32 $0x10;
	s16 =	sld [smem:$0x3FC6]  }
0x92: {  	[smem:s5], [sflag:s4] =	dma.local [hbm:s2], $0x1  }
0x93: {  	_ =	swait.eq [sflag:s4], $0x1  }
0x94: {  	[sflag:s4] =	ssyncset.done $0x0  }
0x95: {  	s17 =	sld [smem:$0x10];
	[sflag:s4] =	ssyncadd.s32 $0xFFFFFFFF  }
0x96: {  	s18 =	sld [smem:$0x12];
	(tm) =	ssettm $0x1  }
0x97: {  	s19 =	sld [smem:$0x3FFB];
	_ =	sdelay $0x3  }
0x98: {  	_ =	strace s19  }
0x99: {  	s5 =	sld [smem:$0x3FFC];
	_ =	sdelay $0x3  }
0x9a: {  	_ =	strace s5  }
0x9b: {  	s5 =	sld [smem:$0x3FFD];
	_ =	sdelay $0x3  }
0x9c: {  	_ =	strace s5  }
0x9d: {  	_ =	strace $0x8FFFFFFF  }
0x9e: {  	s20 =	sld [smem:$0x3FDB];
	_ =	sdelay $0x1  }
0x9f: {  	s6 =	simm.s32 $_scs_section_size  }
0xa0: {  	s7 =	simm.s32 $_size__tile_overlayer_lowered;
	s8 =	simm.s32 $_tile_overlayer_lowered  }
0xa1: {  	s23 =	simm.s32 $0x1BFF;
	s22 =	sshll.u32 s8, $0x1;
	s5 =	sadd.s32 s6, s20  }
0xa2: {  	s9 =	simm.s32 $0x0;
	s21 =	sshll.u32 s7, $0x1;
	s7 =	sadd.s32 s22, s5  }
0xa3: {  	[timem:s9], [sflag:s23] =	dma.local [hbm:s7], s21  }
0xa4: {  	_ =	swait.ge [sflag:s23], s21  }
0xa5: {  	s6 =	ssub.s32 $0x0, s21;
	[sflag:s23] =	ssyncset.done $0x0  }
0xa6: {  	[sflag:s23] =	ssyncadd.s32 s6;
	_ =	sdelay $0x1  }
0xa7: {  	s24 =	simm.s32 $0x1B8B  }
0xa8: {  	_ =	swait.ge [sflag:s24], $0x1  }
0xa9: {  	[sflag:s24] =	ssyncset.done $0x0  }
0xaa: {  	s25 =	simm.s32 $0x1B8E;
	[sflag:s24] =	ssyncadd.s32 $0xFFFFFFFF  }
0xab: {  	s26 =	simm.s32 $execute0_lowered;
	[smem:$0x3FD2] =	sst s25  }
0xac: {  	s6 =	sshll.u32 s26, $0x1;
	_ =	strace $0x80000046;
	[dreg:$0x1] =	wrdreg $0xFFFFFFFF  }
0xad: {  	s28 =	simm.s32 $_size_execute0_lowered;
	s5 =	sadd.s32 s5, s6;
	[dreg:$0x0] =	wrdreg $0x0  }
0xae: {  	s6 =	sshll.u32 s28, $0x1;
	[dreg:$0x2] =	wrdreg s5  }
0xaf: {  	[dreg:$0x3] =	wrdreg s6  }
0xb0: {  	[dreg:$0x4] =	wrdreg $0xC0  }
0xb1: {  	_ =	task [dreg:s9], $0x5FFFF  }
0xb2: {  	[dreg:$0x1] =	wrdreg $0xFFFFFFFF  }
0xb3: {  	[dreg:$0x0] =	wrdreg $0x60  }
0xb4: {  	[dreg:$0x2] =	wrdreg s16  }
0xb5: {  	[dreg:$0x3] =	wrdreg s17  }
0xb6: {  	[dreg:$0x4] =	wrdreg s18  }
0xb7: {  	[dreg:$0x5] =	wrdreg $0x9  }
0xb8: {  	_ =	task.clear_ibuf [dreg:s9], $0x6FFFF;
	_ =	strace $0x90000046  }
0xb9: {  	s29 =	simm.s32 $0x9;
	_ =	strace $0x80000048  }
0xba: {  	_ =	swait.ge [sflag:s29], $0x1  }
0xbb: {  	[sflag:s29] =	ssyncadd.s32 $0xFFFFFFFF  }
0xbc: {  	_ =	strace $0x90000048  }
0xbd: {  	_ =	sfence  }
0xbe: {  	s30 =	sld [smem:$0x0];
	_ =	sdelay $0x2  }
0xbf: {  	s31 =	sshll.u32 s1, $0xD;
	s1 =	sshrl.u32 s1, $0x2  }
0xc0: {  	s3 =	sand.u32 $0x4000, s31;
	s1 =	sadd.s32 s1, s30  }
0xc1: {  	s0 =	sor.u32 s3, s0;
	s1 =	sshll.u32 s1, $0x11  }
0xc2: {  	s0 =	sor.u32 s1, s0  }
0xc3: {  	s0 =	sadd.s32 $0x8F2B, s0  }
0xc4: {  	[sflag:s0] =	ssyncadd.remote.s32 $0x1  }
0xc5: {  	_ =	sfence.sel $0xFFFF  }
0xc6: {  	[dreg:$0x0] =	wrdreg $0xFFFFFFFF;
	(pc) =	sbr.abs _section_cstart, $3  }
0xc7: {  	[dreg:$0x1] =	wrdreg $0xFFFFFFFF  }
0xc8: {  	_ =	task.clear_ibuf [dreg:s9], $0x2FFFF;
	_ =	strace $0x9FFFFFFF  }
0xc9: {  	(tm) =	ssettm $0x7FFFFFFF  }
tec
execute0_lowered:
.L_overlay_start_1:
0x0: {  	(tag) =	ssettag $0x1  }
0x1: {  	s3 =	rddreg [dreg:$0x0]  }
0x2: {  	s4 =	rddreg [dreg:$0x1]  }
0x3: {  	s5 =	rddreg [dreg:$0x2];
	s2 =	srdreg.scid  }
0x4: {  	s0 =	rddreg [dreg:$0x3];
	s1 =	stileid.u32;
	s11 =	simm.s32 $0x10000  }
0x5: {  	s12 =	simm.s32 $0x10200;
	s13 =	simm.s32 $0x0;
	s8 =	sand.u32 $0x1, s2  }
0x6: {  	s2 =	simm.s32 $0x0;
	s7 =	sshll.u32 s1, $0x1;
	s31 =	sshll.u32 s1, $0x11  }
0x7: {  	s6 =	ssub.s32 $0x2, s8;
	[smem:$0x7FF] =	sst s2;
	s7 =	sor.u32 s8, s7  }
0x8: {  	s8 =	sshll.u32 s8, $0x10;
	s9 =	sshrl.u32 s6, $0x1;
	_ =	strace $0x80000047  }
0x9: {  	v0 =	vlaneseq.u32;
	s29 =	sshll.u32 s7, $0xD;
	p0 =	seq.s32 s7, $0x0;
	s10 =	sshll.u32 s7, $0x6  }
0xa: {  	v0 =	vmul.u32 $0x80, v0;
	s7 =	sshll.u32 s7, $0xB;
	s8 =	sor.u32 s8, s31;
	s6 =	ssub.s32 s6, s9  }
0xb: {  	s3 =	sadd.s32 s3, s29;
	s9 =	simm.s32 $0x8;
	s4 =	sadd.s32 s4, s10  }
0xc: {  	v1 =	vimm.s32 $0xFFFFFFFF;
	v2 =	vor.u32 $0x800, v0;
	s5 =	sadd.s32 s5, s7;
	s10 =	simm.s32 $0x1;
	s9 =	simm.s32 @!p0 $0x0  }
0xd: {  	v3 =	vor.u32 $0x1000, v0;
	v4 =	vor.u32 $0x1800, v0;
	v5 =	vor.u32 $0x2000, v0;
	s30 =	sshll.u32 s9, $0xB;
	s7 =	sshll.u32 s9, $0xD;
	s9 =	sshll.u32 s9, $0x4  }
0xe: {  	v6 =	vor.u32 $0x2800, v0;
	v7 =	vor.u32 $0x3000, v0;
	v8 =	vor.u32 $0x3800, v0;
	s6 =	smax.u32 s6, $0x1;
	[dreg:$0x4] =	wrdreg s30;
	s9 =	sor.u32 $0x10000, s9  }
.LBB2_1:
0xf: {  	[tilespmem:s2], [sflag:$0x1] =	stream.linear.gather [hbm4b:s3+s2], $0x10000, $0x38;
	[tilespmem:$0x14200] =	vst v63  }
0x10: {  	_ =	swait.ge [sflag:s10], $0x10000  }
0x11: {  	[sflag:s10] =	ssyncset.done $0x0  }
0x12: {  	[sflag:s10] =	ssyncadd.s32 $0xFFFF0000  }
0x13: {  	[tilespmem:s11], [sflag:$0x1] =	stream.linear.gather [hbm4b:s4+s2], $0x200, $0x38;
	[tilespmem:$0x14200] =	vst v63  }
0x14: {  	_ =	swait.ge [sflag:s10], $0x200  }
0x15: {  	[sflag:s10] =	ssyncset.done $0x0  }
0x16: {  	s14 =	simm.s32 $0x0;
	s15 =	simm.s32 $0x200;
	[sflag:s10] =	ssyncadd.s32 $0xFFFFFE00  }
.LBB2_2:
0x17: {  	p0 =	sne.s32 s15, $0xFE00;
	[tilespmem:s14+$0x10270] =	vst v1  }
0x18: {  	[tilespmem:s14+$0x10200] =	vst v1  }
0x19: {  	[tilespmem:s14+$0x10210] =	vst v1  }
.Ltmp0:
0x1a: {  	[tilespmem:s14+$0x10220] =	vst v1;
	(pc) =	sbr.rel @p0 .LBB2_2-.Ltmp0, $4  }
0x1b: {  	[tilespmem:s14+$0x10230] =	vst v1  }
0x1c: {  	[tilespmem:s14+$0x10240] =	vst v1  }
0x1d: {  	[tilespmem:s14+$0x10250] =	vst v1  }
0x1e: {  	[tilespmem:s14+$0x10260] =	vst v1;
	s14 =	sshra.s32 s15, $0x2;
	s15 =	sadd.s32 $0x200, s15  }
0x1f: {  	[tilespmem:s14+$0x10270] =	vst v1  }
0x20: {  	[tilespmem:s14+$0x10200] =	vst v1  }
0x21: {  	[tilespmem:s14+$0x10210] =	vst v1  }
0x22: {  	[tilespmem:s14+$0x10220] =	vst v1  }
0x23: {  	[tilespmem:s14+$0x10230] =	vst v1  }
0x24: {  	[tilespmem:s14+$0x10240] =	vst v1  }
0x25: {  	[tilespmem:s14+$0x10250] =	vst v1  }
0x26: {  	[tilespmem:s14+$0x10260] =	vst v1;
	s14 =	smov.u32 s9;
	s15 =	smov.u32 s8;
	s16 =	smov.u32 s7  }
.LBB2_4:
0x27: {  	s17 =	sshra.s32 s16, $0x2  }
0x28: {  	v9 =	vld [tilespmem:s17+$0x0]  }
0x29: {  	v10 =	vld [tilespmem:s14+$0x0];
	_ =	sdelay $0x3  }
0x2a: {  	s18 =	rddreg [dreg:$0x4];
	v11 =	vadd.s32 v0, v9  }
0x2b: {  	v9 =	vadd.s32 s18, v10  }
0x2c: {  	v9 =	vadd.s32 s15, v9  }
0x2d: {  	v10 =	vbroadcast v9, $0x0;
	_ =	sdelay $0x1  }
0x2e: {  	[tilespmem:v11+s12+$0x0] =	vst.idx.msk $0xffff, v10  }
0x2f: {  	v11 =	vld [tilespmem:s17+$0x10];
	_ =	sdelay $0x4  }
0x30: {  	v11 =	vadd.s32 v2, v11;
	_ =	sdelay $0x4  }
0x31: {  	[tilespmem:v11+s12+$0x0] =	vst.idx.msk $0xffff, v10  }
0x32: {  	v11 =	vld [tilespmem:s17+$0x20];
	_ =	sdelay $0x4  }
0x33: {  	v11 =	vadd.s32 v3, v11;
	_ =	sdelay $0x4  }
0x34: {  	[tilespmem:v11+s12+$0x0] =	vst.idx.msk $0xffff, v10  }
0x35: {  	v11 =	vld [tilespmem:s17+$0x30];
	_ =	sdelay $0x4  }
0x36: {  	v11 =	vadd.s32 v4, v11;
	_ =	sdelay $0x4  }
0x37: {  	[tilespmem:v11+s12+$0x0] =	vst.idx.msk $0xffff, v10  }
0x38: {  	v11 =	vld [tilespmem:s17+$0x40];
	_ =	sdelay $0x4  }
0x39: {  	v11 =	vadd.s32 v5, v11;
	_ =	sdelay $0x4  }
0x3a: {  	[tilespmem:v11+s12+$0x0] =	vst.idx.msk $0xffff, v10  }
0x3b: {  	v11 =	vld [tilespmem:s17+$0x50];
	_ =	sdelay $0x4  }
0x3c: {  	v11 =	vadd.s32 v6, v11;
	_ =	sdelay $0x4  }
0x3d: {  	[tilespmem:v11+s12+$0x0] =	vst.idx.msk $0xffff, v10  }
0x3e: {  	v11 =	vld [tilespmem:s17+$0x60];
	_ =	sdelay $0x4  }
0x3f: {  	v11 =	vadd.s32 v7, v11;
	_ =	sdelay $0x4  }
0x40: {  	[tilespmem:v11+s12+$0x0] =	vst.idx.msk $0xffff, v10  }
0x41: {  	v11 =	vld [tilespmem:s17+$0x70];
	_ =	sdelay $0x2  }
0x42: {  	(v2sf) =	vpush v9, $0x1;
	_ =	sdelay $0x1  }
0x43: {  	v11 =	vadd.s32 v8, v11;
	_ =	sdelay $0x4  }
0x44: {  	[tilespmem:v11+s12+$0x0] =	vst.idx.msk $0xffff, v10  }
0x45: {  	v10 =	vld [tilespmem:s17+$0x80];
	_ =	sdelay $0x4  }
0x46: {  	v10 =	vadd.s32 v0, v10;
	_ =	sdelay $0x1  }
0x47: {  	s29 =	spop (v2sf)  }
0x48: {  	s18 =	sadd.s32 $0x80, s29  }
0x49: {  	v11 =	vmov s18  }
0x4a: {  	[tilespmem:v10+s12+$0x0] =	vst.idx.msk $0xffff, v11  }
0x4b: {  	v10 =	vld [tilespmem:s17+$0x90];
	_ =	sdelay $0x4  }
0x4c: {  	v10 =	vadd.s32 v2, v10;
	_ =	sdelay $0x4  }
0x4d: {  	[tilespmem:v10+s12+$0x0] =	vst.idx.msk $0xffff, v11  }
0x4e: {  	v10 =	vld [tilespmem:s17+$0xA0];
	_ =	sdelay $0x4  }
0x4f: {  	v10 =	vadd.s32 v3, v10;
	_ =	sdelay $0x4  }
0x50: {  	[tilespmem:v10+s12+$0x0] =	vst.idx.msk $0xffff, v11  }
0x51: {  	v10 =	vld [tilespmem:s17+$0xB0];
	_ =	sdelay $0x4  }
0x52: {  	v10 =	vadd.s32 v4, v10;
	_ =	sdelay $0x4  }
0x53: {  	[tilespmem:v10+s12+$0x0] =	vst.idx.msk $0xffff, v11  }
0x54: {  	v10 =	vld [tilespmem:s17+$0xC0];
	_ =	sdelay $0x4  }
0x55: {  	v10 =	vadd.s32 v5, v10;
	_ =	sdelay $0x4  }
0x56: {  	[tilespmem:v10+s12+$0x0] =	vst.idx.msk $0xffff, v11  }
0x57: {  	v10 =	vld [tilespmem:s17+$0xD0];
	_ =	sdelay $0x4  }
0x58: {  	v10 =	vadd.s32 v6, v10;
	_ =	sdelay $0x4  }
0x59: {  	[tilespmem:v10+s12+$0x0] =	vst.idx.msk $0xffff, v11  }
0x5a: {  	v10 =	vld [tilespmem:s17+$0xE0];
	_ =	sdelay $0x4  }
0x5b: {  	v10 =	vadd.s32 v7, v10;
	_ =	sdelay $0x4  }
0x5c: {  	[tilespmem:v10+s12+$0x0] =	vst.idx.msk $0xffff, v11  }
0x5d: {  	v10 =	vld [tilespmem:s17+$0xF0];
	_ =	sdelay $0x2  }
0x5e: {  	(v2sf) =	vpush v9, $0x2;
	_ =	sdelay $0x1  }
0x5f: {  	v10 =	vadd.s32 v8, v10;
	_ =	sdelay $0x4  }
0x60: {  	[tilespmem:v10+s12+$0x0] =	vst.idx.msk $0xffff, v11  }
0x61: {  	v10 =	vld [tilespmem:s17+$0x100];
	_ =	sdelay $0x4  }
0x62: {  	v10 =	vadd.s32 v0, v10;
	_ =	sdelay $0x1  }
0x63: {  	s30 =	spop (v2sf)  }
0x64: {  	s18 =	sadd.s32 $0x100, s30  }
0x65: {  	v11 =	vmov s18  }
0x66: {  	[tilespmem:v10+s12+$0x0] =	vst.idx.msk $0xffff, v11  }
0x67: {  	v10 =	vld [tilespmem:s17+$0x110];
	_ =	sdelay $0x4  }
0x68: {  	v10 =	vadd.s32 v2, v10;
	_ =	sdelay $0x4  }
0x69: {  	[tilespmem:v10+s12+$0x0] =	vst.idx.msk $0xffff, v11  }
0x6a: {  	v10 =	vld [tilespmem:s17+$0x120];
	_ =	sdelay $0x4  }
0x6b: {  	v10 =	vadd.s32 v3, v10;
	_ =	sdelay $0x4  }
0x6c: {  	[tilespmem:v10+s12+$0x0] =	vst.idx.msk $0xffff, v11  }
0x6d: {  	v10 =	vld [tilespmem:s17+$0x130];
	_ =	sdelay $0x4  }
0x6e: {  	v10 =	vadd.s32 v4, v10;
	_ =	sdelay $0x4  }
0x6f: {  	[tilespmem:v10+s12+$0x0] =	vst.idx.msk $0xffff, v11  }
0x70: {  	v10 =	vld [tilespmem:s17+$0x140];
	_ =	sdelay $0x4  }
0x71: {  	v10 =	vadd.s32 v5, v10;
	_ =	sdelay $0x4  }
0x72: {  	[tilespmem:v10+s12+$0x0] =	vst.idx.msk $0xffff, v11  }
0x73: {  	v10 =	vld [tilespmem:s17+$0x150];
	_ =	sdelay $0x4  }
0x74: {  	v10 =	vadd.s32 v6, v10;
	_ =	sdelay $0x4  }
0x75: {  	[tilespmem:v10+s12+$0x0] =	vst.idx.msk $0xffff, v11  }
0x76: {  	v10 =	vld [tilespmem:s17+$0x160];
	_ =	sdelay $0x4  }
0x77: {  	v10 =	vadd.s32 v7, v10;
	_ =	sdelay $0x4  }
0x78: {  	[tilespmem:v10+s12+$0x0] =	vst.idx.msk $0xffff, v11  }
0x79: {  	v10 =	vld [tilespmem:s17+$0x170];
	_ =	sdelay $0x2  }
0x7a: {  	(v2sf) =	vpush v9, $0x3;
	_ =	sdelay $0x1  }
0x7b: {  	v10 =	vadd.s32 v8, v10;
	_ =	sdelay $0x4  }
0x7c: {  	[tilespmem:v10+s12+$0x0] =	vst.idx.msk $0xffff, v11  }
0x7d: {  	v10 =	vld [tilespmem:s17+$0x180];
	_ =	sdelay $0x4  }
0x7e: {  	v10 =	vadd.s32 v0, v10;
	_ =	sdelay $0x1  }
0x7f: {  	s31 =	spop (v2sf)  }
0x80: {  	s18 =	sadd.s32 $0x180, s31  }
0x81: {  	v11 =	vmov s18  }
0x82: {  	[tilespmem:v10+s12+$0x0] =	vst.idx.msk $0xffff, v11  }
0x83: {  	v10 =	vld [tilespmem:s17+$0x190];
	_ =	sdelay $0x4  }
0x84: {  	v10 =	vadd.s32 v2, v10;
	_ =	sdelay $0x4  }
0x85: {  	[tilespmem:v10+s12+$0x0] =	vst.idx.msk $0xffff, v11  }
0x86: {  	v10 =	vld [tilespmem:s17+$0x1A0];
	_ =	sdelay $0x4  }
0x87: {  	v10 =	vadd.s32 v3, v10;
	_ =	sdelay $0x4  }
0x88: {  	[tilespmem:v10+s12+$0x0] =	vst.idx.msk $0xffff, v11  }
0x89: {  	v10 =	vld [tilespmem:s17+$0x1B0];
	_ =	sdelay $0x4  }
0x8a: {  	v10 =	vadd.s32 v4, v10;
	_ =	sdelay $0x4  }
0x8b: {  	[tilespmem:v10+s12+$0x0] =	vst.idx.msk $0xffff, v11  }
0x8c: {  	v10 =	vld [tilespmem:s17+$0x1C0];
	_ =	sdelay $0x4  }
0x8d: {  	v10 =	vadd.s32 v5, v10;
	_ =	sdelay $0x4  }
0x8e: {  	[tilespmem:v10+s12+$0x0] =	vst.idx.msk $0xffff, v11  }
0x8f: {  	v10 =	vld [tilespmem:s17+$0x1D0];
	_ =	sdelay $0x4  }
0x90: {  	v10 =	vadd.s32 v6, v10;
	_ =	sdelay $0x4  }
0x91: {  	[tilespmem:v10+s12+$0x0] =	vst.idx.msk $0xffff, v11  }
0x92: {  	v10 =	vld [tilespmem:s17+$0x1E0];
	_ =	sdelay $0x4  }
0x93: {  	v10 =	vadd.s32 v7, v10;
	_ =	sdelay $0x4  }
0x94: {  	[tilespmem:v10+s12+$0x0] =	vst.idx.msk $0xffff, v11  }
0x95: {  	v10 =	vld [tilespmem:s17+$0x1F0];
	_ =	sdelay $0x2  }
0x96: {  	(v2sf) =	vpush v9, $0x4;
	_ =	sdelay $0x1  }
0x97: {  	v10 =	vadd.s32 v8, v10;
	_ =	sdelay $0x4  }
0x98: {  	[tilespmem:v10+s12+$0x0] =	vst.idx.msk $0xffff, v11  }
0x99: {  	v10 =	vld [tilespmem:s17+$0x200];
	_ =	sdelay $0x4  }
0x9a: {  	v10 =	vadd.s32 v0, v10;
	_ =	sdelay $0x1  }
0x9b: {  	s19 =	spop (v2sf)  }
0x9c: {  	s18 =	sadd.s32 $0x200, s19  }
0x9d: {  	v11 =	vmov s18  }
0x9e: {  	[tilespmem:v10+s12+$0x0] =	vst.idx.msk $0xffff, v11  }
0x9f: {  	v10 =	vld [tilespmem:s17+$0x210];
	_ =	sdelay $0x4  }
0xa0: {  	v10 =	vadd.s32 v2, v10;
	_ =	sdelay $0x4  }
0xa1: {  	[tilespmem:v10+s12+$0x0] =	vst.idx.msk $0xffff, v11  }
0xa2: {  	v10 =	vld [tilespmem:s17+$0x220];
	_ =	sdelay $0x4  }
0xa3: {  	v10 =	vadd.s32 v3, v10;
	_ =	sdelay $0x4  }
0xa4: {  	[tilespmem:v10+s12+$0x0] =	vst.idx.msk $0xffff, v11  }
0xa5: {  	v10 =	vld [tilespmem:s17+$0x230];
	_ =	sdelay $0x4  }
0xa6: {  	v10 =	vadd.s32 v4, v10;
	_ =	sdelay $0x4  }
0xa7: {  	[tilespmem:v10+s12+$0x0] =	vst.idx.msk $0xffff, v11  }
0xa8: {  	v10 =	vld [tilespmem:s17+$0x240];
	_ =	sdelay $0x4  }
0xa9: {  	v10 =	vadd.s32 v5, v10;
	_ =	sdelay $0x4  }
0xaa: {  	[tilespmem:v10+s12+$0x0] =	vst.idx.msk $0xffff, v11  }
0xab: {  	v10 =	vld [tilespmem:s17+$0x250];
	_ =	sdelay $0x4  }
0xac: {  	v10 =	vadd.s32 v6, v10;
	_ =	sdelay $0x4  }
0xad: {  	[tilespmem:v10+s12+$0x0] =	vst.idx.msk $0xffff, v11  }
0xae: {  	v10 =	vld [tilespmem:s17+$0x260];
	_ =	sdelay $0x4  }
0xaf: {  	v10 =	vadd.s32 v7, v10;
	_ =	sdelay $0x4  }
0xb0: {  	[tilespmem:v10+s12+$0x0] =	vst.idx.msk $0xffff, v11  }
0xb1: {  	v10 =	vld [tilespmem:s17+$0x270];
	_ =	sdelay $0x2  }
0xb2: {  	(v2sf) =	vpush v9, $0x5;
	_ =	sdelay $0x1  }
0xb3: {  	v10 =	vadd.s32 v8, v10;
	_ =	sdelay $0x4  }
0xb4: {  	[tilespmem:v10+s12+$0x0] =	vst.idx.msk $0xffff, v11  }
0xb5: {  	v10 =	vld [tilespmem:s17+$0x280];
	_ =	sdelay $0x4  }
0xb6: {  	v10 =	vadd.s32 v0, v10;
	_ =	sdelay $0x1  }
0xb7: {  	s20 =	spop (v2sf)  }
0xb8: {  	s18 =	sadd.s32 $0x280, s20  }
0xb9: {  	v11 =	vmov s18  }
0xba: {  	[tilespmem:v10+s12+$0x0] =	vst.idx.msk $0xffff, v11  }
0xbb: {  	v10 =	vld [tilespmem:s17+$0x290];
	_ =	sdelay $0x4  }
0xbc: {  	v10 =	vadd.s32 v2, v10;
	_ =	sdelay $0x4  }
0xbd: {  	[tilespmem:v10+s12+$0x0] =	vst.idx.msk $0xffff, v11  }
0xbe: {  	v10 =	vld [tilespmem:s17+$0x2A0];
	_ =	sdelay $0x4  }
0xbf: {  	v10 =	vadd.s32 v3, v10;
	_ =	sdelay $0x4  }
0xc0: {  	[tilespmem:v10+s12+$0x0] =	vst.idx.msk $0xffff, v11  }
0xc1: {  	v10 =	vld [tilespmem:s17+$0x2B0];
	_ =	sdelay $0x4  }
0xc2: {  	v10 =	vadd.s32 v4, v10;
	_ =	sdelay $0x4  }
0xc3: {  	[tilespmem:v10+s12+$0x0] =	vst.idx.msk $0xffff, v11  }
0xc4: {  	v10 =	vld [tilespmem:s17+$0x2C0];
	_ =	sdelay $0x4  }
0xc5: {  	v10 =	vadd.s32 v5, v10;
	_ =	sdelay $0x4  }
0xc6: {  	[tilespmem:v10+s12+$0x0] =	vst.idx.msk $0xffff, v11  }
0xc7: {  	v10 =	vld [tilespmem:s17+$0x2D0];
	_ =	sdelay $0x4  }
0xc8: {  	v10 =	vadd.s32 v6, v10;
	_ =	sdelay $0x4  }
0xc9: {  	[tilespmem:v10+s12+$0x0] =	vst.idx.msk $0xffff, v11  }
0xca: {  	v10 =	vld [tilespmem:s17+$0x2E0];
	_ =	sdelay $0x4  }
0xcb: {  	v10 =	vadd.s32 v7, v10;
	_ =	sdelay $0x4  }
0xcc: {  	[tilespmem:v10+s12+$0x0] =	vst.idx.msk $0xffff, v11  }
0xcd: {  	v10 =	vld [tilespmem:s17+$0x2F0];
	_ =	sdelay $0x2  }
0xce: {  	(v2sf) =	vpush v9, $0x6;
	_ =	sdelay $0x1  }
0xcf: {  	v10 =	vadd.s32 v8, v10;
	_ =	sdelay $0x4  }
0xd0: {  	[tilespmem:v10+s12+$0x0] =	vst.idx.msk $0xffff, v11  }
0xd1: {  	v10 =	vld [tilespmem:s17+$0x300];
	_ =	sdelay $0x4  }
0xd2: {  	v10 =	vadd.s32 v0, v10;
	_ =	sdelay $0x1  }
0xd3: {  	s21 =	spop (v2sf)  }
0xd4: {  	s18 =	sadd.s32 $0x300, s21  }
0xd5: {  	v11 =	vmov s18  }
0xd6: {  	[tilespmem:v10+s12+$0x0] =	vst.idx.msk $0xffff, v11  }
0xd7: {  	v10 =	vld [tilespmem:s17+$0x310];
	_ =	sdelay $0x4  }
0xd8: {  	v10 =	vadd.s32 v2, v10;
	_ =	sdelay $0x4  }
0xd9: {  	[tilespmem:v10+s12+$0x0] =	vst.idx.msk $0xffff, v11  }
0xda: {  	v10 =	vld [tilespmem:s17+$0x320];
	_ =	sdelay $0x4  }
0xdb: {  	v10 =	vadd.s32 v3, v10;
	_ =	sdelay $0x4  }
0xdc: {  	[tilespmem:v10+s12+$0x0] =	vst.idx.msk $0xffff, v11  }
0xdd: {  	v10 =	vld [tilespmem:s17+$0x330];
	_ =	sdelay $0x4  }
0xde: {  	v10 =	vadd.s32 v4, v10;
	_ =	sdelay $0x4  }
0xdf: {  	[tilespmem:v10+s12+$0x0] =	vst.idx.msk $0xffff, v11  }
0xe0: {  	v10 =	vld [tilespmem:s17+$0x340];
	_ =	sdelay $0x4  }
0xe1: {  	v10 =	vadd.s32 v5, v10;
	_ =	sdelay $0x4  }
0xe2: {  	[tilespmem:v10+s12+$0x0] =	vst.idx.msk $0xffff, v11  }
0xe3: {  	v10 =	vld [tilespmem:s17+$0x350];
	_ =	sdelay $0x4  }
0xe4: {  	v10 =	vadd.s32 v6, v10;
	_ =	sdelay $0x4  }
0xe5: {  	[tilespmem:v10+s12+$0x0] =	vst.idx.msk $0xffff, v11  }
0xe6: {  	v10 =	vld [tilespmem:s17+$0x360];
	_ =	sdelay $0x4  }
0xe7: {  	v10 =	vadd.s32 v7, v10;
	_ =	sdelay $0x4  }
0xe8: {  	[tilespmem:v10+s12+$0x0] =	vst.idx.msk $0xffff, v11  }
0xe9: {  	v10 =	vld [tilespmem:s17+$0x370];
	_ =	sdelay $0x2  }
0xea: {  	(v2sf) =	vpush v9, $0x7;
	_ =	sdelay $0x1  }
0xeb: {  	v10 =	vadd.s32 v8, v10;
	_ =	sdelay $0x4  }
0xec: {  	[tilespmem:v10+s12+$0x0] =	vst.idx.msk $0xffff, v11  }
0xed: {  	v10 =	vld [tilespmem:s17+$0x380];
	_ =	sdelay $0x4  }
0xee: {  	v10 =	vadd.s32 v0, v10;
	_ =	sdelay $0x1  }
0xef: {  	s22 =	spop (v2sf)  }
0xf0: {  	s18 =	sadd.s32 $0x380, s22  }
0xf1: {  	v11 =	vmov s18  }
0xf2: {  	[tilespmem:v10+s12+$0x0] =	vst.idx.msk $0xffff, v11  }
0xf3: {  	v10 =	vld [tilespmem:s17+$0x390];
	_ =	sdelay $0x4  }
0xf4: {  	v10 =	vadd.s32 v2, v10;
	_ =	sdelay $0x4  }
0xf5: {  	[tilespmem:v10+s12+$0x0] =	vst.idx.msk $0xffff, v11  }
0xf6: {  	v10 =	vld [tilespmem:s17+$0x3A0];
	_ =	sdelay $0x4  }
0xf7: {  	v10 =	vadd.s32 v3, v10;
	_ =	sdelay $0x4  }
0xf8: {  	[tilespmem:v10+s12+$0x0] =	vst.idx.msk $0xffff, v11  }
0xf9: {  	v10 =	vld [tilespmem:s17+$0x3B0];
	_ =	sdelay $0x4  }
0xfa: {  	v10 =	vadd.s32 v4, v10;
	_ =	sdelay $0x4  }
0xfb: {  	[tilespmem:v10+s12+$0x0] =	vst.idx.msk $0xffff, v11  }
0xfc: {  	v10 =	vld [tilespmem:s17+$0x3C0];
	_ =	sdelay $0x4  }
0xfd: {  	v10 =	vadd.s32 v5, v10;
	_ =	sdelay $0x4  }
0xfe: {  	[tilespmem:v10+s12+$0x0] =	vst.idx.msk $0xffff, v11  }
0xff: {  	v10 =	vld [tilespmem:s17+$0x3D0];
	_ =	sdelay $0x4  }
0x100: {  	v10 =	vadd.s32 v6, v10;
	_ =	sdelay $0x4  }
0x101: {  	[tilespmem:v10+s12+$0x0] =	vst.idx.msk $0xffff, v11  }
0x102: {  	v10 =	vld [tilespmem:s17+$0x3E0];
	_ =	sdelay $0x4  }
0x103: {  	v10 =	vadd.s32 v7, v10;
	_ =	sdelay $0x4  }
0x104: {  	[tilespmem:v10+s12+$0x0] =	vst.idx.msk $0xffff, v11  }
0x105: {  	v10 =	vld [tilespmem:s17+$0x3F0];
	_ =	sdelay $0x2  }
0x106: {  	(v2sf) =	vpush v9, $0x8;
	_ =	sdelay $0x1  }
0x107: {  	v10 =	vadd.s32 v8, v10;
	_ =	sdelay $0x4  }
0x108: {  	[tilespmem:v10+s12+$0x0] =	vst.idx.msk $0xffff, v11  }
0x109: {  	v10 =	vld [tilespmem:s17+$0x400];
	_ =	sdelay $0x4  }
0x10a: {  	v10 =	vadd.s32 v0, v10;
	_ =	sdelay $0x1  }
0x10b: {  	s23 =	spop (v2sf)  }
0x10c: {  	s18 =	sadd.s32 $0x400, s23  }
0x10d: {  	v11 =	vmov s18  }
0x10e: {  	[tilespmem:v10+s12+$0x0] =	vst.idx.msk $0xffff, v11  }
0x10f: {  	v10 =	vld [tilespmem:s17+$0x410];
	_ =	sdelay $0x4  }
0x110: {  	v10 =	vadd.s32 v2, v10;
	_ =	sdelay $0x4  }
0x111: {  	[tilespmem:v10+s12+$0x0] =	vst.idx.msk $0xffff, v11  }
0x112: {  	v10 =	vld [tilespmem:s17+$0x420];
	_ =	sdelay $0x4  }
0x113: {  	v10 =	vadd.s32 v3, v10;
	_ =	sdelay $0x4  }
0x114: {  	[tilespmem:v10+s12+$0x0] =	vst.idx.msk $0xffff, v11  }
0x115: {  	v10 =	vld [tilespmem:s17+$0x430];
	_ =	sdelay $0x4  }
0x116: {  	v10 =	vadd.s32 v4, v10;
	_ =	sdelay $0x4  }
0x117: {  	[tilespmem:v10+s12+$0x0] =	vst.idx.msk $0xffff, v11  }
0x118: {  	v10 =	vld [tilespmem:s17+$0x440];
	_ =	sdelay $0x4  }
0x119: {  	v10 =	vadd.s32 v5, v10;
	_ =	sdelay $0x4  }
0x11a: {  	[tilespmem:v10+s12+$0x0] =	vst.idx.msk $0xffff, v11  }
0x11b: {  	v10 =	vld [tilespmem:s17+$0x450];
	_ =	sdelay $0x4  }
0x11c: {  	v10 =	vadd.s32 v6, v10;
	_ =	sdelay $0x4  }
0x11d: {  	[tilespmem:v10+s12+$0x0] =	vst.idx.msk $0xffff, v11  }
0x11e: {  	v10 =	vld [tilespmem:s17+$0x460];
	_ =	sdelay $0x4  }
0x11f: {  	v10 =	vadd.s32 v7, v10;
	_ =	sdelay $0x4  }
0x120: {  	[tilespmem:v10+s12+$0x0] =	vst.idx.msk $0xffff, v11  }
0x121: {  	v10 =	vld [tilespmem:s17+$0x470];
	_ =	sdelay $0x2  }
0x122: {  	(v2sf) =	vpush v9, $0x9;
	_ =	sdelay $0x1  }
0x123: {  	v10 =	vadd.s32 v8, v10;
	_ =	sdelay $0x4  }
0x124: {  	[tilespmem:v10+s12+$0x0] =	vst.idx.msk $0xffff, v11  }
0x125: {  	v10 =	vld [tilespmem:s17+$0x480];
	_ =	sdelay $0x4  }
0x126: {  	v10 =	vadd.s32 v0, v10;
	_ =	sdelay $0x1  }
0x127: {  	s24 =	spop (v2sf)  }
0x128: {  	s18 =	sadd.s32 $0x480, s24  }
0x129: {  	v11 =	vmov s18  }
0x12a: {  	[tilespmem:v10+s12+$0x0] =	vst.idx.msk $0xffff, v11  }
0x12b: {  	v10 =	vld [tilespmem:s17+$0x490];
	_ =	sdelay $0x4  }
0x12c: {  	v10 =	vadd.s32 v2, v10;
	_ =	sdelay $0x4  }
0x12d: {  	[tilespmem:v10+s12+$0x0] =	vst.idx.msk $0xffff, v11  }
0x12e: {  	v10 =	vld [tilespmem:s17+$0x4A0];
	_ =	sdelay $0x4  }
0x12f: {  	v10 =	vadd.s32 v3, v10;
	_ =	sdelay $0x4  }
0x130: {  	[tilespmem:v10+s12+$0x0] =	vst.idx.msk $0xffff, v11  }
0x131: {  	v10 =	vld [tilespmem:s17+$0x4B0];
	_ =	sdelay $0x4  }
0x132: {  	v10 =	vadd.s32 v4, v10;
	_ =	sdelay $0x4  }
0x133: {  	[tilespmem:v10+s12+$0x0] =	vst.idx.msk $0xffff, v11  }
0x134: {  	v10 =	vld [tilespmem:s17+$0x4C0];
	_ =	sdelay $0x4  }
0x135: {  	v10 =	vadd.s32 v5, v10;
	_ =	sdelay $0x4  }
0x136: {  	[tilespmem:v10+s12+$0x0] =	vst.idx.msk $0xffff, v11  }
0x137: {  	v10 =	vld [tilespmem:s17+$0x4D0];
	_ =	sdelay $0x4  }
0x138: {  	v10 =	vadd.s32 v6, v10;
	_ =	sdelay $0x4  }
0x139: {  	[tilespmem:v10+s12+$0x0] =	vst.idx.msk $0xffff, v11  }
0x13a: {  	v10 =	vld [tilespmem:s17+$0x4E0];
	_ =	sdelay $0x4  }
0x13b: {  	v10 =	vadd.s32 v7, v10;
	_ =	sdelay $0x4  }
0x13c: {  	[tilespmem:v10+s12+$0x0] =	vst.idx.msk $0xffff, v11  }
0x13d: {  	v10 =	vld [tilespmem:s17+$0x4F0];
	_ =	sdelay $0x2  }
0x13e: {  	(v2sf) =	vpush v9, $0xA;
	_ =	sdelay $0x1  }
0x13f: {  	v10 =	vadd.s32 v8, v10;
	_ =	sdelay $0x4  }
0x140: {  	[tilespmem:v10+s12+$0x0] =	vst.idx.msk $0xffff, v11  }
0x141: {  	v10 =	vld [tilespmem:s17+$0x500];
	_ =	sdelay $0x4  }
0x142: {  	v10 =	vadd.s32 v0, v10;
	_ =	sdelay $0x1  }
0x143: {  	s25 =	spop (v2sf)  }
0x144: {  	s18 =	sadd.s32 $0x500, s25  }
0x145: {  	v11 =	vmov s18  }
0x146: {  	[tilespmem:v10+s12+$0x0] =	vst.idx.msk $0xffff, v11  }
0x147: {  	v10 =	vld [tilespmem:s17+$0x510];
	_ =	sdelay $0x4  }
0x148: {  	v10 =	vadd.s32 v2, v10;
	_ =	sdelay $0x4  }
0x149: {  	[tilespmem:v10+s12+$0x0] =	vst.idx.msk $0xffff, v11  }
0x14a: {  	v10 =	vld [tilespmem:s17+$0x520];
	_ =	sdelay $0x4  }
0x14b: {  	v10 =	vadd.s32 v3, v10;
	_ =	sdelay $0x4  }
0x14c: {  	[tilespmem:v10+s12+$0x0] =	vst.idx.msk $0xffff, v11  }
0x14d: {  	v10 =	vld [tilespmem:s17+$0x530];
	_ =	sdelay $0x4  }
0x14e: {  	v10 =	vadd.s32 v4, v10;
	_ =	sdelay $0x4  }
0x14f: {  	[tilespmem:v10+s12+$0x0] =	vst.idx.msk $0xffff, v11  }
0x150: {  	v10 =	vld [tilespmem:s17+$0x540];
	_ =	sdelay $0x4  }
0x151: {  	v10 =	vadd.s32 v5, v10;
	_ =	sdelay $0x4  }
0x152: {  	[tilespmem:v10+s12+$0x0] =	vst.idx.msk $0xffff, v11  }
0x153: {  	v10 =	vld [tilespmem:s17+$0x550];
	_ =	sdelay $0x4  }
0x154: {  	v10 =	vadd.s32 v6, v10;
	_ =	sdelay $0x4  }
0x155: {  	[tilespmem:v10+s12+$0x0] =	vst.idx.msk $0xffff, v11  }
0x156: {  	v10 =	vld [tilespmem:s17+$0x560];
	_ =	sdelay $0x4  }
0x157: {  	v10 =	vadd.s32 v7, v10;
	_ =	sdelay $0x4  }
0x158: {  	[tilespmem:v10+s12+$0x0] =	vst.idx.msk $0xffff, v11  }
0x159: {  	v10 =	vld [tilespmem:s17+$0x570];
	_ =	sdelay $0x2  }
0x15a: {  	(v2sf) =	vpush v9, $0xB;
	_ =	sdelay $0x1  }
0x15b: {  	v10 =	vadd.s32 v8, v10;
	_ =	sdelay $0x4  }
0x15c: {  	[tilespmem:v10+s12+$0x0] =	vst.idx.msk $0xffff, v11  }
0x15d: {  	v10 =	vld [tilespmem:s17+$0x580];
	_ =	sdelay $0x4  }
0x15e: {  	v10 =	vadd.s32 v0, v10;
	_ =	sdelay $0x1  }
0x15f: {  	s26 =	spop (v2sf)  }
0x160: {  	s18 =	sadd.s32 $0x580, s26  }
0x161: {  	v11 =	vmov s18  }
0x162: {  	[tilespmem:v10+s12+$0x0] =	vst.idx.msk $0xffff, v11  }
0x163: {  	v10 =	vld [tilespmem:s17+$0x590];
	_ =	sdelay $0x4  }
0x164: {  	v10 =	vadd.s32 v2, v10;
	_ =	sdelay $0x4  }
0x165: {  	[tilespmem:v10+s12+$0x0] =	vst.idx.msk $0xffff, v11  }
0x166: {  	v10 =	vld [tilespmem:s17+$0x5A0];
	_ =	sdelay $0x4  }
0x167: {  	v10 =	vadd.s32 v3, v10;
	_ =	sdelay $0x4  }
0x168: {  	[tilespmem:v10+s12+$0x0] =	vst.idx.msk $0xffff, v11  }
0x169: {  	v10 =	vld [tilespmem:s17+$0x5B0];
	_ =	sdelay $0x4  }
0x16a: {  	v10 =	vadd.s32 v4, v10;
	_ =	sdelay $0x4  }
0x16b: {  	[tilespmem:v10+s12+$0x0] =	vst.idx.msk $0xffff, v11  }
0x16c: {  	v10 =	vld [tilespmem:s17+$0x5C0];
	_ =	sdelay $0x4  }
0x16d: {  	v10 =	vadd.s32 v5, v10;
	_ =	sdelay $0x4  }
0x16e: {  	[tilespmem:v10+s12+$0x0] =	vst.idx.msk $0xffff, v11  }
0x16f: {  	v10 =	vld [tilespmem:s17+$0x5D0];
	_ =	sdelay $0x4  }
0x170: {  	v10 =	vadd.s32 v6, v10;
	_ =	sdelay $0x4  }
0x171: {  	[tilespmem:v10+s12+$0x0] =	vst.idx.msk $0xffff, v11  }
0x172: {  	v10 =	vld [tilespmem:s17+$0x5E0];
	_ =	sdelay $0x4  }
0x173: {  	v10 =	vadd.s32 v7, v10;
	_ =	sdelay $0x4  }
0x174: {  	[tilespmem:v10+s12+$0x0] =	vst.idx.msk $0xffff, v11  }
0x175: {  	v10 =	vld [tilespmem:s17+$0x5F0];
	_ =	sdelay $0x2  }
0x176: {  	(v2sf) =	vpush v9, $0xC;
	_ =	sdelay $0x1  }
0x177: {  	v10 =	vadd.s32 v8, v10;
	_ =	sdelay $0x4  }
0x178: {  	[tilespmem:v10+s12+$0x0] =	vst.idx.msk $0xffff, v11  }
0x179: {  	v10 =	vld [tilespmem:s17+$0x600];
	_ =	sdelay $0x4  }
0x17a: {  	v10 =	vadd.s32 v0, v10;
	_ =	sdelay $0x1  }
0x17b: {  	s28 =	spop (v2sf)  }
0x17c: {  	s18 =	sadd.s32 $0x600, s28  }
0x17d: {  	v11 =	vmov s18  }
0x17e: {  	[tilespmem:v10+s12+$0x0] =	vst.idx.msk $0xffff, v11  }
0x17f: {  	v10 =	vld [tilespmem:s17+$0x610];
	_ =	sdelay $0x4  }
0x180: {  	v10 =	vadd.s32 v2, v10;
	_ =	sdelay $0x4  }
0x181: {  	[tilespmem:v10+s12+$0x0] =	vst.idx.msk $0xffff, v11  }
0x182: {  	v10 =	vld [tilespmem:s17+$0x620];
	_ =	sdelay $0x4  }
0x183: {  	v10 =	vadd.s32 v3, v10;
	_ =	sdelay $0x4  }
0x184: {  	[tilespmem:v10+s12+$0x0] =	vst.idx.msk $0xffff, v11  }
0x185: {  	v10 =	vld [tilespmem:s17+$0x630];
	_ =	sdelay $0x4  }
0x186: {  	v10 =	vadd.s32 v4, v10;
	_ =	sdelay $0x4  }
0x187: {  	[tilespmem:v10+s12+$0x0] =	vst.idx.msk $0xffff, v11  }
0x188: {  	v10 =	vld [tilespmem:s17+$0x640];
	_ =	sdelay $0x4  }
0x189: {  	v10 =	vadd.s32 v5, v10;
	_ =	sdelay $0x4  }
0x18a: {  	[tilespmem:v10+s12+$0x0] =	vst.idx.msk $0xffff, v11  }
0x18b: {  	v10 =	vld [tilespmem:s17+$0x650];
	_ =	sdelay $0x4  }
0x18c: {  	v10 =	vadd.s32 v6, v10;
	_ =	sdelay $0x4  }
0x18d: {  	[tilespmem:v10+s12+$0x0] =	vst.idx.msk $0xffff, v11  }
0x18e: {  	v10 =	vld [tilespmem:s17+$0x660];
	_ =	sdelay $0x4  }
0x18f: {  	v10 =	vadd.s32 v7, v10;
	_ =	sdelay $0x4  }
0x190: {  	[tilespmem:v10+s12+$0x0] =	vst.idx.msk $0xffff, v11  }
0x191: {  	v10 =	vld [tilespmem:s17+$0x670];
	_ =	sdelay $0x2  }
0x192: {  	(v2sf) =	vpush v9, $0xD;
	_ =	sdelay $0x1  }
0x193: {  	v10 =	vadd.s32 v8, v10;
	_ =	sdelay $0x4  }
0x194: {  	[tilespmem:v10+s12+$0x0] =	vst.idx.msk $0xffff, v11  }
0x195: {  	v10 =	vld [tilespmem:s17+$0x680];
	_ =	sdelay $0x4  }
0x196: {  	v10 =	vadd.s32 v0, v10;
	_ =	sdelay $0x1  }
0x197: {  	s29 =	spop (v2sf)  }
0x198: {  	s18 =	sadd.s32 $0x680, s29  }
0x199: {  	v11 =	vmov s18  }
0x19a: {  	[tilespmem:v10+s12+$0x0] =	vst.idx.msk $0xffff, v11  }
0x19b: {  	v10 =	vld [tilespmem:s17+$0x690];
	_ =	sdelay $0x4  }
0x19c: {  	v10 =	vadd.s32 v2, v10;
	_ =	sdelay $0x4  }
0x19d: {  	[tilespmem:v10+s12+$0x0] =	vst.idx.msk $0xffff, v11  }
0x19e: {  	v10 =	vld [tilespmem:s17+$0x6A0];
	_ =	sdelay $0x4  }
0x19f: {  	v10 =	vadd.s32 v3, v10;
	_ =	sdelay $0x4  }
0x1a0: {  	[tilespmem:v10+s12+$0x0] =	vst.idx.msk $0xffff, v11  }
0x1a1: {  	v10 =	vld [tilespmem:s17+$0x6B0];
	_ =	sdelay $0x4  }
0x1a2: {  	v10 =	vadd.s32 v4, v10;
	_ =	sdelay $0x4  }
0x1a3: {  	[tilespmem:v10+s12+$0x0] =	vst.idx.msk $0xffff, v11  }
0x1a4: {  	v10 =	vld [tilespmem:s17+$0x6C0];
	_ =	sdelay $0x4  }
0x1a5: {  	v10 =	vadd.s32 v5, v10;
	_ =	sdelay $0x4  }
0x1a6: {  	[tilespmem:v10+s12+$0x0] =	vst.idx.msk $0xffff, v11  }
0x1a7: {  	v10 =	vld [tilespmem:s17+$0x6D0];
	_ =	sdelay $0x4  }
0x1a8: {  	v10 =	vadd.s32 v6, v10;
	_ =	sdelay $0x4  }
0x1a9: {  	[tilespmem:v10+s12+$0x0] =	vst.idx.msk $0xffff, v11  }
0x1aa: {  	v10 =	vld [tilespmem:s17+$0x6E0];
	_ =	sdelay $0x4  }
0x1ab: {  	v10 =	vadd.s32 v7, v10;
	_ =	sdelay $0x4  }
0x1ac: {  	[tilespmem:v10+s12+$0x0] =	vst.idx.msk $0xffff, v11  }
0x1ad: {  	v10 =	vld [tilespmem:s17+$0x6F0];
	_ =	sdelay $0x2  }
0x1ae: {  	(v2sf) =	vpush v9, $0xE;
	_ =	sdelay $0x1  }
0x1af: {  	v10 =	vadd.s32 v8, v10;
	_ =	sdelay $0x4  }
0x1b0: {  	[tilespmem:v10+s12+$0x0] =	vst.idx.msk $0xffff, v11  }
0x1b1: {  	v10 =	vld [tilespmem:s17+$0x700];
	_ =	sdelay $0x4  }
0x1b2: {  	v10 =	vadd.s32 v0, v10;
	_ =	sdelay $0x1  }
0x1b3: {  	s30 =	spop (v2sf)  }
0x1b4: {  	s18 =	sadd.s32 $0x700, s30  }
0x1b5: {  	v11 =	vmov s18  }
0x1b6: {  	[tilespmem:v10+s12+$0x0] =	vst.idx.msk $0xffff, v11  }
0x1b7: {  	v10 =	vld [tilespmem:s17+$0x710];
	_ =	sdelay $0x4  }
0x1b8: {  	v10 =	vadd.s32 v2, v10;
	_ =	sdelay $0x4  }
0x1b9: {  	[tilespmem:v10+s12+$0x0] =	vst.idx.msk $0xffff, v11  }
0x1ba: {  	v10 =	vld [tilespmem:s17+$0x720];
	_ =	sdelay $0x4  }
0x1bb: {  	v10 =	vadd.s32 v3, v10;
	_ =	sdelay $0x4  }
0x1bc: {  	[tilespmem:v10+s12+$0x0] =	vst.idx.msk $0xffff, v11  }
0x1bd: {  	v10 =	vld [tilespmem:s17+$0x730];
	_ =	sdelay $0x4  }
0x1be: {  	v10 =	vadd.s32 v4, v10;
	_ =	sdelay $0x4  }
0x1bf: {  	[tilespmem:v10+s12+$0x0] =	vst.idx.msk $0xffff, v11  }
0x1c0: {  	v10 =	vld [tilespmem:s17+$0x740];
	_ =	sdelay $0x4  }
0x1c1: {  	v10 =	vadd.s32 v5, v10;
	_ =	sdelay $0x4  }
0x1c2: {  	[tilespmem:v10+s12+$0x0] =	vst.idx.msk $0xffff, v11  }
0x1c3: {  	v10 =	vld [tilespmem:s17+$0x750];
	_ =	sdelay $0x4  }
0x1c4: {  	v10 =	vadd.s32 v6, v10;
	_ =	sdelay $0x4  }
0x1c5: {  	[tilespmem:v10+s12+$0x0] =	vst.idx.msk $0xffff, v11  }
0x1c6: {  	v10 =	vld [tilespmem:s17+$0x760];
	_ =	sdelay $0x4  }
0x1c7: {  	v10 =	vadd.s32 v7, v10;
	_ =	sdelay $0x4  }
0x1c8: {  	[tilespmem:v10+s12+$0x0] =	vst.idx.msk $0xffff, v11  }
0x1c9: {  	v10 =	vld [tilespmem:s17+$0x770];
	_ =	sdelay $0x2  }
0x1ca: {  	(v2sf) =	vpush v9, $0xF;
	_ =	sdelay $0x1  }
0x1cb: {  	v9 =	vadd.s32 v8, v10;
	_ =	sdelay $0x4  }
0x1cc: {  	[tilespmem:v9+s12+$0x0] =	vst.idx.msk $0xffff, v11  }
0x1cd: {  	v9 =	vld [tilespmem:s17+$0x780];
	_ =	sdelay $0x4  }
0x1ce: {  	v9 =	vadd.s32 v0, v9;
	_ =	sdelay $0x1  }
0x1cf: {  	s31 =	spop (v2sf)  }
0x1d0: {  	s18 =	sadd.s32 $0x780, s31  }
0x1d1: {  	v10 =	vmov s18  }
0x1d2: {  	[tilespmem:v9+s12+$0x0] =	vst.idx.msk $0xffff, v10  }
0x1d3: {  	v9 =	vld [tilespmem:s17+$0x790];
	_ =	sdelay $0x4  }
0x1d4: {  	v9 =	vadd.s32 v2, v9;
	_ =	sdelay $0x4  }
0x1d5: {  	[tilespmem:v9+s12+$0x0] =	vst.idx.msk $0xffff, v10  }
0x1d6: {  	v9 =	vld [tilespmem:s17+$0x7A0];
	_ =	sdelay $0x4  }
0x1d7: {  	v9 =	vadd.s32 v3, v9;
	_ =	sdelay $0x4  }
0x1d8: {  	[tilespmem:v9+s12+$0x0] =	vst.idx.msk $0xffff, v10  }
0x1d9: {  	v9 =	vld [tilespmem:s17+$0x7B0];
	_ =	sdelay $0x4  }
0x1da: {  	v9 =	vadd.s32 v4, v9;
	_ =	sdelay $0x4  }
0x1db: {  	[tilespmem:v9+s12+$0x0] =	vst.idx.msk $0xffff, v10  }
0x1dc: {  	v9 =	vld [tilespmem:s17+$0x7C0];
	_ =	sdelay $0x4  }
0x1dd: {  	v9 =	vadd.s32 v5, v9;
	_ =	sdelay $0x4  }
0x1de: {  	[tilespmem:v9+s12+$0x0] =	vst.idx.msk $0xffff, v10  }
0x1df: {  	v9 =	vld [tilespmem:s17+$0x7D0];
	_ =	sdelay $0x4  }
0x1e0: {  	v9 =	vadd.s32 v6, v9;
	_ =	sdelay $0x4  }
0x1e1: {  	[tilespmem:v9+s12+$0x0] =	vst.idx.msk $0xffff, v10  }
0x1e2: {  	v9 =	vld [tilespmem:s17+$0x7E0];
	_ =	sdelay $0x4  }
0x1e3: {  	v9 =	vadd.s32 v7, v9;
	_ =	sdelay $0x4  }
0x1e4: {  	[tilespmem:v9+s12+$0x0] =	vst.idx.msk $0xffff, v10  }
0x1e5: {  	v9 =	vld [tilespmem:s17+$0x7F0];
	_ =	sdelay $0x4  }
0x1e6: {  	p0 =	sne.s32 s16, $0x3E000;
	v9 =	vadd.s32 v8, v9  }
.Ltmp1:
0x1e7: {  	_ = 	snop;
	(pc) =	sbr.rel @p0 .LBB2_4-.Ltmp1, $2  }
0x1e8: {  	_ =	sdelay $0x2  }
0x1e9: {  	s14 =	sadd.s32 $0x10, s14;
	s16 =	sadd.s32 $0x2000, s16;
	s15 =	sadd.s32 $0x800, s15;
	[tilespmem:v9+s12+$0x0] =	vst.idx.msk $0xffff, v10  }
0x1ea: {  	s13 =	sadd.s32 $0x1, s13  }
0x1eb: {  	p0 =	sne.s32 s13, s6  }
.Ltmp2:
0x1ec: {  	_ = 	snop;
	(pc) =	sbr.rel @p0 .LBB2_1-.Ltmp2, $4  }
0x1ed: {  	[hbm4b:s5+s2] =	stream.linear.scatter [tilespmem:s12], [sflag:$0x1], $0x4000, $0x38;
	[tilespmem:$0x14200] =	vst v63  }
0x1ee: {  	_ =	swait.ge [sflag:s10], $0x4000  }
0x1ef: {  	[sflag:s10] =	ssyncset.done $0x0  }
0x1f0: {  	[sflag:s10] =	ssyncadd.s32 $0xFFFFC000  }
0x1f1: {  	_ =	sfence.sel $0x180000  }
0x1f2: {  	[bflag:$0x0] =	sbarrier.arrive $0xFFFF  }
0x1f3: {  	p0 =	sne.s32 s1, $0x0;
	_ =	strace $0x90000047  }
0x1f4: {  	s0 =	sadd.s32 @!p0 $0x100000, s0;
	[bflag:$0x2] =	sbarrier.arrive $0xFFFF  }
0x1f5: {  	[sflag:s0] =	ssyncadd.tile.s32 @!p0 $0x1;
	_ =	shalt  }
.Lfunc_end2:
_tile_overlayer_lowered:
.L_overlay_start_2:
0x1f6: {  	(tag) =	ssettag $0x2  }
0x1f7: {  	s0 =	rddreg [dreg:$0x0];
	s2 =	stileid.u32  }
0x1f8: {  	s1 =	rddreg [dreg:$0x1];
	p0 =	sne.s32 s2, $0x0  }
0x1f9: {  	s3 =	rddreg [dreg:$0x2];
	[bflag:$0x3] =	sbarrier.arrive $0xFFFF;
	s2 =	simm.s32 @!p0 $0x1C01  }
0x1fa: {  	[timem:s3], [sflag:s2] =	dma.local @!p0 [hbm:s0], s1  }
0x1fb: {  	s0 =	simm.s32 @!p0 $0x1  }
0x1fc: {  	_ =	swait.ge @!p0 [sflag:s0], s1  }
0x1fd: {  	s1 =	ssub.s32 @!p0 $0x0, s1;
	[sflag:s0] =	ssyncset.done @!p0 $0x0  }
0x1fe: {  	[sflag:s0] =	ssyncadd.s32 @!p0 s1  }
0x1ff: {  	[bflag:$0x3] =	sbarrier.arrive $0xFFFF  }
0x200: {  	_ =	shalt  }

</sc_bundles>
